<compile_context>
chip_gen: v7x
topology: tpu7x:2x2x1
jax: 0.10.2.dev20260603
libtpu: 0.0.44.dev20260713+nightly
codegen_flags: <defaults>
</compile_context>

<pallas_src>
import functools

import jax
import jax.numpy as jnp
from jax import lax
from jax.experimental import pallas as pl
from jax.experimental.pallas import tpu as pltpu
from jax.experimental.pallas import tpu_sc as plsc

BN_EPS = 1e-5
_CHUNK = 256


def _sc_dual_gather(user_table, movie_table, user_idx, movie_idx):
    B = user_idx.shape[0]
    E = user_table.shape[1]
    info = plsc.get_sparse_core_info()
    NC, NS = info.num_cores, info.num_subcores
    NW = NC * NS
    b_per_w = B // NW
    mesh = plsc.VectorSubcoreMesh(core_axis_name="c", subcore_axis_name="s")
    u3 = user_table.reshape(-1, 8, E)
    m3 = movie_table.reshape(-1, 8, E)

    @functools.partial(
        pl.kernel,
        mesh=mesh,
        out_type=[
            jax.ShapeDtypeStruct((B, E), jnp.float32),
            jax.ShapeDtypeStruct((B, E), jnp.float32),
        ],
        scratch_types=[
            pltpu.VMEM((b_per_w,), jnp.int32),
            pltpu.VMEM((b_per_w,), jnp.int32),
            pltpu.VMEM((_CHUNK, E), jnp.float32),
            pltpu.VMEM((_CHUNK, E), jnp.float32),
            pltpu.SemaphoreType.DMA,
            pltpu.SemaphoreType.DMA,
        ],
    )
    def gather2(u_tab, m_tab, u_idx, m_idx, u_out, m_out,
                uidx_v, midx_v, ubuf, mbuf, usem, msem):
        wid = lax.axis_index("s") * NC + lax.axis_index("c")
        base = wid * b_per_w
        pltpu.sync_copy(u_idx.at[pl.ds(base, b_per_w)], uidx_v)
        pltpu.sync_copy(m_idx.at[pl.ds(base, b_per_w)], midx_v)

        def fire(tab, idx_v, c, buf, sem):
            def body(j, carry):
                vec = idx_v[pl.ds(c * _CHUNK + j * 16, 16)]
                sup = lax.shift_right_logical(vec, 3)
                sub = lax.bitwise_and(vec, 7)
                for l in range(16):
                    pltpu.async_copy(tab.at[sup[l], pl.ds(sub[l], 1)],
                                     buf.at[pl.ds(j * 16 + l, 1)], sem)
                return carry
            lax.fori_loop(0, _CHUNK // 16, body, 0)

        def drain(out_ref, buf, sem):
            pltpu.make_async_copy(out_ref.at[pl.ds(0, _CHUNK)], buf,
                                  sem).wait()

        def copyout(out_ref, c, buf):
            pltpu.sync_copy(buf, out_ref.at[pl.ds(base + c * _CHUNK, _CHUNK)])

        n_rounds = b_per_w // _CHUNK
        fire(u_tab, uidx_v, 0, ubuf, usem)
        fire(m_tab, midx_v, 0, mbuf, msem)
        for r in range(n_rounds):
            drain(u_out, ubuf, usem)
            copyout(u_out, r, ubuf)
            if r + 1 < n_rounds:
                fire(u_tab, uidx_v, r + 1, ubuf, usem)
            drain(m_out, mbuf, msem)
            copyout(m_out, r, mbuf)
            if r + 1 < n_rounds:
                fire(m_tab, midx_v, r + 1, mbuf, msem)

    return gather2(u3, m3, user_idx, movie_idx)


def _mlp_body(u_ref, m_ref, cf_ref, wc_ref, bc_ref,
              w1u_ref, w1m_ref, w1c_ref, b1_ref, g1_ref, be1_ref,
              w2_ref, b2_ref, g2_ref, be2_ref, w3_ref, b3_ref, out_ref):
    inv_std = 1.0 / jnp.sqrt(1.0 + BN_EPS)
    c = jnp.dot(cf_ref[...], wc_ref[...], preferred_element_type=jnp.float32)
    c = c + bc_ref[...]
    h = (jnp.dot(u_ref[...], w1u_ref[...], preferred_element_type=jnp.float32)
         + jnp.dot(m_ref[...], w1m_ref[...], preferred_element_type=jnp.float32)
         + jnp.dot(c, w1c_ref[...], preferred_element_type=jnp.float32)
         + b1_ref[...])
    h = h * (inv_std * g1_ref[...]) + be1_ref[...]
    h = jnp.maximum(h, 0.0)
    h = jnp.dot(h, w2_ref[...], preferred_element_type=jnp.float32) + b2_ref[...]
    h = h * (inv_std * g2_ref[...]) + be2_ref[...]
    h = jnp.maximum(h, 0.0)
    z = jnp.dot(h, w3_ref[...], preferred_element_type=jnp.float32) + b3_ref[...]
    out_ref[...] = 5.0 / (1.0 + jnp.exp(-z))


def _mlp(user_emb, movie_emb, content_features, Wc, bc,
         W1, b1, g1, be1, W2, b2, g2, be2, W3, b3):
    B, E = user_emb.shape
    bm = 2048
    grid = (B // bm,)
    W1u = W1[:E]
    W1m = W1[E:2 * E]
    W1c = W1[2 * E:]
    row = lambda v: v.reshape(1, -1)
    data_spec = lambda cols: pl.BlockSpec((bm, cols), lambda i: (i, 0))
    full = lambda a: pl.BlockSpec(a.shape, lambda i: (0, 0))
    out = pl.pallas_call(
        _mlp_body,
        grid=grid,
        in_specs=[
            data_spec(E), data_spec(E),
            data_spec(content_features.shape[1]),
            full(Wc), full(row(bc)),
            full(W1u), full(W1m), full(W1c),
            full(row(b1)), full(row(g1)), full(row(be1)),
            full(W2), full(row(b2)), full(row(g2)), full(row(be2)),
            full(W3), full(row(b3)),
        ],
        out_specs=pl.BlockSpec((bm, 1), lambda i: (i, 0)),
        out_shape=jax.ShapeDtypeStruct((B, 1), jnp.float32),
    )(user_emb, movie_emb, content_features,
      Wc, row(bc), W1u, W1m, W1c, row(b1), row(g1), row(be1),
      W2, row(b2), row(g2), row(be2), W3, row(b3))
    return out


def kernel(user_idx, movie_idx, content_features, user_table, movie_table,
           Wc, bc, W1, b1, g1, be1, W2, b2, g2, be2, W3, b3):
    user_emb, movie_emb = _sc_dual_gather(user_table, movie_table,
                                          user_idx, movie_idx)
    return _mlp(user_emb, movie_emb, content_features, Wc, bc,
                W1, b1, g1, be1, W2, b2, g2, be2, W3, b3)

# --- scband reference (transcript-rebuilt; emitter-appended) ---
"""Pipeline reference for scband-ncf-70635032150193 (READ-ONLY COPY).

The authoritative reference and input builder live on the scoring server;
editing this copy changes nothing except your own understanding.
"""

import jax, jax.numpy as jnp
import numpy as np

B = 16384
V_USERS = 1000000
V_MOVIES = 1000000
C_DIM = 64
E_DIM = 64
H1 = 256
H2 = 128
BN_EPS = 1e-5


def setup_inputs(seed: int = 0) -> dict:
    key = jax.random.key(seed)
    ks = jax.random.split(key, 12)
    user_idx = jax.random.randint(ks[0], (B,), 0, V_USERS, dtype=jnp.int64 if jax.config.jax_enable_x64 else jnp.int32).astype(jnp.int32)
    movie_idx = jax.random.randint(ks[1], (B,), 0, V_MOVIES, dtype=jnp.int64 if jax.config.jax_enable_x64 else jnp.int32).astype(jnp.int32)
    content_features = jax.random.normal(ks[2], (B, C_DIM), dtype=jnp.float32)
    user_table = jax.random.normal(ks[3], (V_USERS, E_DIM), dtype=jnp.float32) * 0.02
    movie_table = jax.random.normal(ks[4], (V_MOVIES, E_DIM), dtype=jnp.float32) * 0.02
    Wc = jax.random.normal(ks[5], (C_DIM, E_DIM), dtype=jnp.float32) * (1.0 / np.sqrt(C_DIM))
    bc = jnp.zeros((E_DIM,), dtype=jnp.float32)
    W1 = jax.random.normal(ks[6], (3 * E_DIM, H1), dtype=jnp.float32) * (1.0 / np.sqrt(3 * E_DIM))
    b1 = jnp.zeros((H1,), dtype=jnp.float32)
    g1 = jnp.ones((H1,), dtype=jnp.float32)
    be1 = jnp.zeros((H1,), dtype=jnp.float32)
    W2 = jax.random.normal(ks[7], (H1, H2), dtype=jnp.float32) * (1.0 / np.sqrt(H1))
    b2 = jnp.zeros((H2,), dtype=jnp.float32)
    g2 = jnp.ones((H2,), dtype=jnp.float32)
    be2 = jnp.zeros((H2,), dtype=jnp.float32)
    W3 = jax.random.normal(ks[8], (H2, 1), dtype=jnp.float32) * (1.0 / np.sqrt(H2))
    b3 = jnp.zeros((1,), dtype=jnp.float32)
    return {
        'user_idx': user_idx, 'movie_idx': movie_idx, 'content_features': content_features,
        'user_table': user_table, 'movie_table': movie_table,
        'Wc': Wc, 'bc': bc,
        'W1': W1, 'b1': b1, 'g1': g1, 'be1': be1,
        'W2': W2, 'b2': b2, 'g2': g2, 'be2': be2,
        'W3': W3, 'b3': b3,
    }


def reference(user_idx, movie_idx, content_features, user_table, movie_table,
              Wc, bc, W1, b1, g1, be1, W2, b2, g2, be2, W3, b3):
    # Embedding lookups (gather)
    user_emb = jnp.take(user_table, user_idx, axis=0)
    movie_emb = jnp.take(movie_table, movie_idx, axis=0)
    content_emb = content_features @ Wc + bc
    x = jnp.concatenate([user_emb, movie_emb, content_emb], axis=1)
    # MLP block 1: Linear -> BatchNorm1d (eval: running_mean=0, running_var=1) -> ReLU -> Dropout(eval=identity)
    inv_std = 1.0 / jnp.sqrt(1.0 + BN_EPS)
    h = x @ W1 + b1
    h = h * inv_std * g1 + be1
    h = jax.nn.relu(h)
    # MLP block 2
    h = h @ W2 + b2
    h = h * inv_std * g2 + be2
    h = jax.nn.relu(h)
    # Output head
    rating = jax.nn.sigmoid(h @ W3 + b3) * 5.0
    return rating

if __name__ == "__main__":
    import jax
    _d = setup_inputs()
    print(jax.jit(kernel)(*tuple(_d.values())))

</pallas_src>

<mosaic_0001>
#map = affine_map<(d0, d1) -> (0, 0, 0)>
#map1 = affine_map<(d0, d1) -> (0)>
#map2 = affine_map<(d0, d1) -> (0, 0)>
module attributes {stable_mosaic.version = 14 : i64} {
  func.func @gather2(%arg0: i32, %arg1: i32, %arg2: memref<125000x8x64xf32, #tpu.memory_space<hbm>>, %arg3: memref<125000x8x64xf32, #tpu.memory_space<hbm>>, %arg4: memref<16384xi32, #tpu.memory_space<hbm>>, %arg5: memref<16384xi32, #tpu.memory_space<hbm>>, %arg6: memref<16384x64xf32, #tpu.memory_space<hbm>>, %arg7: memref<16384x64xf32, #tpu.memory_space<hbm>>, %arg8: memref<512xi32, #tpu.memory_space<vmem>>, %arg9: memref<512xi32, #tpu.memory_space<vmem>>, %arg10: memref<256x64xf32, #tpu.memory_space<vmem>>, %arg11: memref<256x64xf32, #tpu.memory_space<vmem>>, %arg12: memref<!tpu.dma_semaphore, #tpu.memory_space<semaphore_mem>>, %arg13: memref<!tpu.dma_semaphore, #tpu.memory_space<semaphore_mem>>) attributes {dimension_semantics = [#tpu.dimension_semantics<core_parallel>, #tpu.dimension_semantics<subcore_parallel>], iteration_bounds = array<i64: 2, 16>, scalar_prefetch = 0 : i64, scratch_operands = 6 : i64, tpu.core_type = #tpu.core_type<sc_vector_subcore>, window_params = [{transform_indices = #map}, {transform_indices = #map}, {transform_indices = #map1}, {transform_indices = #map1}, {transform_indices = #map2}, {transform_indices = #map2}]} {
    %mul3A = arith.constant 2 : i32
    %mul3A_0 = arith.muli %arg1, %mul3A : i32
    %add3A = arith.addi %mul3A_0, %arg0 : i32
    %mul3A_1 = arith.constant 512 : i32
    %mul3A_2 = arith.muli %add3A, %mul3A_1 : i32
    "tpu.region"() ({
      %run_scoped3A = tpu.sem_alloc : memref<!tpu.dma_semaphore, #tpu.memory_space<semaphore_mem>>
      %dma_start3A = tpu.memref_slice %arg4[%mul3A_2] : memref<16384xi32, #tpu.memory_space<hbm>> -> memref<512xi32, #tpu.memory_space<hbm>>
      %dma_start3A_57 = tpu.memref_slice %arg4[%mul3A_2] : memref<16384xi32, #tpu.memory_space<hbm>> -> memref<512xi32, #tpu.memory_space<hbm>>
      tpu.enqueue_dma source(%dma_start3A_57 : memref<512xi32, #tpu.memory_space<hbm>>) target(%arg8 : memref<512xi32, #tpu.memory_space<vmem>>) target_semaphore(%run_scoped3A : memref<!tpu.dma_semaphore, #tpu.memory_space<semaphore_mem>>)
      %dma_wait3A_58 = tpu.memref_slice %arg4[%mul3A_2] : memref<16384xi32, #tpu.memory_space<hbm>> -> memref<512xi32, #tpu.memory_space<hbm>>
      %dma_wait3A_59 = tpu.memref_slice %arg4[%mul3A_2] : memref<16384xi32, #tpu.memory_space<hbm>> -> memref<512xi32, #tpu.memory_space<hbm>>
      tpu.wait_dma2 semaphore(%run_scoped3A : memref<!tpu.dma_semaphore, #tpu.memory_space<semaphore_mem>>) src(%dma_wait3A_59 : memref<512xi32, #tpu.memory_space<hbm>>) dst(%arg8 : memref<512xi32, #tpu.memory_space<vmem>>)
      tpu.yield
    }) : () -> ()
    "tpu.region"() ({
      %run_scoped3A = tpu.sem_alloc : memref<!tpu.dma_semaphore, #tpu.memory_space<semaphore_mem>>
      %dma_start3A = tpu.memref_slice %arg5[%mul3A_2] : memref<16384xi32, #tpu.memory_space<hbm>> -> memref<512xi32, #tpu.memory_space<hbm>>
      %dma_start3A_57 = tpu.memref_slice %arg5[%mul3A_2] : memref<16384xi32, #tpu.memory_space<hbm>> -> memref<512xi32, #tpu.memory_space<hbm>>
      tpu.enqueue_dma source(%dma_start3A_57 : memref<512xi32, #tpu.memory_space<hbm>>) target(%arg9 : memref<512xi32, #tpu.memory_space<vmem>>) target_semaphore(%run_scoped3A : memref<!tpu.dma_semaphore, #tpu.memory_space<semaphore_mem>>)
      %dma_wait3A_58 = tpu.memref_slice %arg5[%mul3A_2] : memref<16384xi32, #tpu.memory_space<hbm>> -> memref<512xi32, #tpu.memory_space<hbm>>
      %dma_wait3A_59 = tpu.memref_slice %arg5[%mul3A_2] : memref<16384xi32, #tpu.memory_space<hbm>> -> memref<512xi32, #tpu.memory_space<hbm>>
      tpu.wait_dma2 semaphore(%run_scoped3A : memref<!tpu.dma_semaphore, #tpu.memory_space<semaphore_mem>>) src(%dma_wait3A_59 : memref<512xi32, #tpu.memory_space<hbm>>) dst(%arg9 : memref<512xi32, #tpu.memory_space<vmem>>)
      tpu.yield
    }) : () -> ()
    %scan3A = arith.constant 0 : i32
    %scan3A_3 = arith.constant 0 : i32
    %scan3A_4 = arith.constant 16 : i32
    %scan3A_5 = arith.addi %scan3A_3, %scan3A_4 : i32
    %scan3A_6 = arith.constant 1 : i32
    scf.for %scan3A_57 = %scan3A_3 to %scan3A_5 step %scan3A_6  : i32 {
      %mul3A_58 = arith.constant 16 : i32
      %mul3A_59 = arith.muli %scan3A_57, %mul3A_58 : i32
      %add3A_60 = arith.constant 0 : i32
      %add3A_61 = arith.addi %add3A_60, %mul3A_59 : i32
      %get3A = arith.index_cast %add3A_61 : i32 to index
      %get3A_62 = tpu.vector_load %arg8[%get3A] {strides = array<i32>} : memref<512xi32, #tpu.memory_space<vmem>>, vector<16xi32>,
      %get3A_63 = vector.shape_cast %get3A_62 : vector<16xi32> to vector<16xi32>
      %shift_right_logical3A = arith.constant 3 : i32
      %shift_right_logical3A_64 = vector.broadcast %shift_right_logical3A : i32 to vector<16xi32>
      %shift_right_logical3A_65 = arith.shrui %get3A_63, %shift_right_logical3A_64 : vector<16xi32>
      %and3A = arith.constant 7 : i32
      %and3A_66 = vector.broadcast %and3A : i32 to vector<16xi32>
      %and3A_67 = arith.andi %get3A_63, %and3A_66 : vector<16xi32>
      %slice3A = vector.extract_strided_slice %shift_right_logical3A_65 {offsets = [0], sizes = [1], strides = [1]} : vector<16xi32> to vector<1xi32>
      %squeeze3A = vector.extract %slice3A[0] : i32 from vector<1xi32>
      %slice3A_68 = vector.extract_strided_slice %and3A_67 {offsets = [0], sizes = [1], strides = [1]} : vector<16xi32> to vector<1xi32>
      %squeeze3A_69 = vector.extract %slice3A_68[0] : i32 from vector<1xi32>
      %mul3A_70 = arith.constant 16 : i32
      %mul3A_71 = arith.muli %scan3A_57, %mul3A_70 : i32
      %add3A_72 = arith.constant 0 : i32
      %add3A_73 = arith.addi %mul3A_71, %add3A_72 : i32
      %dma_start3A = arith.constant 0 : i32
      %dma_start3A_74 = tpu.memref_slice %arg10[%add3A_73, %dma_start3A] : memref<256x64xf32, #tpu.memory_space<vmem>> -> memref<1x64xf32, #tpu.memory_space<vmem>>
      %dma_start3A_75 = arith.constant 0 : i32
      %dma_start3A_76 = tpu.memref_slice %arg2[%squeeze3A, %squeeze3A_69, %dma_start3A_75] : memref<125000x8x64xf32, #tpu.memory_space<hbm>> -> memref<1x1x64xf32, #tpu.memory_space<hbm>>
      %dma_start3A_77 = tpu.memref_squeeze %dma_start3A_76 : memref<1x1x64xf32, #tpu.memory_space<hbm>> -> memref<1x64xf32, #tpu.memory_space<hbm>>
      %dma_start3A_78 = arith.constant 0 : i32
      %dma_start3A_79 = tpu.memref_slice %arg10[%add3A_73, %dma_start3A_78] : memref<256x64xf32, #tpu.memory_space<vmem>> -> memref<1x64xf32, #tpu.memory_space<vmem>>
      %dma_start3A_80 = arith.constant 0 : i32
      %dma_start3A_81 = tpu.memref_slice %arg2[%squeeze3A, %squeeze3A_69, %dma_start3A_80] : memref<125000x8x64xf32, #tpu.memory_space<hbm>> -> memref<1x1x64xf32, #tpu.memory_space<hbm>>
      %dma_start3A_82 = tpu.memref_squeeze %dma_start3A_81 : memref<1x1x64xf32, #tpu.memory_space<hbm>> -> memref<1x64xf32, #tpu.memory_space<hbm>>
      tpu.enqueue_dma source(%dma_start3A_82 : memref<1x64xf32, #tpu.memory_space<hbm>>) target(%dma_start3A_79 : memref<1x64xf32, #tpu.memory_space<vmem>>) target_semaphore(%arg12 : memref<!tpu.dma_semaphore, #tpu.memory_space<semaphore_mem>>)
      %slice3A_83 = vector.extract_strided_slice %shift_right_logical3A_65 {offsets = [1], sizes = [1], strides = [1]} : vector<16xi32> to vector<1xi32>
      %squeeze3A_84 = vector.extract %slice3A_83[0] : i32 from vector<1xi32>
      %slice3A_85 = vector.extract_strided_slice %and3A_67 {offsets = [1], sizes = [1], strides = [1]} : vector<16xi32> to vector<1xi32>
      %squeeze3A_86 = vector.extract %slice3A_85[0] : i32 from vector<1xi32>
      %mul3A_87 = arith.constant 16 : i32
      %mul3A_88 = arith.muli %scan3A_57, %mul3A_87 : i32
      %add3A_89 = arith.constant 1 : i32
      %add3A_90 = arith.addi %mul3A_88, %add3A_89 : i32
      %dma_start3A_91 = arith.constant 0 : i32
      %dma_start3A_92 = tpu.memref_slice %arg10[%add3A_90, %dma_start3A_91] : memref<256x64xf32, #tpu.memory_space<vmem>> -> memref<1x64xf32, #tpu.memory_space<vmem>>
      %dma_start3A_93 = arith.constant 0 : i32
      %dma_start3A_94 = tpu.memref_slice %arg2[%squeeze3A_84, %squeeze3A_86, %dma_start3A_93] : memref<125000x8x64xf32, #tpu.memory_space<hbm>> -> memref<1x1x64xf32, #tpu.memory_space<hbm>>
      %dma_start3A_95 = tpu.memref_squeeze %dma_start3A_94 : memref<1x1x64xf32, #tpu.memory_space<hbm>> -> memref<1x64xf32, #tpu.memory_space<hbm>>
      %dma_start3A_96 = arith.constant 0 : i32
      %dma_start3A_97 = tpu.memref_slice %arg10[%add3A_90, %dma_start3A_96] : memref<256x64xf32, #tpu.memory_space<vmem>> -> memref<1x64xf32, #tpu.memory_space<vmem>>
      %dma_start3A_98 = arith.constant 0 : i32
      %dma_start3A_99 = tpu.memref_slice %arg2[%squeeze3A_84, %squeeze3A_86, %dma_start3A_98] : memref<125000x8x64xf32, #tpu.memory_space<hbm>> -> memref<1x1x64xf32, #tpu.memory_space<hbm>>
      %dma_start3A_100 = tpu.memref_squeeze %dma_start3A_99 : memref<1x1x64xf32, #tpu.memory_space<hbm>> -> memref<1x64xf32, #tpu.memory_space<hbm>>
      tpu.enqueue_dma source(%dma_start3A_100 : memref<1x64xf32, #tpu.memory_space<hbm>>) target(%dma_start3A_97 : memref<1x64xf32, #tpu.memory_space<vmem>>) target_semaphore(%arg12 : memref<!tpu.dma_semaphore, #tpu.memory_space<semaphore_mem>>)
      %slice3A_101 = vector.extract_strided_slice %shift_right_logical3A_65 {offsets = [2], sizes = [1], strides = [1]} : vector<16xi32> to vector<1xi32>
      %squeeze3A_102 = vector.extract %slice3A_101[0] : i32 from vector<1xi32>
      %slice3A_103 = vector.extract_strided_slice %and3A_67 {offsets = [2], sizes = [1], strides = [1]} : vector<16xi32> to vector<1xi32>
      %squeeze3A_104 = vector.extract %slice3A_103[0] : i32 from vector<1xi32>
      %mul3A_105 = arith.constant 16 : i32
      %mul3A_106 = arith.muli %scan3A_57, %mul3A_105 : i32
      %add3A_107 = arith.constant 2 : i32
      %add3A_108 = arith.addi %mul3A_106, %add3A_107 : i32
      %dma_start3A_109 = arith.constant 0 : i32
      %dma_start3A_110 = tpu.memref_slice %arg10[%add3A_108, %dma_start3A_109] : memref<256x64xf32, #tpu.memory_space<vmem>> -> memref<1x64xf32, #tpu.memory_space<vmem>>
      %dma_start3A_111 = arith.constant 0 : i32
      %dma_start3A_112 = tpu.memref_slice %arg2[%squeeze3A_102, %squeeze3A_104, %dma_start3A_111] : memref<125000x8x64xf32, #tpu.memory_space<hbm>> -> memref<1x1x64xf32, #tpu.memory_space<hbm>>
      %dma_start3A_113 = tpu.memref_squeeze %dma_start3A_112 : memref<1x1x64xf32, #tpu.memory_space<hbm>> -> memref<1x64xf32, #tpu.memory_space<hbm>>
      %dma_start3A_114 = arith.constant 0 : i32
      %dma_start3A_115 = tpu.memref_slice %arg10[%add3A_108, %dma_start3A_114] : memref<256x64xf32, #tpu.memory_space<vmem>> -> memref<1x64xf32, #tpu.memory_space<vmem>>
      %dma_start3A_116 = arith.constant 0 : i32
      %dma_start3A_117 = tpu.memref_slice %arg2[%squeeze3A_102, %squeeze3A_104, %dma_start3A_116] : memref<125000x8x64xf32, #tpu.memory_space<hbm>> -> memref<1x1x64xf32, #tpu.memory_space<hbm>>
      %dma_start3A_118 = tpu.memref_squeeze %dma_start3A_117 : memref<1x1x64xf32, #tpu.memory_space<hbm>> -> memref<1x64xf32, #tpu.memory_space<hbm>>
      tpu.enqueue_dma source(%dma_start3A_118 : memref<1x64xf32, #tpu.memory_space<hbm>>) target(%dma_start3A_115 : memref<1x64xf32, #tpu.memory_space<vmem>>) target_semaphore(%arg12 : memref<!tpu.dma_semaphore, #tpu.memory_space<semaphore_mem>>)
      %slice3A_119 = vector.extract_strided_slice %shift_right_logical3A_65 {offsets = [3], sizes = [1], strides = [1]} : vector<16xi32> to vector<1xi32>
      %squeeze3A_120 = vector.extract %slice3A_119[0] : i32 from vector<1xi32>
      %slice3A_121 = vector.extract_strided_slice %and3A_67 {offsets = [3], sizes = [1], strides = [1]} : vector<16xi32> to vector<1xi32>
      %squeeze3A_122 = vector.extract %slice3A_121[0] : i32 from vector<1xi32>
      %mul3A_123 = arith.constant 16 : i32
      %mul3A_124 = arith.muli %scan3A_57, %mul3A_123 : i32
      %add3A_125 = arith.constant 3 : i32
      %add3A_126 = arith.addi %mul3A_124, %add3A_125 : i32
      %dma_start3A_127 = arith.constant 0 : i32
      %dma_start3A_128 = tpu.memref_slice %arg10[%add3A_126, %dma_start3A_127] : memref<256x64xf32, #tpu.memory_space<vmem>> -> memref<1x64xf32, #tpu.memory_space<vmem>>
      %dma_start3A_129 = arith.constant 0 : i32
      %dma_start3A_130 = tpu.memref_slice %arg2[%squeeze3A_120, %squeeze3A_122, %dma_start3A_129] : memref<125000x8x64xf32, #tpu.memory_space<hbm>> -> memref<1x1x64xf32, #tpu.memory_space<hbm>>
      %dma_start3A_131 = tpu.memref_squeeze %dma_start3A_130 : memref<1x1x64xf32, #tpu.memory_space<hbm>> -> memref<1x64xf32, #tpu.memory_space<hbm>>
      %dma_start3A_132 = arith.constant 0 : i32
      %dma_start3A_133 = tpu.memref_slice %arg10[%add3A_126, %dma_start3A_132] : memref<256x64xf32, #tpu.memory_space<vmem>> -> memref<1x64xf32, #tpu.memory_space<vmem>>
      %dma_start3A_134 = arith.constant 0 : i32
      %dma_start3A_135 = tpu.memref_slice %arg2[%squeeze3A_120, %squeeze3A_122, %dma_start3A_134] : memref<125000x8x64xf32, #tpu.memory_space<hbm>> -> memref<1x1x64xf32, #tpu.memory_space<hbm>>
      %dma_start3A_136 = tpu.memref_squeeze %dma_start3A_135 : memref<1x1x64xf32, #tpu.memory_space<hbm>> -> memref<1x64xf32, #tpu.memory_space<hbm>>
      tpu.enqueue_dma source(%dma_start3A_136 : memref<1x64xf32, #tpu.memory_space<hbm>>) target(%dma_start3A_133 : memref<1x64xf32, #tpu.memory_space<vmem>>) target_semaphore(%arg12 : memref<!tpu.dma_semaphore, #tpu.memory_space<semaphore_mem>>)
      %slice3A_137 = vector.extract_strided_slice %shift_right_logical3A_65 {offsets = [4], sizes = [1], strides = [1]} : vector<16xi32> to vector<1xi32>
      %squeeze3A_138 = vector.extract %slice3A_137[0] : i32 from vector<1xi32>
      %slice3A_139 = vector.extract_strided_slice %and3A_67 {offsets = [4], sizes = [1], strides = [1]} : vector<16xi32> to vector<1xi32>
      %squeeze3A_140 = vector.extract %slice3A_139[0] : i32 from vector<1xi32>
      %mul3A_141 = arith.constant 16 : i32
      %mul3A_142 = arith.muli %scan3A_57, %mul3A_141 : i32
      %add3A_143 = arith.constant 4 : i32
      %add3A_144 = arith.addi %mul3A_142, %add3A_143 : i32
      %dma_start3A_145 = arith.constant 0 : i32
      %dma_start3A_146 = tpu.memref_slice %arg10[%add3A_144, %dma_start3A_145] : memref<256x64xf32, #tpu.memory_space<vmem>> -> memref<1x64xf32, #tpu.memory_space<vmem>>
      %dma_start3A_147 = arith.constant 0 : i32
      %dma_start3A_148 = tpu.memref_slice %arg2[%squeeze3A_138, %squeeze3A_140, %dma_start3A_147] : memref<125000x8x64xf32, #tpu.memory_space<hbm>> -> memref<1x1x64xf32, #tpu.memory_space<hbm>>
      %dma_start3A_149 = tpu.memref_squeeze %dma_start3A_148 : memref<1x1x64xf32, #tpu.memory_space<hbm>> -> memref<1x64xf32, #tpu.memory_space<hbm>>
      %dma_start3A_150 = arith.constant 0 : i32
      %dma_start3A_151 = tpu.memref_slice %arg10[%add3A_144, %dma_start3A_150] : memref<256x64xf32, #tpu.memory_space<vmem>> -> memref<1x64xf32, #tpu.memory_space<vmem>>
      %dma_start3A_152 = arith.constant 0 : i32
      %dma_start3A_153 = tpu.memref_slice %arg2[%squeeze3A_138, %squeeze3A_140, %dma_start3A_152] : memref<125000x8x64xf32, #tpu.memory_space<hbm>> -> memref<1x1x64xf32, #tpu.memory_space<hbm>>
      %dma_start3A_154 = tpu.memref_squeeze %dma_start3A_153 : memref<1x1x64xf32, #tpu.memory_space<hbm>> -> memref<1x64xf32, #tpu.memory_space<hbm>>
      tpu.enqueue_dma source(%dma_start3A_154 : memref<1x64xf32, #tpu.memory_space<hbm>>) target(%dma_start3A_151 : memref<1x64xf32, #tpu.memory_space<vmem>>) target_semaphore(%arg12 : memref<!tpu.dma_semaphore, #tpu.memory_space<semaphore_mem>>)
      %slice3A_155 = vector.extract_strided_slice %shift_right_logical3A_65 {offsets = [5], sizes = [1], strides = [1]} : vector<16xi32> to vector<1xi32>
      %squeeze3A_156 = vector.extract %slice3A_155[0] : i32 from vector<1xi32>
      %slice3A_157 = vector.extract_strided_slice %and3A_67 {offsets = [5], sizes = [1], strides = [1]} : vector<16xi32> to vector<1xi32>
      %squeeze3A_158 = vector.extract %slice3A_157[0] : i32 from vector<1xi32>
      %mul3A_159 = arith.constant 16 : i32
      %mul3A_160 = arith.muli %scan3A_57, %mul3A_159 : i32
      %add3A_161 = arith.constant 5 : i32
      %add3A_162 = arith.addi %mul3A_160, %add3A_161 : i32
      %dma_start3A_163 = arith.constant 0 : i32
      %dma_start3A_164 = tpu.memref_slice %arg10[%add3A_162, %dma_start3A_163] : memref<256x64xf32, #tpu.memory_space<vmem>> -> memref<1x64xf32, #tpu.memory_space<vmem>>
      %dma_start3A_165 = arith.constant 0 : i32
      %dma_start3A_166 = tpu.memref_slice %arg2[%squeeze3A_156, %squeeze3A_158, %dma_start3A_165] : memref<125000x8x64xf32, #tpu.memory_space<hbm>> -> memref<1x1x64xf32, #tpu.memory_space<hbm>>
      %dma_start3A_167 = tpu.memref_squeeze %dma_start3A_166 : memref<1x1x64xf32, #tpu.memory_space<hbm>> -> memref<1x64xf32, #tpu.memory_space<hbm>>
      %dma_start3A_168 = arith.constant 0 : i32
      %dma_start3A_169 = tpu.memref_slice %arg10[%add3A_162, %dma_start3A_168] : memref<256x64xf32, #tpu.memory_space<vmem>> -> memref<1x64xf32, #tpu.memory_space<vmem>>
      %dma_start3A_170 = arith.constant 0 : i32
      %dma_start3A_171 = tpu.memref_slice %arg2[%squeeze3A_156, %squeeze3A_158, %dma_start3A_170] : memref<125000x8x64xf32, #tpu.memory_space<hbm>> -> memref<1x1x64xf32, #tpu.memory_space<hbm>>
      %dma_start3A_172 = tpu.memref_squeeze %dma_start3A_171 : memref<1x1x64xf32, #tpu.memory_space<hbm>> -> memref<1x64xf32, #tpu.memory_space<hbm>>
      tpu.enqueue_dma source(%dma_start3A_172 : memref<1x64xf32, #tpu.memory_space<hbm>>) target(%dma_start3A_169 : memref<1x64xf32, #tpu.memory_space<vmem>>) target_semaphore(%arg12 : memref<!tpu.dma_semaphore, #tpu.memory_space<semaphore_mem>>)
      %slice3A_173 = vector.extract_strided_slice %shift_right_logical3A_65 {offsets = [6], sizes = [1], strides = [1]} : vector<16xi32> to vector<1xi32>
      %squeeze3A_174 = vector.extract %slice3A_173[0] : i32 from vector<1xi32>
      %slice3A_175 = vector.extract_strided_slice %and3A_67 {offsets = [6], sizes = [1], strides = [1]} : vector<16xi32> to vector<1xi32>
      %squeeze3A_176 = vector.extract %slice3A_175[0] : i32 from vector<1xi32>
      %mul3A_177 = arith.constant 16 : i32
      %mul3A_178 = arith.muli %scan3A_57, %mul3A_177 : i32
      %add3A_179 = arith.constant 6 : i32
      %add3A_180 = arith.addi %mul3A_178, %add3A_179 : i32
      %dma_start3A_181 = arith.constant 0 : i32
      %dma_start3A_182 = tpu.memref_slice %arg10[%add3A_180, %dma_start3A_181] : memref<256x64xf32, #tpu.memory_space<vmem>> -> memref<1x64xf32, #tpu.memory_space<vmem>>
      %dma_start3A_183 = arith.constant 0 : i32
      %dma_start3A_184 = tpu.memref_slice %arg2[%squeeze3A_174, %squeeze3A_176, %dma_start3A_183] : memref<125000x8x64xf32, #tpu.memory_space<hbm>> -> memref<1x1x64xf32, #tpu.memory_space<hbm>>
      %dma_start3A_185 = tpu.memref_squeeze %dma_start3A_184 : memref<1x1x64xf32, #tpu.memory_space<hbm>> -> memref<1x64xf32, #tpu.memory_space<hbm>>
      %dma_start3A_186 = arith.constant 0 : i32
      %dma_start3A_187 = tpu.memref_slice %arg10[%add3A_180, %dma_start3A_186] : memref<256x64xf32, #tpu.memory_space<vmem>> -> memref<1x64xf32, #tpu.memory_space<vmem>>
      %dma_start3A_188 = arith.constant 0 : i32
      %dma_start3A_189 = tpu.memref_slice %arg2[%squeeze3A_174, %squeeze3A_176, %dma_start3A_188] : memref<125000x8x64xf32, #tpu.memory_space<hbm>> -> memref<1x1x64xf32, #tpu.memory_space<hbm>>
      %dma_start3A_190 = tpu.memref_squeeze %dma_start3A_189 : memref<1x1x64xf32, #tpu.memory_space<hbm>> -> memref<1x64xf32, #tpu.memory_space<hbm>>
      tpu.enqueue_dma source(%dma_start3A_190 : memref<1x64xf32, #tpu.memory_space<hbm>>) target(%dma_start3A_187 : memref<1x64xf32, #tpu.memory_space<vmem>>) target_semaphore(%arg12 : memref<!tpu.dma_semaphore, #tpu.memory_space<semaphore_mem>>)
      %slice3A_191 = vector.extract_strided_slice %shift_right_logical3A_65 {offsets = [7], sizes = [1], strides = [1]} : vector<16xi32> to vector<1xi32>
      %squeeze3A_192 = vector.extract %slice3A_191[0] : i32 from vector<1xi32>
      %slice3A_193 = vector.extract_strided_slice %and3A_67 {offsets = [7], sizes = [1], strides = [1]} : vector<16xi32> to vector<1xi32>
      %squeeze3A_194 = vector.extract %slice3A_193[0] : i32 from vector<1xi32>
      %mul3A_195 = arith.constant 16 : i32
      %mul3A_196 = arith.muli %scan3A_57, %mul3A_195 : i32
      %add3A_197 = arith.constant 7 : i32
      %add3A_198 = arith.addi %mul3A_196, %add3A_197 : i32
      %dma_start3A_199 = arith.constant 0 : i32
      %dma_start3A_200 = tpu.memref_slice %arg10[%add3A_198, %dma_start3A_199] : memref<256x64xf32, #tpu.memory_space<vmem>> -> memref<1x64xf32, #tpu.memory_space<vmem>>
      %dma_start3A_201 = arith.constant 0 : i32
      %dma_start3A_202 = tpu.memref_slice %arg2[%squeeze3A_192, %squeeze3A_194, %dma_start3A_201] : memref<125000x8x64xf32, #tpu.memory_space<hbm>> -> memref<1x1x64xf32, #tpu.memory_space<hbm>>
      %dma_start3A_203 = tpu.memref_squeeze %dma_start3A_202 : memref<1x1x64xf32, #tpu.memory_space<hbm>> -> memref<1x64xf32, #tpu.memory_space<hbm>>
      %dma_start3A_204 = arith.constant 0 : i32
      %dma_start3A_205 = tpu.memref_slice %arg10[%add3A_198, %dma_start3A_204] : memref<256x64xf32, #tpu.memory_space<vmem>> -> memref<1x64xf32, #tpu.memory_space<vmem>>
      %dma_start3A_206 = arith.constant 0 : i32
      %dma_start3A_207 = tpu.memref_slice %arg2[%squeeze3A_192, %squeeze3A_194, %dma_start3A_206] : memref<125000x8x64xf32, #tpu.memory_space<hbm>> -> memref<1x1x64xf32, #tpu.memory_space<hbm>>
      %dma_start3A_208 = tpu.memref_squeeze %dma_start3A_207 : memref<1x1x64xf32, #tpu.memory_space<hbm>> -> memref<1x64xf32, #tpu.memory_space<hbm>>
      tpu.enqueue_dma source(%dma_start3A_208 : memref<1x64xf32, #tpu.memory_space<hbm>>) target(%dma_start3A_205 : memref<1x64xf32, #tpu.memory_space<vmem>>) target_semaphore(%arg12 : memref<!tpu.dma_semaphore, #tpu.memory_space<semaphore_mem>>)
      %slice3A_209 = vector.extract_strided_slice %shift_right_logical3A_65 {offsets = [8], sizes = [1], strides = [1]} : vector<16xi32> to vector<1xi32>
      %squeeze3A_210 = vector.extract %slice3A_209[0] : i32 from vector<1xi32>
      %slice3A_211 = vector.extract_strided_slice %and3A_67 {offsets = [8], sizes = [1], strides = [1]} : vector<16xi32> to vector<1xi32>
      %squeeze3A_212 = vector.extract %slice3A_211[0] : i32 from vector<1xi32>
      %mul3A_213 = arith.constant 16 : i32
      %mul3A_214 = arith.muli %scan3A_57, %mul3A_213 : i32
      %add3A_215 = arith.constant 8 : i32
      %add3A_216 = arith.addi %mul3A_214, %add3A_215 : i32
      %dma_start3A_217 = arith.constant 0 : i32
      %dma_start3A_218 = tpu.memref_slice %arg10[%add3A_216, %dma_start3A_217] : memref<256x64xf32, #tpu.memory_space<vmem>> -> memref<1x64xf32, #tpu.memory_space<vmem>>
      %dma_start3A_219 = arith.constant 0 : i32
      %dma_start3A_220 = tpu.memref_slice %arg2[%squeeze3A_210, %squeeze3A_212, %dma_start3A_219] : memref<125000x8x64xf32, #tpu.memory_space<hbm>> -> memref<1x1x64xf32, #tpu.memory_space<hbm>>
      %dma_start3A_221 = tpu.memref_squeeze %dma_start3A_220 : memref<1x1x64xf32, #tpu.memory_space<hbm>> -> memref<1x64xf32, #tpu.memory_space<hbm>>
      %dma_start3A_222 = arith.constant 0 : i32
      %dma_start3A_223 = tpu.memref_slice %arg10[%add3A_216, %dma_start3A_222] : memref<256x64xf32, #tpu.memory_space<vmem>> -> memref<1x64xf32, #tpu.memory_space<vmem>>
      %dma_start3A_224 = arith.constant 0 : i32
      %dma_start3A_225 = tpu.memref_slice %arg2[%squeeze3A_210, %squeeze3A_212, %dma_start3A_224] : memref<125000x8x64xf32, #tpu.memory_space<hbm>> -> memref<1x1x64xf32, #tpu.memory_space<hbm>>
      %dma_start3A_226 = tpu.memref_squeeze %dma_start3A_225 : memref<1x1x64xf32, #tpu.memory_space<hbm>> -> memref<1x64xf32, #tpu.memory_space<hbm>>
      tpu.enqueue_dma source(%dma_start3A_226 : memref<1x64xf32, #tpu.memory_space<hbm>>) target(%dma_start3A_223 : memref<1x64xf32, #tpu.memory_space<vmem>>) target_semaphore(%arg12 : memref<!tpu.dma_semaphore, #tpu.memory_space<semaphore_mem>>)
      %slice3A_227 = vector.extract_strided_slice %shift_right_logical3A_65 {offsets = [9], sizes = [1], strides = [1]} : vector<16xi32> to vector<1xi32>
      %squeeze3A_228 = vector.extract %slice3A_227[0] : i32 from vector<1xi32>
      %slice3A_229 = vector.extract_strided_slice %and3A_67 {offsets = [9], sizes = [1], strides = [1]} : vector<16xi32> to vector<1xi32>
      %squeeze3A_230 = vector.extract %slice3A_229[0] : i32 from vector<1xi32>
      %mul3A_231 = arith.constant 16 : i32
      %mul3A_232 = arith.muli %scan3A_57, %mul3A_231 : i32
      %add3A_233 = arith.constant 9 : i32
      %add3A_234 = arith.addi %mul3A_232, %add3A_233 : i32
      %dma_start3A_235 = arith.constant 0 : i32
      %dma_start3A_236 = tpu.memref_slice %arg10[%add3A_234, %dma_start3A_235] : memref<256x64xf32, #tpu.memory_space<vmem>> -> memref<1x64xf32, #tpu.memory_space<vmem>>
      %dma_start3A_237 = arith.constant 0 : i32
      %dma_start3A_238 = tpu.memref_slice %arg2[%squeeze3A_228, %squeeze3A_230, %dma_start3A_237] : memref<125000x8x64xf32, #tpu.memory_space<hbm>> -> memref<1x1x64xf32, #tpu.memory_space<hbm>>
      %dma_start3A_239 = tpu.memref_squeeze %dma_start3A_238 : memref<1x1x64xf32, #tpu.memory_space<hbm>> -> memref<1x64xf32, #tpu.memory_space<hbm>>
      %dma_start3A_240 = arith.constant 0 : i32
      %dma_start3A_241 = tpu.memref_slice %arg10[%add3A_234, %dma_start3A_240] : memref<256x64xf32, #tpu.memory_space<vmem>> -> memref<1x64xf32, #tpu.memory_space<vmem>>
      %dma_start3A_242 = arith.constant 0 : i32
      %dma_start3A_243 = tpu.memref_slice %arg2[%squeeze3A_228, %squeeze3A_230, %dma_start3A_242] : memref<125000x8x64xf32, #tpu.memory_space<hbm>> -> memref<1x1x64xf32, #tpu.memory_space<hbm>>
      %dma_start3A_244 = tpu.memref_squeeze %dma_start3A_243 : memref<1x1x64xf32, #tpu.memory_space<hbm>> -> memref<1x64xf32, #tpu.memory_space<hbm>>
      tpu.enqueue_dma source(%dma_start3A_244 : memref<1x64xf32, #tpu.memory_space<hbm>>) target(%dma_start3A_241 : memref<1x64xf32, #tpu.memory_space<vmem>>) target_semaphore(%arg12 : memref<!tpu.dma_semaphore, #tpu.memory_space<semaphore_mem>>)
      %slice3A_245 = vector.extract_strided_slice %shift_right_logical3A_65 {offsets = [10], sizes = [1], strides = [1]} : vector<16xi32> to vector<1xi32>
      %squeeze3A_246 = vector.extract %slice3A_245[0] : i32 from vector<1xi32>
      %slice3A_247 = vector.extract_strided_slice %and3A_67 {offsets = [10], sizes = [1], strides = [1]} : vector<16xi32> to vector<1xi32>
      %squeeze3A_248 = vector.extract %slice3A_247[0] : i32 from vector<1xi32>
      %mul3A_249 = arith.constant 16 : i32
      %mul3A_250 = arith.muli %scan3A_57, %mul3A_249 : i32
      %add3A_251 = arith.constant 10 : i32
      %add3A_252 = arith.addi %mul3A_250, %add3A_251 : i32
      %dma_start3A_253 = arith.constant 0 : i32
      %dma_start3A_254 = tpu.memref_slice %arg10[%add3A_252, %dma_start3A_253] : memref<256x64xf32, #tpu.memory_space<vmem>> -> memref<1x64xf32, #tpu.memory_space<vmem>>
      %dma_start3A_255 = arith.constant 0 : i32
      %dma_start3A_256 = tpu.memref_slice %arg2[%squeeze3A_246, %squeeze3A_248, %dma_start3A_255] : memref<125000x8x64xf32, #tpu.memory_space<hbm>> -> memref<1x1x64xf32, #tpu.memory_space<hbm>>
      %dma_start3A_257 = tpu.memref_squeeze %dma_start3A_256 : memref<1x1x64xf32, #tpu.memory_space<hbm>> -> memref<1x64xf32, #tpu.memory_space<hbm>>
      %dma_start3A_258 = arith.constant 0 : i32
      %dma_start3A_259 = tpu.memref_slice %arg10[%add3A_252, %dma_start3A_258] : memref<256x64xf32, #tpu.memory_space<vmem>> -> memref<1x64xf32, #tpu.memory_space<vmem>>
      %dma_start3A_260 = arith.constant 0 : i32
      %dma_start3A_261 = tpu.memref_slice %arg2[%squeeze3A_246, %squeeze3A_248, %dma_start3A_260] : memref<125000x8x64xf32, #tpu.memory_space<hbm>> -> memref<1x1x64xf32, #tpu.memory_space<hbm>>
      %dma_start3A_262 = tpu.memref_squeeze %dma_start3A_261 : memref<1x1x64xf32, #tpu.memory_space<hbm>> -> memref<1x64xf32, #tpu.memory_space<hbm>>
      tpu.enqueue_dma source(%dma_start3A_262 : memref<1x64xf32, #tpu.memory_space<hbm>>) target(%dma_start3A_259 : memref<1x64xf32, #tpu.memory_space<vmem>>) target_semaphore(%arg12 : memref<!tpu.dma_semaphore, #tpu.memory_space<semaphore_mem>>)
      %slice3A_263 = vector.extract_strided_slice %shift_right_logical3A_65 {offsets = [11], sizes = [1], strides = [1]} : vector<16xi32> to vector<1xi32>
      %squeeze3A_264 = vector.extract %slice3A_263[0] : i32 from vector<1xi32>
      %slice3A_265 = vector.extract_strided_slice %and3A_67 {offsets = [11], sizes = [1], strides = [1]} : vector<16xi32> to vector<1xi32>
      %squeeze3A_266 = vector.extract %slice3A_265[0] : i32 from vector<1xi32>
      %mul3A_267 = arith.constant 16 : i32
      %mul3A_268 = arith.muli %scan3A_57, %mul3A_267 : i32
      %add3A_269 = arith.constant 11 : i32
      %add3A_270 = arith.addi %mul3A_268, %add3A_269 : i32
      %dma_start3A_271 = arith.constant 0 : i32
      %dma_start3A_272 = tpu.memref_slice %arg10[%add3A_270, %dma_start3A_271] : memref<256x64xf32, #tpu.memory_space<vmem>> -> memref<1x64xf32, #tpu.memory_space<vmem>>
      %dma_start3A_273 = arith.constant 0 : i32
      %dma_start3A_274 = tpu.memref_slice %arg2[%squeeze3A_264, %squeeze3A_266, %dma_start3A_273] : memref<125000x8x64xf32, #tpu.memory_space<hbm>> -> memref<1x1x64xf32, #tpu.memory_space<hbm>>
      %dma_start3A_275 = tpu.memref_squeeze %dma_start3A_274 : memref<1x1x64xf32, #tpu.memory_space<hbm>> -> memref<1x64xf32, #tpu.memory_space<hbm>>
      %dma_start3A_276 = arith.constant 0 : i32
      %dma_start3A_277 = tpu.memref_slice %arg10[%add3A_270, %dma_start3A_276] : memref<256x64xf32, #tpu.memory_space<vmem>> -> memref<1x64xf32, #tpu.memory_space<vmem>>
      %dma_start3A_278 = arith.constant 0 : i32
      %dma_start3A_279 = tpu.memref_slice %arg2[%squeeze3A_264, %squeeze3A_266, %dma_start3A_278] : memref<125000x8x64xf32, #tpu.memory_space<hbm>> -> memref<1x1x64xf32, #tpu.memory_space<hbm>>
      %dma_start3A_280 = tpu.memref_squeeze %dma_start3A_279 : memref<1x1x64xf32, #tpu.memory_space<hbm>> -> memref<1x64xf32, #tpu.memory_space<hbm>>
      tpu.enqueue_dma source(%dma_start3A_280 : memref<1x64xf32, #tpu.memory_space<hbm>>) target(%dma_start3A_277 : memref<1x64xf32, #tpu.memory_space<vmem>>) target_semaphore(%arg12 : memref<!tpu.dma_semaphore, #tpu.memory_space<semaphore_mem>>)
      %slice3A_281 = vector.extract_strided_slice %shift_right_logical3A_65 {offsets = [12], sizes = [1], strides = [1]} : vector<16xi32> to vector<1xi32>
      %squeeze3A_282 = vector.extract %slice3A_281[0] : i32 from vector<1xi32>
      %slice3A_283 = vector.extract_strided_slice %and3A_67 {offsets = [12], sizes = [1], strides = [1]} : vector<16xi32> to vector<1xi32>
      %squeeze3A_284 = vector.extract %slice3A_283[0] : i32 from vector<1xi32>
      %mul3A_285 = arith.constant 16 : i32
      %mul3A_286 = arith.muli %scan3A_57, %mul3A_285 : i32
      %add3A_287 = arith.constant 12 : i32
      %add3A_288 = arith.addi %mul3A_286, %add3A_287 : i32
      %dma_start3A_289 = arith.constant 0 : i32
      %dma_start3A_290 = tpu.memref_slice %arg10[%add3A_288, %dma_start3A_289] : memref<256x64xf32, #tpu.memory_space<vmem>> -> memref<1x64xf32, #tpu.memory_space<vmem>>
      %dma_start3A_291 = arith.constant 0 : i32
      %dma_start3A_292 = tpu.memref_slice %arg2[%squeeze3A_282, %squeeze3A_284, %dma_start3A_291] : memref<125000x8x64xf32, #tpu.memory_space<hbm>> -> memref<1x1x64xf32, #tpu.memory_space<hbm>>
      %dma_start3A_293 = tpu.memref_squeeze %dma_start3A_292 : memref<1x1x64xf32, #tpu.memory_space<hbm>> -> memref<1x64xf32, #tpu.memory_space<hbm>>
      %dma_start3A_294 = arith.constant 0 : i32
      %dma_start3A_295 = tpu.memref_slice %arg10[%add3A_288, %dma_start3A_294] : memref<256x64xf32, #tpu.memory_space<vmem>> -> memref<1x64xf32, #tpu.memory_space<vmem>>
      %dma_start3A_296 = arith.constant 0 : i32
      %dma_start3A_297 = tpu.memref_slice %arg2[%squeeze3A_282, %squeeze3A_284, %dma_start3A_296] : memref<125000x8x64xf32, #tpu.memory_space<hbm>> -> memref<1x1x64xf32, #tpu.memory_space<hbm>>
      %dma_start3A_298 = tpu.memref_squeeze %dma_start3A_297 : memref<1x1x64xf32, #tpu.memory_space<hbm>> -> memref<1x64xf32, #tpu.memory_space<hbm>>
      tpu.enqueue_dma source(%dma_start3A_298 : memref<1x64xf32, #tpu.memory_space<hbm>>) target(%dma_start3A_295 : memref<1x64xf32, #tpu.memory_space<vmem>>) target_semaphore(%arg12 : memref<!tpu.dma_semaphore, #tpu.memory_space<semaphore_mem>>)
      %slice3A_299 = vector.extract_strided_slice %shift_right_logical3A_65 {offsets = [13], sizes = [1], strides = [1]} : vector<16xi32> to vector<1xi32>
      %squeeze3A_300 = vector.extract %slice3A_299[0] : i32 from vector<1xi32>
      %slice3A_301 = vector.extract_strided_slice %and3A_67 {offsets = [13], sizes = [1], strides = [1]} : vector<16xi32> to vector<1xi32>
      %squeeze3A_302 = vector.extract %slice3A_301[0] : i32 from vector<1xi32>
      %mul3A_303 = arith.constant 16 : i32
      %mul3A_304 = arith.muli %scan3A_57, %mul3A_303 : i32
      %add3A_305 = arith.constant 13 : i32
      %add3A_306 = arith.addi %mul3A_304, %add3A_305 : i32
      %dma_start3A_307 = arith.constant 0 : i32
      %dma_start3A_308 = tpu.memref_slice %arg10[%add3A_306, %dma_start3A_307] : memref<256x64xf32, #tpu.memory_space<vmem>> -> memref<1x64xf32, #tpu.memory_space<vmem>>
      %dma_start3A_309 = arith.constant 0 : i32
      %dma_start3A_310 = tpu.memref_slice %arg2[%squeeze3A_300, %squeeze3A_302, %dma_start3A_309] : memref<125000x8x64xf32, #tpu.memory_space<hbm>> -> memref<1x1x64xf32, #tpu.memory_space<hbm>>
      %dma_start3A_311 = tpu.memref_squeeze %dma_start3A_310 : memref<1x1x64xf32, #tpu.memory_space<hbm>> -> memref<1x64xf32, #tpu.memory_space<hbm>>
      %dma_start3A_312 = arith.constant 0 : i32
      %dma_start3A_313 = tpu.memref_slice %arg10[%add3A_306, %dma_start3A_312] : memref<256x64xf32, #tpu.memory_space<vmem>> -> memref<1x64xf32, #tpu.memory_space<vmem>>
      %dma_start3A_314 = arith.constant 0 : i32
      %dma_start3A_315 = tpu.memref_slice %arg2[%squeeze3A_300, %squeeze3A_302, %dma_start3A_314] : memref<125000x8x64xf32, #tpu.memory_space<hbm>> -> memref<1x1x64xf32, #tpu.memory_space<hbm>>
      %dma_start3A_316 = tpu.memref_squeeze %dma_start3A_315 : memref<1x1x64xf32, #tpu.memory_space<hbm>> -> memref<1x64xf32, #tpu.memory_space<hbm>>
      tpu.enqueue_dma source(%dma_start3A_316 : memref<1x64xf32, #tpu.memory_space<hbm>>) target(%dma_start3A_313 : memref<1x64xf32, #tpu.memory_space<vmem>>) target_semaphore(%arg12 : memref<!tpu.dma_semaphore, #tpu.memory_space<semaphore_mem>>)
      %slice3A_317 = vector.extract_strided_slice %shift_right_logical3A_65 {offsets = [14], sizes = [1], strides = [1]} : vector<16xi32> to vector<1xi32>
      %squeeze3A_318 = vector.extract %slice3A_317[0] : i32 from vector<1xi32>
      %slice3A_319 = vector.extract_strided_slice %and3A_67 {offsets = [14], sizes = [1], strides = [1]} : vector<16xi32> to vector<1xi32>
      %squeeze3A_320 = vector.extract %slice3A_319[0] : i32 from vector<1xi32>
      %mul3A_321 = arith.constant 16 : i32
      %mul3A_322 = arith.muli %scan3A_57, %mul3A_321 : i32
      %add3A_323 = arith.constant 14 : i32
      %add3A_324 = arith.addi %mul3A_322, %add3A_323 : i32
      %dma_start3A_325 = arith.constant 0 : i32
      %dma_start3A_326 = tpu.memref_slice %arg10[%add3A_324, %dma_start3A_325] : memref<256x64xf32, #tpu.memory_space<vmem>> -> memref<1x64xf32, #tpu.memory_space<vmem>>
      %dma_start3A_327 = arith.constant 0 : i32
      %dma_start3A_328 = tpu.memref_slice %arg2[%squeeze3A_318, %squeeze3A_320, %dma_start3A_327] : memref<125000x8x64xf32, #tpu.memory_space<hbm>> -> memref<1x1x64xf32, #tpu.memory_space<hbm>>
      %dma_start3A_329 = tpu.memref_squeeze %dma_start3A_328 : memref<1x1x64xf32, #tpu.memory_space<hbm>> -> memref<1x64xf32, #tpu.memory_space<hbm>>
      %dma_start3A_330 = arith.constant 0 : i32
      %dma_start3A_331 = tpu.memref_slice %arg10[%add3A_324, %dma_start3A_330] : memref<256x64xf32, #tpu.memory_space<vmem>> -> memref<1x64xf32, #tpu.memory_space<vmem>>
      %dma_start3A_332 = arith.constant 0 : i32
      %dma_start3A_333 = tpu.memref_slice %arg2[%squeeze3A_318, %squeeze3A_320, %dma_start3A_332] : memref<125000x8x64xf32, #tpu.memory_space<hbm>> -> memref<1x1x64xf32, #tpu.memory_space<hbm>>
      %dma_start3A_334 = tpu.memref_squeeze %dma_start3A_333 : memref<1x1x64xf32, #tpu.memory_space<hbm>> -> memref<1x64xf32, #tpu.memory_space<hbm>>
      tpu.enqueue_dma source(%dma_start3A_334 : memref<1x64xf32, #tpu.memory_space<hbm>>) target(%dma_start3A_331 : memref<1x64xf32, #tpu.memory_space<vmem>>) target_semaphore(%arg12 : memref<!tpu.dma_semaphore, #tpu.memory_space<semaphore_mem>>)
      %slice3A_335 = vector.extract_strided_slice %shift_right_logical3A_65 {offsets = [15], sizes = [1], strides = [1]} : vector<16xi32> to vector<1xi32>
      %squeeze3A_336 = vector.extract %slice3A_335[0] : i32 from vector<1xi32>
      %slice3A_337 = vector.extract_strided_slice %and3A_67 {offsets = [15], sizes = [1], strides = [1]} : vector<16xi32> to vector<1xi32>
      %squeeze3A_338 = vector.extract %slice3A_337[0] : i32 from vector<1xi32>
      %mul3A_339 = arith.constant 16 : i32
      %mul3A_340 = arith.muli %scan3A_57, %mul3A_339 : i32
      %add3A_341 = arith.constant 15 : i32
      %add3A_342 = arith.addi %mul3A_340, %add3A_341 : i32
      %dma_start3A_343 = arith.constant 0 : i32
      %dma_start3A_344 = tpu.memref_slice %arg10[%add3A_342, %dma_start3A_343] : memref<256x64xf32, #tpu.memory_space<vmem>> -> memref<1x64xf32, #tpu.memory_space<vmem>>
      %dma_start3A_345 = arith.constant 0 : i32
      %dma_start3A_346 = tpu.memref_slice %arg2[%squeeze3A_336, %squeeze3A_338, %dma_start3A_345] : memref<125000x8x64xf32, #tpu.memory_space<hbm>> -> memref<1x1x64xf32, #tpu.memory_space<hbm>>
      %dma_start3A_347 = tpu.memref_squeeze %dma_start3A_346 : memref<1x1x64xf32, #tpu.memory_space<hbm>> -> memref<1x64xf32, #tpu.memory_space<hbm>>
      %dma_start3A_348 = arith.constant 0 : i32
      %dma_start3A_349 = tpu.memref_slice %arg10[%add3A_342, %dma_start3A_348] : memref<256x64xf32, #tpu.memory_space<vmem>> -> memref<1x64xf32, #tpu.memory_space<vmem>>
      %dma_start3A_350 = arith.constant 0 : i32
      %dma_start3A_351 = tpu.memref_slice %arg2[%squeeze3A_336, %squeeze3A_338, %dma_start3A_350] : memref<125000x8x64xf32, #tpu.memory_space<hbm>> -> memref<1x1x64xf32, #tpu.memory_space<hbm>>
      %dma_start3A_352 = tpu.memref_squeeze %dma_start3A_351 : memref<1x1x64xf32, #tpu.memory_space<hbm>> -> memref<1x64xf32, #tpu.memory_space<hbm>>
      tpu.enqueue_dma source(%dma_start3A_352 : memref<1x64xf32, #tpu.memory_space<hbm>>) target(%dma_start3A_349 : memref<1x64xf32, #tpu.memory_space<vmem>>) target_semaphore(%arg12 : memref<!tpu.dma_semaphore, #tpu.memory_space<semaphore_mem>>)
    }
    %scan3A_7 = arith.constant 16 : i32
    %scan3A_8 = arith.constant 0 : i32
    %scan3A_9 = arith.constant 0 : i32
    %scan3A_10 = arith.constant 16 : i32
    %scan3A_11 = arith.addi %scan3A_9, %scan3A_10 : i32
    %scan3A_12 = arith.constant 1 : i32
    scf.for %scan3A_57 = %scan3A_9 to %scan3A_11 step %scan3A_12  : i32 {
      %mul3A_58 = arith.constant 16 : i32
      %mul3A_59 = arith.muli %scan3A_57, %mul3A_58 : i32
      %add3A_60 = arith.constant 0 : i32
      %add3A_61 = arith.addi %add3A_60, %mul3A_59 : i32
      %get3A = arith.index_cast %add3A_61 : i32 to index
      %get3A_62 = tpu.vector_load %arg9[%get3A] {strides = array<i32>} : memref<512xi32, #tpu.memory_space<vmem>>, vector<16xi32>,
      %get3A_63 = vector.shape_cast %get3A_62 : vector<16xi32> to vector<16xi32>
      %shift_right_logical3A = arith.constant 3 : i32
      %shift_right_logical3A_64 = vector.broadcast %shift_right_logical3A : i32 to vector<16xi32>
      %shift_right_logical3A_65 = arith.shrui %get3A_63, %shift_right_logical3A_64 : vector<16xi32>
      %and3A = arith.constant 7 : i32
      %and3A_66 = vector.broadcast %and3A : i32 to vector<16xi32>
      %and3A_67 = arith.andi %get3A_63, %and3A_66 : vector<16xi32>
      %slice3A = vector.extract_strided_slice %shift_right_logical3A_65 {offsets = [0], sizes = [1], strides = [1]} : vector<16xi32> to vector<1xi32>
      %squeeze3A = vector.extract %slice3A[0] : i32 from vector<1xi32>
      %slice3A_68 = vector.extract_strided_slice %and3A_67 {offsets = [0], sizes = [1], strides = [1]} : vector<16xi32> to vector<1xi32>
      %squeeze3A_69 = vector.extract %slice3A_68[0] : i32 from vector<1xi32>
      %mul3A_70 = arith.constant 16 : i32
      %mul3A_71 = arith.muli %scan3A_57, %mul3A_70 : i32
      %add3A_72 = arith.constant 0 : i32
      %add3A_73 = arith.addi %mul3A_71, %add3A_72 : i32
      %dma_start3A = arith.constant 0 : i32
      %dma_start3A_74 = tpu.memref_slice %arg11[%add3A_73, %dma_start3A] : memref<256x64xf32, #tpu.memory_space<vmem>> -> memref<1x64xf32, #tpu.memory_space<vmem>>
      %dma_start3A_75 = arith.constant 0 : i32
      %dma_start3A_76 = tpu.memref_slice %arg3[%squeeze3A, %squeeze3A_69, %dma_start3A_75] : memref<125000x8x64xf32, #tpu.memory_space<hbm>> -> memref<1x1x64xf32, #tpu.memory_space<hbm>>
      %dma_start3A_77 = tpu.memref_squeeze %dma_start3A_76 : memref<1x1x64xf32, #tpu.memory_space<hbm>> -> memref<1x64xf32, #tpu.memory_space<hbm>>
      %dma_start3A_78 = arith.constant 0 : i32
      %dma_start3A_79 = tpu.memref_slice %arg11[%add3A_73, %dma_start3A_78] : memref<256x64xf32, #tpu.memory_space<vmem>> -> memref<1x64xf32, #tpu.memory_space<vmem>>
      %dma_start3A_80 = arith.constant 0 : i32
      %dma_start3A_81 = tpu.memref_slice %arg3[%squeeze3A, %squeeze3A_69, %dma_start3A_80] : memref<125000x8x64xf32, #tpu.memory_space<hbm>> -> memref<1x1x64xf32, #tpu.memory_space<hbm>>
      %dma_start3A_82 = tpu.memref_squeeze %dma_start3A_81 : memref<1x1x64xf32, #tpu.memory_space<hbm>> -> memref<1x64xf32, #tpu.memory_space<hbm>>
      tpu.enqueue_dma source(%dma_start3A_82 : memref<1x64xf32, #tpu.memory_space<hbm>>) target(%dma_start3A_79 : memref<1x64xf32, #tpu.memory_space<vmem>>) target_semaphore(%arg13 : memref<!tpu.dma_semaphore, #tpu.memory_space<semaphore_mem>>)
      %slice3A_83 = vector.extract_strided_slice %shift_right_logical3A_65 {offsets = [1], sizes = [1], strides = [1]} : vector<16xi32> to vector<1xi32>
      %squeeze3A_84 = vector.extract %slice3A_83[0] : i32 from vector<1xi32>
      %slice3A_85 = vector.extract_strided_slice %and3A_67 {offsets = [1], sizes = [1], strides = [1]} : vector<16xi32> to vector<1xi32>
      %squeeze3A_86 = vector.extract %slice3A_85[0] : i32 from vector<1xi32>
      %mul3A_87 = arith.constant 16 : i32
      %mul3A_88 = arith.muli %scan3A_57, %mul3A_87 : i32
      %add3A_89 = arith.constant 1 : i32
      %add3A_90 = arith.addi %mul3A_88, %add3A_89 : i32
      %dma_start3A_91 = arith.constant 0 : i32
      %dma_start3A_92 = tpu.memref_slice %arg11[%add3A_90, %dma_start3A_91] : memref<256x64xf32, #tpu.memory_space<vmem>> -> memref<1x64xf32, #tpu.memory_space<vmem>>
      %dma_start3A_93 = arith.constant 0 : i32
      %dma_start3A_94 = tpu.memref_slice %arg3[%squeeze3A_84, %squeeze3A_86, %dma_start3A_93] : memref<125000x8x64xf32, #tpu.memory_space<hbm>> -> memref<1x1x64xf32, #tpu.memory_space<hbm>>
      %dma_start3A_95 = tpu.memref_squeeze %dma_start3A_94 : memref<1x1x64xf32, #tpu.memory_space<hbm>> -> memref<1x64xf32, #tpu.memory_space<hbm>>
      %dma_start3A_96 = arith.constant 0 : i32
      %dma_start3A_97 = tpu.memref_slice %arg11[%add3A_90, %dma_start3A_96] : memref<256x64xf32, #tpu.memory_space<vmem>> -> memref<1x64xf32, #tpu.memory_space<vmem>>
      %dma_start3A_98 = arith.constant 0 : i32
      %dma_start3A_99 = tpu.memref_slice %arg3[%squeeze3A_84, %squeeze3A_86, %dma_start3A_98] : memref<125000x8x64xf32, #tpu.memory_space<hbm>> -> memref<1x1x64xf32, #tpu.memory_space<hbm>>
      %dma_start3A_100 = tpu.memref_squeeze %dma_start3A_99 : memref<1x1x64xf32, #tpu.memory_space<hbm>> -> memref<1x64xf32, #tpu.memory_space<hbm>>
      tpu.enqueue_dma source(%dma_start3A_100 : memref<1x64xf32, #tpu.memory_space<hbm>>) target(%dma_start3A_97 : memref<1x64xf32, #tpu.memory_space<vmem>>) target_semaphore(%arg13 : memref<!tpu.dma_semaphore, #tpu.memory_space<semaphore_mem>>)
      %slice3A_101 = vector.extract_strided_slice %shift_right_logical3A_65 {offsets = [2], sizes = [1], strides = [1]} : vector<16xi32> to vector<1xi32>
      %squeeze3A_102 = vector.extract %slice3A_101[0] : i32 from vector<1xi32>
      %slice3A_103 = vector.extract_strided_slice %and3A_67 {offsets = [2], sizes = [1], strides = [1]} : vector<16xi32> to vector<1xi32>
      %squeeze3A_104 = vector.extract %slice3A_103[0] : i32 from vector<1xi32>
      %mul3A_105 = arith.constant 16 : i32
      %mul3A_106 = arith.muli %scan3A_57, %mul3A_105 : i32
      %add3A_107 = arith.constant 2 : i32
      %add3A_108 = arith.addi %mul3A_106, %add3A_107 : i32
      %dma_start3A_109 = arith.constant 0 : i32
      %dma_start3A_110 = tpu.memref_slice %arg11[%add3A_108, %dma_start3A_109] : memref<256x64xf32, #tpu.memory_space<vmem>> -> memref<1x64xf32, #tpu.memory_space<vmem>>
      %dma_start3A_111 = arith.constant 0 : i32
      %dma_start3A_112 = tpu.memref_slice %arg3[%squeeze3A_102, %squeeze3A_104, %dma_start3A_111] : memref<125000x8x64xf32, #tpu.memory_space<hbm>> -> memref<1x1x64xf32, #tpu.memory_space<hbm>>
      %dma_start3A_113 = tpu.memref_squeeze %dma_start3A_112 : memref<1x1x64xf32, #tpu.memory_space<hbm>> -> memref<1x64xf32, #tpu.memory_space<hbm>>
      %dma_start3A_114 = arith.constant 0 : i32
      %dma_start3A_115 = tpu.memref_slice %arg11[%add3A_108, %dma_start3A_114] : memref<256x64xf32, #tpu.memory_space<vmem>> -> memref<1x64xf32, #tpu.memory_space<vmem>>
      %dma_start3A_116 = arith.constant 0 : i32
      %dma_start3A_117 = tpu.memref_slice %arg3[%squeeze3A_102, %squeeze3A_104, %dma_start3A_116] : memref<125000x8x64xf32, #tpu.memory_space<hbm>> -> memref<1x1x64xf32, #tpu.memory_space<hbm>>
      %dma_start3A_118 = tpu.memref_squeeze %dma_start3A_117 : memref<1x1x64xf32, #tpu.memory_space<hbm>> -> memref<1x64xf32, #tpu.memory_space<hbm>>
      tpu.enqueue_dma source(%dma_start3A_118 : memref<1x64xf32, #tpu.memory_space<hbm>>) target(%dma_start3A_115 : memref<1x64xf32, #tpu.memory_space<vmem>>) target_semaphore(%arg13 : memref<!tpu.dma_semaphore, #tpu.memory_space<semaphore_mem>>)
      %slice3A_119 = vector.extract_strided_slice %shift_right_logical3A_65 {offsets = [3], sizes = [1], strides = [1]} : vector<16xi32> to vector<1xi32>
      %squeeze3A_120 = vector.extract %slice3A_119[0] : i32 from vector<1xi32>
      %slice3A_121 = vector.extract_strided_slice %and3A_67 {offsets = [3], sizes = [1], strides = [1]} : vector<16xi32> to vector<1xi32>
      %squeeze3A_122 = vector.extract %slice3A_121[0] : i32 from vector<1xi32>
      %mul3A_123 = arith.constant 16 : i32
      %mul3A_124 = arith.muli %scan3A_57, %mul3A_123 : i32
      %add3A_125 = arith.constant 3 : i32
      %add3A_126 = arith.addi %mul3A_124, %add3A_125 : i32
      %dma_start3A_127 = arith.constant 0 : i32
      %dma_start3A_128 = tpu.memref_slice %arg11[%add3A_126, %dma_start3A_127] : memref<256x64xf32, #tpu.memory_space<vmem>> -> memref<1x64xf32, #tpu.memory_space<vmem>>
      %dma_start3A_129 = arith.constant 0 : i32
      %dma_start3A_130 = tpu.memref_slice %arg3[%squeeze3A_120, %squeeze3A_122, %dma_start3A_129] : memref<125000x8x64xf32, #tpu.memory_space<hbm>> -> memref<1x1x64xf32, #tpu.memory_space<hbm>>
      %dma_start3A_131 = tpu.memref_squeeze %dma_start3A_130 : memref<1x1x64xf32, #tpu.memory_space<hbm>> -> memref<1x64xf32, #tpu.memory_space<hbm>>
      %dma_start3A_132 = arith.constant 0 : i32
      %dma_start3A_133 = tpu.memref_slice %arg11[%add3A_126, %dma_start3A_132] : memref<256x64xf32, #tpu.memory_space<vmem>> -> memref<1x64xf32, #tpu.memory_space<vmem>>
      %dma_start3A_134 = arith.constant 0 : i32
      %dma_start3A_135 = tpu.memref_slice %arg3[%squeeze3A_120, %squeeze3A_122, %dma_start3A_134] : memref<125000x8x64xf32, #tpu.memory_space<hbm>> -> memref<1x1x64xf32, #tpu.memory_space<hbm>>
      %dma_start3A_136 = tpu.memref_squeeze %dma_start3A_135 : memref<1x1x64xf32, #tpu.memory_space<hbm>> -> memref<1x64xf32, #tpu.memory_space<hbm>>
      tpu.enqueue_dma source(%dma_start3A_136 : memref<1x64xf32, #tpu.memory_space<hbm>>) target(%dma_start3A_133 : memref<1x64xf32, #tpu.memory_space<vmem>>) target_semaphore(%arg13 : memref<!tpu.dma_semaphore, #tpu.memory_space<semaphore_mem>>)
      %slice3A_137 = vector.extract_strided_slice %shift_right_logical3A_65 {offsets = [4], sizes = [1], strides = [1]} : vector<16xi32> to vector<1xi32>
      %squeeze3A_138 = vector.extract %slice3A_137[0] : i32 from vector<1xi32>
      %slice3A_139 = vector.extract_strided_slice %and3A_67 {offsets = [4], sizes = [1], strides = [1]} : vector<16xi32> to vector<1xi32>
      %squeeze3A_140 = vector.extract %slice3A_139[0] : i32 from vector<1xi32>
      %mul3A_141 = arith.constant 16 : i32
      %mul3A_142 = arith.muli %scan3A_57, %mul3A_141 : i32
      %add3A_143 = arith.constant 4 : i32
      %add3A_144 = arith.addi %mul3A_142, %add3A_143 : i32
      %dma_start3A_145 = arith.constant 0 : i32
      %dma_start3A_146 = tpu.memref_slice %arg11[%add3A_144, %dma_start3A_145] : memref<256x64xf32, #tpu.memory_space<vmem>> -> memref<1x64xf32, #tpu.memory_space<vmem>>
      %dma_start3A_147 = arith.constant 0 : i32
      %dma_start3A_148 = tpu.memref_slice %arg3[%squeeze3A_138, %squeeze3A_140, %dma_start3A_147] : memref<125000x8x64xf32, #tpu.memory_space<hbm>> -> memref<1x1x64xf32, #tpu.memory_space<hbm>>
      %dma_start3A_149 = tpu.memref_squeeze %dma_start3A_148 : memref<1x1x64xf32, #tpu.memory_space<hbm>> -> memref<1x64xf32, #tpu.memory_space<hbm>>
      %dma_start3A_150 = arith.constant 0 : i32
      %dma_start3A_151 = tpu.memref_slice %arg11[%add3A_144, %dma_start3A_150] : memref<256x64xf32, #tpu.memory_space<vmem>> -> memref<1x64xf32, #tpu.memory_space<vmem>>
      %dma_start3A_152 = arith.constant 0 : i32
      %dma_start3A_153 = tpu.memref_slice %arg3[%squeeze3A_138, %squeeze3A_140, %dma_start3A_152] : memref<125000x8x64xf32, #tpu.memory_space<hbm>> -> memref<1x1x64xf32, #tpu.memory_space<hbm>>
      %dma_start3A_154 = tpu.memref_squeeze %dma_start3A_153 : memref<1x1x64xf32, #tpu.memory_space<hbm>> -> memref<1x64xf32, #tpu.memory_space<hbm>>
      tpu.enqueue_dma source(%dma_start3A_154 : memref<1x64xf32, #tpu.memory_space<hbm>>) target(%dma_start3A_151 : memref<1x64xf32, #tpu.memory_space<vmem>>) target_semaphore(%arg13 : memref<!tpu.dma_semaphore, #tpu.memory_space<semaphore_mem>>)
      %slice3A_155 = vector.extract_strided_slice %shift_right_logical3A_65 {offsets = [5], sizes = [1], strides = [1]} : vector<16xi32> to vector<1xi32>
      %squeeze3A_156 = vector.extract %slice3A_155[0] : i32 from vector<1xi32>
      %slice3A_157 = vector.extract_strided_slice %and3A_67 {offsets = [5], sizes = [1], strides = [1]} : vector<16xi32> to vector<1xi32>
      %squeeze3A_158 = vector.extract %slice3A_157[0] : i32 from vector<1xi32>
      %mul3A_159 = arith.constant 16 : i32
      %mul3A_160 = arith.muli %scan3A_57, %mul3A_159 : i32
      %add3A_161 = arith.constant 5 : i32
      %add3A_162 = arith.addi %mul3A_160, %add3A_161 : i32
      %dma_start3A_163 = arith.constant 0 : i32
      %dma_start3A_164 = tpu.memref_slice %arg11[%add3A_162, %dma_start3A_163] : memref<256x64xf32, #tpu.memory_space<vmem>> -> memref<1x64xf32, #tpu.memory_space<vmem>>
      %dma_start3A_165 = arith.constant 0 : i32
      %dma_start3A_166 = tpu.memref_slice %arg3[%squeeze3A_156, %squeeze3A_158, %dma_start3A_165] : memref<125000x8x64xf32, #tpu.memory_space<hbm>> -> memref<1x1x64xf32, #tpu.memory_space<hbm>>
      %dma_start3A_167 = tpu.memref_squeeze %dma_start3A_166 : memref<1x1x64xf32, #tpu.memory_space<hbm>> -> memref<1x64xf32, #tpu.memory_space<hbm>>
      %dma_start3A_168 = arith.constant 0 : i32
      %dma_start3A_169 = tpu.memref_slice %arg11[%add3A_162, %dma_start3A_168] : memref<256x64xf32, #tpu.memory_space<vmem>> -> memref<1x64xf32, #tpu.memory_space<vmem>>
      %dma_start3A_170 = arith.constant 0 : i32
      %dma_start3A_171 = tpu.memref_slice %arg3[%squeeze3A_156, %squeeze3A_158, %dma_start3A_170] : memref<125000x8x64xf32, #tpu.memory_space<hbm>> -> memref<1x1x64xf32, #tpu.memory_space<hbm>>
      %dma_start3A_172 = tpu.memref_squeeze %dma_start3A_171 : memref<1x1x64xf32, #tpu.memory_space<hbm>> -> memref<1x64xf32, #tpu.memory_space<hbm>>
      tpu.enqueue_dma source(%dma_start3A_172 : memref<1x64xf32, #tpu.memory_space<hbm>>) target(%dma_start3A_169 : memref<1x64xf32, #tpu.memory_space<vmem>>) target_semaphore(%arg13 : memref<!tpu.dma_semaphore, #tpu.memory_space<semaphore_mem>>)
      %slice3A_173 = vector.extract_strided_slice %shift_right_logical3A_65 {offsets = [6], sizes = [1], strides = [1]} : vector<16xi32> to vector<1xi32>
      %squeeze3A_174 = vector.extract %slice3A_173[0] : i32 from vector<1xi32>
      %slice3A_175 = vector.extract_strided_slice %and3A_67 {offsets = [6], sizes = [1], strides = [1]} : vector<16xi32> to vector<1xi32>
      %squeeze3A_176 = vector.extract %slice3A_175[0] : i32 from vector<1xi32>
      %mul3A_177 = arith.constant 16 : i32
      %mul3A_178 = arith.muli %scan3A_57, %mul3A_177 : i32
      %add3A_179 = arith.constant 6 : i32
      %add3A_180 = arith.addi %mul3A_178, %add3A_179 : i32
      %dma_start3A_181 = arith.constant 0 : i32
      %dma_start3A_182 = tpu.memref_slice %arg11[%add3A_180, %dma_start3A_181] : memref<256x64xf32, #tpu.memory_space<vmem>> -> memref<1x64xf32, #tpu.memory_space<vmem>>
      %dma_start3A_183 = arith.constant 0 : i32
      %dma_start3A_184 = tpu.memref_slice %arg3[%squeeze3A_174, %squeeze3A_176, %dma_start3A_183] : memref<125000x8x64xf32, #tpu.memory_space<hbm>> -> memref<1x1x64xf32, #tpu.memory_space<hbm>>
      %dma_start3A_185 = tpu.memref_squeeze %dma_start3A_184 : memref<1x1x64xf32, #tpu.memory_space<hbm>> -> memref<1x64xf32, #tpu.memory_space<hbm>>
      %dma_start3A_186 = arith.constant 0 : i32
      %dma_start3A_187 = tpu.memref_slice %arg11[%add3A_180, %dma_start3A_186] : memref<256x64xf32, #tpu.memory_space<vmem>> -> memref<1x64xf32, #tpu.memory_space<vmem>>
      %dma_start3A_188 = arith.constant 0 : i32
      %dma_start3A_189 = tpu.memref_slice %arg3[%squeeze3A_174, %squeeze3A_176, %dma_start3A_188] : memref<125000x8x64xf32, #tpu.memory_space<hbm>> -> memref<1x1x64xf32, #tpu.memory_space<hbm>>
      %dma_start3A_190 = tpu.memref_squeeze %dma_start3A_189 : memref<1x1x64xf32, #tpu.memory_space<hbm>> -> memref<1x64xf32, #tpu.memory_space<hbm>>
      tpu.enqueue_dma source(%dma_start3A_190 : memref<1x64xf32, #tpu.memory_space<hbm>>) target(%dma_start3A_187 : memref<1x64xf32, #tpu.memory_space<vmem>>) target_semaphore(%arg13 : memref<!tpu.dma_semaphore, #tpu.memory_space<semaphore_mem>>)
      %slice3A_191 = vector.extract_strided_slice %shift_right_logical3A_65 {offsets = [7], sizes = [1], strides = [1]} : vector<16xi32> to vector<1xi32>
      %squeeze3A_192 = vector.extract %slice3A_191[0] : i32 from vector<1xi32>
      %slice3A_193 = vector.extract_strided_slice %and3A_67 {offsets = [7], sizes = [1], strides = [1]} : vector<16xi32> to vector<1xi32>
      %squeeze3A_194 = vector.extract %slice3A_193[0] : i32 from vector<1xi32>
      %mul3A_195 = arith.constant 16 : i32
      %mul3A_196 = arith.muli %scan3A_57, %mul3A_195 : i32
      %add3A_197 = arith.constant 7 : i32
      %add3A_198 = arith.addi %mul3A_196, %add3A_197 : i32
      %dma_start3A_199 = arith.constant 0 : i32
      %dma_start3A_200 = tpu.memref_slice %arg11[%add3A_198, %dma_start3A_199] : memref<256x64xf32, #tpu.memory_space<vmem>> -> memref<1x64xf32, #tpu.memory_space<vmem>>
      %dma_start3A_201 = arith.constant 0 : i32
      %dma_start3A_202 = tpu.memref_slice %arg3[%squeeze3A_192, %squeeze3A_194, %dma_start3A_201] : memref<125000x8x64xf32, #tpu.memory_space<hbm>> -> memref<1x1x64xf32, #tpu.memory_space<hbm>>
      %dma_start3A_203 = tpu.memref_squeeze %dma_start3A_202 : memref<1x1x64xf32, #tpu.memory_space<hbm>> -> memref<1x64xf32, #tpu.memory_space<hbm>>
      %dma_start3A_204 = arith.constant 0 : i32
      %dma_start3A_205 = tpu.memref_slice %arg11[%add3A_198, %dma_start3A_204] : memref<256x64xf32, #tpu.memory_space<vmem>> -> memref<1x64xf32, #tpu.memory_space<vmem>>
      %dma_start3A_206 = arith.constant 0 : i32
      %dma_start3A_207 = tpu.memref_slice %arg3[%squeeze3A_192, %squeeze3A_194, %dma_start3A_206] : memref<125000x8x64xf32, #tpu.memory_space<hbm>> -> memref<1x1x64xf32, #tpu.memory_space<hbm>>
      %dma_start3A_208 = tpu.memref_squeeze %dma_start3A_207 : memref<1x1x64xf32, #tpu.memory_space<hbm>> -> memref<1x64xf32, #tpu.memory_space<hbm>>
      tpu.enqueue_dma source(%dma_start3A_208 : memref<1x64xf32, #tpu.memory_space<hbm>>) target(%dma_start3A_205 : memref<1x64xf32, #tpu.memory_space<vmem>>) target_semaphore(%arg13 : memref<!tpu.dma_semaphore, #tpu.memory_space<semaphore_mem>>)
      %slice3A_209 = vector.extract_strided_slice %shift_right_logical3A_65 {offsets = [8], sizes = [1], strides = [1]} : vector<16xi32> to vector<1xi32>
      %squeeze3A_210 = vector.extract %slice3A_209[0] : i32 from vector<1xi32>
      %slice3A_211 = vector.extract_strided_slice %and3A_67 {offsets = [8], sizes = [1], strides = [1]} : vector<16xi32> to vector<1xi32>
      %squeeze3A_212 = vector.extract %slice3A_211[0] : i32 from vector<1xi32>
      %mul3A_213 = arith.constant 16 : i32
      %mul3A_214 = arith.muli %scan3A_57, %mul3A_213 : i32
      %add3A_215 = arith.constant 8 : i32
      %add3A_216 = arith.addi %mul3A_214, %add3A_215 : i32
      %dma_start3A_217 = arith.constant 0 : i32
      %dma_start3A_218 = tpu.memref_slice %arg11[%add3A_216, %dma_start3A_217] : memref<256x64xf32, #tpu.memory_space<vmem>> -> memref<1x64xf32, #tpu.memory_space<vmem>>
      %dma_start3A_219 = arith.constant 0 : i32
      %dma_start3A_220 = tpu.memref_slice %arg3[%squeeze3A_210, %squeeze3A_212, %dma_start3A_219] : memref<125000x8x64xf32, #tpu.memory_space<hbm>> -> memref<1x1x64xf32, #tpu.memory_space<hbm>>
      %dma_start3A_221 = tpu.memref_squeeze %dma_start3A_220 : memref<1x1x64xf32, #tpu.memory_space<hbm>> -> memref<1x64xf32, #tpu.memory_space<hbm>>
      %dma_start3A_222 = arith.constant 0 : i32
      %dma_start3A_223 = tpu.memref_slice %arg11[%add3A_216, %dma_start3A_222] : memref<256x64xf32, #tpu.memory_space<vmem>> -> memref<1x64xf32, #tpu.memory_space<vmem>>
      %dma_start3A_224 = arith.constant 0 : i32
      %dma_start3A_225 = tpu.memref_slice %arg3[%squeeze3A_210, %squeeze3A_212, %dma_start3A_224] : memref<125000x8x64xf32, #tpu.memory_space<hbm>> -> memref<1x1x64xf32, #tpu.memory_space<hbm>>
      %dma_start3A_226 = tpu.memref_squeeze %dma_start3A_225 : memref<1x1x64xf32, #tpu.memory_space<hbm>> -> memref<1x64xf32, #tpu.memory_space<hbm>>
      tpu.enqueue_dma source(%dma_start3A_226 : memref<1x64xf32, #tpu.memory_space<hbm>>) target(%dma_start3A_223 : memref<1x64xf32, #tpu.memory_space<vmem>>) target_semaphore(%arg13 : memref<!tpu.dma_semaphore, #tpu.memory_space<semaphore_mem>>)
      %slice3A_227 = vector.extract_strided_slice %shift_right_logical3A_65 {offsets = [9], sizes = [1], strides = [1]} : vector<16xi32> to vector<1xi32>
      %squeeze3A_228 = vector.extract %slice3A_227[0] : i32 from vector<1xi32>
      %slice3A_229 = vector.extract_strided_slice %and3A_67 {offsets = [9], sizes = [1], strides = [1]} : vector<16xi32> to vector<1xi32>
      %squeeze3A_230 = vector.extract %slice3A_229[0] : i32 from vector<1xi32>
      %mul3A_231 = arith.constant 16 : i32
      %mul3A_232 = arith.muli %scan3A_57, %mul3A_231 : i32
      %add3A_233 = arith.constant 9 : i32
      %add3A_234 = arith.addi %mul3A_232, %add3A_233 : i32
      %dma_start3A_235 = arith.constant 0 : i32
      %dma_start3A_236 = tpu.memref_slice %arg11[%add3A_234, %dma_start3A_235] : memref<256x64xf32, #tpu.memory_space<vmem>> -> memref<1x64xf32, #tpu.memory_space<vmem>>
      %dma_start3A_237 = arith.constant 0 : i32
      %dma_start3A_238 = tpu.memref_slice %arg3[%squeeze3A_228, %squeeze3A_230, %dma_start3A_237] : memref<125000x8x64xf32, #tpu.memory_space<hbm>> -> memref<1x1x64xf32, #tpu.memory_space<hbm>>
      %dma_start3A_239 = tpu.memref_squeeze %dma_start3A_238 : memref<1x1x64xf32, #tpu.memory_space<hbm>> -> memref<1x64xf32, #tpu.memory_space<hbm>>
      %dma_start3A_240 = arith.constant 0 : i32
      %dma_start3A_241 = tpu.memref_slice %arg11[%add3A_234, %dma_start3A_240] : memref<256x64xf32, #tpu.memory_space<vmem>> -> memref<1x64xf32, #tpu.memory_space<vmem>>
      %dma_start3A_242 = arith.constant 0 : i32
      %dma_start3A_243 = tpu.memref_slice %arg3[%squeeze3A_228, %squeeze3A_230, %dma_start3A_242] : memref<125000x8x64xf32, #tpu.memory_space<hbm>> -> memref<1x1x64xf32, #tpu.memory_space<hbm>>
      %dma_start3A_244 = tpu.memref_squeeze %dma_start3A_243 : memref<1x1x64xf32, #tpu.memory_space<hbm>> -> memref<1x64xf32, #tpu.memory_space<hbm>>
      tpu.enqueue_dma source(%dma_start3A_244 : memref<1x64xf32, #tpu.memory_space<hbm>>) target(%dma_start3A_241 : memref<1x64xf32, #tpu.memory_space<vmem>>) target_semaphore(%arg13 : memref<!tpu.dma_semaphore, #tpu.memory_space<semaphore_mem>>)
      %slice3A_245 = vector.extract_strided_slice %shift_right_logical3A_65 {offsets = [10], sizes = [1], strides = [1]} : vector<16xi32> to vector<1xi32>
      %squeeze3A_246 = vector.extract %slice3A_245[0] : i32 from vector<1xi32>
      %slice3A_247 = vector.extract_strided_slice %and3A_67 {offsets = [10], sizes = [1], strides = [1]} : vector<16xi32> to vector<1xi32>
      %squeeze3A_248 = vector.extract %slice3A_247[0] : i32 from vector<1xi32>
      %mul3A_249 = arith.constant 16 : i32
      %mul3A_250 = arith.muli %scan3A_57, %mul3A_249 : i32
      %add3A_251 = arith.constant 10 : i32
      %add3A_252 = arith.addi %mul3A_250, %add3A_251 : i32
      %dma_start3A_253 = arith.constant 0 : i32
      %dma_start3A_254 = tpu.memref_slice %arg11[%add3A_252, %dma_start3A_253] : memref<256x64xf32, #tpu.memory_space<vmem>> -> memref<1x64xf32, #tpu.memory_space<vmem>>
      %dma_start3A_255 = arith.constant 0 : i32
      %dma_start3A_256 = tpu.memref_slice %arg3[%squeeze3A_246, %squeeze3A_248, %dma_start3A_255] : memref<125000x8x64xf32, #tpu.memory_space<hbm>> -> memref<1x1x64xf32, #tpu.memory_space<hbm>>
      %dma_start3A_257 = tpu.memref_squeeze %dma_start3A_256 : memref<1x1x64xf32, #tpu.memory_space<hbm>> -> memref<1x64xf32, #tpu.memory_space<hbm>>
      %dma_start3A_258 = arith.constant 0 : i32
      %dma_start3A_259 = tpu.memref_slice %arg11[%add3A_252, %dma_start3A_258] : memref<256x64xf32, #tpu.memory_space<vmem>> -> memref<1x64xf32, #tpu.memory_space<vmem>>
      %dma_start3A_260 = arith.constant 0 : i32
      %dma_start3A_261 = tpu.memref_slice %arg3[%squeeze3A_246, %squeeze3A_248, %dma_start3A_260] : memref<125000x8x64xf32, #tpu.memory_space<hbm>> -> memref<1x1x64xf32, #tpu.memory_space<hbm>>
      %dma_start3A_262 = tpu.memref_squeeze %dma_start3A_261 : memref<1x1x64xf32, #tpu.memory_space<hbm>> -> memref<1x64xf32, #tpu.memory_space<hbm>>
      tpu.enqueue_dma source(%dma_start3A_262 : memref<1x64xf32, #tpu.memory_space<hbm>>) target(%dma_start3A_259 : memref<1x64xf32, #tpu.memory_space<vmem>>) target_semaphore(%arg13 : memref<!tpu.dma_semaphore, #tpu.memory_space<semaphore_mem>>)
      %slice3A_263 = vector.extract_strided_slice %shift_right_logical3A_65 {offsets = [11], sizes = [1], strides = [1]} : vector<16xi32> to vector<1xi32>
      %squeeze3A_264 = vector.extract %slice3A_263[0] : i32 from vector<1xi32>
      %slice3A_265 = vector.extract_strided_slice %and3A_67 {offsets = [11], sizes = [1], strides = [1]} : vector<16xi32> to vector<1xi32>
      %squeeze3A_266 = vector.extract %slice3A_265[0] : i32 from vector<1xi32>
      %mul3A_267 = arith.constant 16 : i32
      %mul3A_268 = arith.muli %scan3A_57, %mul3A_267 : i32
      %add3A_269 = arith.constant 11 : i32
      %add3A_270 = arith.addi %mul3A_268, %add3A_269 : i32
      %dma_start3A_271 = arith.constant 0 : i32
      %dma_start3A_272 = tpu.memref_slice %arg11[%add3A_270, %dma_start3A_271] : memref<256x64xf32, #tpu.memory_space<vmem>> -> memref<1x64xf32, #tpu.memory_space<vmem>>
      %dma_start3A_273 = arith.constant 0 : i32
      %dma_start3A_274 = tpu.memref_slice %arg3[%squeeze3A_264, %squeeze3A_266, %dma_start3A_273] : memref<125000x8x64xf32, #tpu.memory_space<hbm>> -> memref<1x1x64xf32, #tpu.memory_space<hbm>>
      %dma_start3A_275 = tpu.memref_squeeze %dma_start3A_274 : memref<1x1x64xf32, #tpu.memory_space<hbm>> -> memref<1x64xf32, #tpu.memory_space<hbm>>
      %dma_start3A_276 = arith.constant 0 : i32
      %dma_start3A_277 = tpu.memref_slice %arg11[%add3A_270, %dma_start3A_276] : memref<256x64xf32, #tpu.memory_space<vmem>> -> memref<1x64xf32, #tpu.memory_space<vmem>>
      %dma_start3A_278 = arith.constant 0 : i32
      %dma_start3A_279 = tpu.memref_slice %arg3[%squeeze3A_264, %squeeze3A_266, %dma_start3A_278] : memref<125000x8x64xf32, #tpu.memory_space<hbm>> -> memref<1x1x64xf32, #tpu.memory_space<hbm>>
      %dma_start3A_280 = tpu.memref_squeeze %dma_start3A_279 : memref<1x1x64xf32, #tpu.memory_space<hbm>> -> memref<1x64xf32, #tpu.memory_space<hbm>>
      tpu.enqueue_dma source(%dma_start3A_280 : memref<1x64xf32, #tpu.memory_space<hbm>>) target(%dma_start3A_277 : memref<1x64xf32, #tpu.memory_space<vmem>>) target_semaphore(%arg13 : memref<!tpu.dma_semaphore, #tpu.memory_space<semaphore_mem>>)
      %slice3A_281 = vector.extract_strided_slice %shift_right_logical3A_65 {offsets = [12], sizes = [1], strides = [1]} : vector<16xi32> to vector<1xi32>
      %squeeze3A_282 = vector.extract %slice3A_281[0] : i32 from vector<1xi32>
      %slice3A_283 = vector.extract_strided_slice %and3A_67 {offsets = [12], sizes = [1], strides = [1]} : vector<16xi32> to vector<1xi32>
      %squeeze3A_284 = vector.extract %slice3A_283[0] : i32 from vector<1xi32>
      %mul3A_285 = arith.constant 16 : i32
      %mul3A_286 = arith.muli %scan3A_57, %mul3A_285 : i32
      %add3A_287 = arith.constant 12 : i32
      %add3A_288 = arith.addi %mul3A_286, %add3A_287 : i32
      %dma_start3A_289 = arith.constant 0 : i32
      %dma_start3A_290 = tpu.memref_slice %arg11[%add3A_288, %dma_start3A_289] : memref<256x64xf32, #tpu.memory_space<vmem>> -> memref<1x64xf32, #tpu.memory_space<vmem>>
      %dma_start3A_291 = arith.constant 0 : i32
      %dma_start3A_292 = tpu.memref_slice %arg3[%squeeze3A_282, %squeeze3A_284, %dma_start3A_291] : memref<125000x8x64xf32, #tpu.memory_space<hbm>> -> memref<1x1x64xf32, #tpu.memory_space<hbm>>
      %dma_start3A_293 = tpu.memref_squeeze %dma_start3A_292 : memref<1x1x64xf32, #tpu.memory_space<hbm>> -> memref<1x64xf32, #tpu.memory_space<hbm>>
      %dma_start3A_294 = arith.constant 0 : i32
      %dma_start3A_295 = tpu.memref_slice %arg11[%add3A_288, %dma_start3A_294] : memref<256x64xf32, #tpu.memory_space<vmem>> -> memref<1x64xf32, #tpu.memory_space<vmem>>
      %dma_start3A_296 = arith.constant 0 : i32
      %dma_start3A_297 = tpu.memref_slice %arg3[%squeeze3A_282, %squeeze3A_284, %dma_start3A_296] : memref<125000x8x64xf32, #tpu.memory_space<hbm>> -> memref<1x1x64xf32, #tpu.memory_space<hbm>>
      %dma_start3A_298 = tpu.memref_squeeze %dma_start3A_297 : memref<1x1x64xf32, #tpu.memory_space<hbm>> -> memref<1x64xf32, #tpu.memory_space<hbm>>
      tpu.enqueue_dma source(%dma_start3A_298 : memref<1x64xf32, #tpu.memory_space<hbm>>) target(%dma_start3A_295 : memref<1x64xf32, #tpu.memory_space<vmem>>) target_semaphore(%arg13 : memref<!tpu.dma_semaphore, #tpu.memory_space<semaphore_mem>>)
      %slice3A_299 = vector.extract_strided_slice %shift_right_logical3A_65 {offsets = [13], sizes = [1], strides = [1]} : vector<16xi32> to vector<1xi32>
      %squeeze3A_300 = vector.extract %slice3A_299[0] : i32 from vector<1xi32>
      %slice3A_301 = vector.extract_strided_slice %and3A_67 {offsets = [13], sizes = [1], strides = [1]} : vector<16xi32> to vector<1xi32>
      %squeeze3A_302 = vector.extract %slice3A_301[0] : i32 from vector<1xi32>
      %mul3A_303 = arith.constant 16 : i32
      %mul3A_304 = arith.muli %scan3A_57, %mul3A_303 : i32
      %add3A_305 = arith.constant 13 : i32
      %add3A_306 = arith.addi %mul3A_304, %add3A_305 : i32
      %dma_start3A_307 = arith.constant 0 : i32
      %dma_start3A_308 = tpu.memref_slice %arg11[%add3A_306, %dma_start3A_307] : memref<256x64xf32, #tpu.memory_space<vmem>> -> memref<1x64xf32, #tpu.memory_space<vmem>>
      %dma_start3A_309 = arith.constant 0 : i32
      %dma_start3A_310 = tpu.memref_slice %arg3[%squeeze3A_300, %squeeze3A_302, %dma_start3A_309] : memref<125000x8x64xf32, #tpu.memory_space<hbm>> -> memref<1x1x64xf32, #tpu.memory_space<hbm>>
      %dma_start3A_311 = tpu.memref_squeeze %dma_start3A_310 : memref<1x1x64xf32, #tpu.memory_space<hbm>> -> memref<1x64xf32, #tpu.memory_space<hbm>>
      %dma_start3A_312 = arith.constant 0 : i32
      %dma_start3A_313 = tpu.memref_slice %arg11[%add3A_306, %dma_start3A_312] : memref<256x64xf32, #tpu.memory_space<vmem>> -> memref<1x64xf32, #tpu.memory_space<vmem>>
      %dma_start3A_314 = arith.constant 0 : i32
      %dma_start3A_315 = tpu.memref_slice %arg3[%squeeze3A_300, %squeeze3A_302, %dma_start3A_314] : memref<125000x8x64xf32, #tpu.memory_space<hbm>> -> memref<1x1x64xf32, #tpu.memory_space<hbm>>
      %dma_start3A_316 = tpu.memref_squeeze %dma_start3A_315 : memref<1x1x64xf32, #tpu.memory_space<hbm>> -> memref<1x64xf32, #tpu.memory_space<hbm>>
      tpu.enqueue_dma source(%dma_start3A_316 : memref<1x64xf32, #tpu.memory_space<hbm>>) target(%dma_start3A_313 : memref<1x64xf32, #tpu.memory_space<vmem>>) target_semaphore(%arg13 : memref<!tpu.dma_semaphore, #tpu.memory_space<semaphore_mem>>)
      %slice3A_317 = vector.extract_strided_slice %shift_right_logical3A_65 {offsets = [14], sizes = [1], strides = [1]} : vector<16xi32> to vector<1xi32>
      %squeeze3A_318 = vector.extract %slice3A_317[0] : i32 from vector<1xi32>
      %slice3A_319 = vector.extract_strided_slice %and3A_67 {offsets = [14], sizes = [1], strides = [1]} : vector<16xi32> to vector<1xi32>
      %squeeze3A_320 = vector.extract %slice3A_319[0] : i32 from vector<1xi32>
      %mul3A_321 = arith.constant 16 : i32
      %mul3A_322 = arith.muli %scan3A_57, %mul3A_321 : i32
      %add3A_323 = arith.constant 14 : i32
      %add3A_324 = arith.addi %mul3A_322, %add3A_323 : i32
      %dma_start3A_325 = arith.constant 0 : i32
      %dma_start3A_326 = tpu.memref_slice %arg11[%add3A_324, %dma_start3A_325] : memref<256x64xf32, #tpu.memory_space<vmem>> -> memref<1x64xf32, #tpu.memory_space<vmem>>
      %dma_start3A_327 = arith.constant 0 : i32
      %dma_start3A_328 = tpu.memref_slice %arg3[%squeeze3A_318, %squeeze3A_320, %dma_start3A_327] : memref<125000x8x64xf32, #tpu.memory_space<hbm>> -> memref<1x1x64xf32, #tpu.memory_space<hbm>>
      %dma_start3A_329 = tpu.memref_squeeze %dma_start3A_328 : memref<1x1x64xf32, #tpu.memory_space<hbm>> -> memref<1x64xf32, #tpu.memory_space<hbm>>
      %dma_start3A_330 = arith.constant 0 : i32
      %dma_start3A_331 = tpu.memref_slice %arg11[%add3A_324, %dma_start3A_330] : memref<256x64xf32, #tpu.memory_space<vmem>> -> memref<1x64xf32, #tpu.memory_space<vmem>>
      %dma_start3A_332 = arith.constant 0 : i32
      %dma_start3A_333 = tpu.memref_slice %arg3[%squeeze3A_318, %squeeze3A_320, %dma_start3A_332] : memref<125000x8x64xf32, #tpu.memory_space<hbm>> -> memref<1x1x64xf32, #tpu.memory_space<hbm>>
      %dma_start3A_334 = tpu.memref_squeeze %dma_start3A_333 : memref<1x1x64xf32, #tpu.memory_space<hbm>> -> memref<1x64xf32, #tpu.memory_space<hbm>>
      tpu.enqueue_dma source(%dma_start3A_334 : memref<1x64xf32, #tpu.memory_space<hbm>>) target(%dma_start3A_331 : memref<1x64xf32, #tpu.memory_space<vmem>>) target_semaphore(%arg13 : memref<!tpu.dma_semaphore, #tpu.memory_space<semaphore_mem>>)
      %slice3A_335 = vector.extract_strided_slice %shift_right_logical3A_65 {offsets = [15], sizes = [1], strides = [1]} : vector<16xi32> to vector<1xi32>
      %squeeze3A_336 = vector.extract %slice3A_335[0] : i32 from vector<1xi32>
      %slice3A_337 = vector.extract_strided_slice %and3A_67 {offsets = [15], sizes = [1], strides = [1]} : vector<16xi32> to vector<1xi32>
      %squeeze3A_338 = vector.extract %slice3A_337[0] : i32 from vector<1xi32>
      %mul3A_339 = arith.constant 16 : i32
      %mul3A_340 = arith.muli %scan3A_57, %mul3A_339 : i32
      %add3A_341 = arith.constant 15 : i32
      %add3A_342 = arith.addi %mul3A_340, %add3A_341 : i32
      %dma_start3A_343 = arith.constant 0 : i32
      %dma_start3A_344 = tpu.memref_slice %arg11[%add3A_342, %dma_start3A_343] : memref<256x64xf32, #tpu.memory_space<vmem>> -> memref<1x64xf32, #tpu.memory_space<vmem>>
      %dma_start3A_345 = arith.constant 0 : i32
      %dma_start3A_346 = tpu.memref_slice %arg3[%squeeze3A_336, %squeeze3A_338, %dma_start3A_345] : memref<125000x8x64xf32, #tpu.memory_space<hbm>> -> memref<1x1x64xf32, #tpu.memory_space<hbm>>
      %dma_start3A_347 = tpu.memref_squeeze %dma_start3A_346 : memref<1x1x64xf32, #tpu.memory_space<hbm>> -> memref<1x64xf32, #tpu.memory_space<hbm>>
      %dma_start3A_348 = arith.constant 0 : i32
      %dma_start3A_349 = tpu.memref_slice %arg11[%add3A_342, %dma_start3A_348] : memref<256x64xf32, #tpu.memory_space<vmem>> -> memref<1x64xf32, #tpu.memory_space<vmem>>
      %dma_start3A_350 = arith.constant 0 : i32
      %dma_start3A_351 = tpu.memref_slice %arg3[%squeeze3A_336, %squeeze3A_338, %dma_start3A_350] : memref<125000x8x64xf32, #tpu.memory_space<hbm>> -> memref<1x1x64xf32, #tpu.memory_space<hbm>>
      %dma_start3A_352 = tpu.memref_squeeze %dma_start3A_351 : memref<1x1x64xf32, #tpu.memory_space<hbm>> -> memref<1x64xf32, #tpu.memory_space<hbm>>
      tpu.enqueue_dma source(%dma_start3A_352 : memref<1x64xf32, #tpu.memory_space<hbm>>) target(%dma_start3A_349 : memref<1x64xf32, #tpu.memory_space<vmem>>) target_semaphore(%arg13 : memref<!tpu.dma_semaphore, #tpu.memory_space<semaphore_mem>>)
    }
    %scan3A_13 = arith.constant 16 : i32
    %dma_wait3A = arith.constant 0 : i32
    %dma_wait3A_14 = arith.constant 0 : i32
    %dma_wait3A_15 = tpu.memref_slice %arg6[%dma_wait3A, %dma_wait3A_14] : memref<16384x64xf32, #tpu.memory_space<hbm>> -> memref<256x64xf32, #tpu.memory_space<hbm>>
    %dma_wait3A_16 = arith.constant 0 : i32
    %dma_wait3A_17 = arith.constant 0 : i32
    %dma_wait3A_18 = tpu.memref_slice %arg6[%dma_wait3A_16, %dma_wait3A_17] : memref<16384x64xf32, #tpu.memory_space<hbm>> -> memref<256x64xf32, #tpu.memory_space<hbm>>
    tpu.wait_dma2 semaphore(%arg12 : memref<!tpu.dma_semaphore, #tpu.memory_space<semaphore_mem>>) src(%dma_wait3A_18 : memref<256x64xf32, #tpu.memory_space<hbm>>) dst(%arg10 : memref<256x64xf32, #tpu.memory_space<vmem>>)
    %add3A_19 = arith.constant 0 : i32
    %add3A_20 = arith.addi %mul3A_2, %add3A_19 : i32
    "tpu.region"() ({
      %run_scoped3A = tpu.sem_alloc : memref<!tpu.dma_semaphore, #tpu.memory_space<semaphore_mem>>
      %dma_start3A = arith.constant 0 : i32
      %dma_start3A_57 = tpu.memref_slice %arg6[%add3A_20, %dma_start3A] : memref<16384x64xf32, #tpu.memory_space<hbm>> -> memref<256x64xf32, #tpu.memory_space<hbm>>
      %dma_start3A_58 = arith.constant 0 : i32
      %dma_start3A_59 = tpu.memref_slice %arg6[%add3A_20, %dma_start3A_58] : memref<16384x64xf32, #tpu.memory_space<hbm>> -> memref<256x64xf32, #tpu.memory_space<hbm>>
      tpu.enqueue_dma source(%arg10 : memref<256x64xf32, #tpu.memory_space<vmem>>) target(%dma_start3A_59 : memref<256x64xf32, #tpu.memory_space<hbm>>) target_semaphore(%run_scoped3A : memref<!tpu.dma_semaphore, #tpu.memory_space<semaphore_mem>>)
      %dma_wait3A_60 = arith.constant 0 : i32
      %dma_wait3A_61 = tpu.memref_slice %arg6[%add3A_20, %dma_wait3A_60] : memref<16384x64xf32, #tpu.memory_space<hbm>> -> memref<256x64xf32, #tpu.memory_space<hbm>>
      %dma_wait3A_62 = arith.constant 0 : i32
      %dma_wait3A_63 = tpu.memref_slice %arg6[%add3A_20, %dma_wait3A_62] : memref<16384x64xf32, #tpu.memory_space<hbm>> -> memref<256x64xf32, #tpu.memory_space<hbm>>
      tpu.wait_dma2 semaphore(%run_scoped3A : memref<!tpu.dma_semaphore, #tpu.memory_space<semaphore_mem>>) src(%arg10 : memref<256x64xf32, #tpu.memory_space<vmem>>) dst(%dma_wait3A_63 : memref<256x64xf32, #tpu.memory_space<hbm>>)
      tpu.yield
    }) : () -> ()
    %scan3A_21 = arith.constant 0 : i32
    %scan3A_22 = arith.constant 0 : i32
    %scan3A_23 = arith.constant 16 : i32
    %scan3A_24 = arith.addi %scan3A_22, %scan3A_23 : i32
    %scan3A_25 = arith.constant 1 : i32
    scf.for %scan3A_57 = %scan3A_22 to %scan3A_24 step %scan3A_25  : i32 {
      %mul3A_58 = arith.constant 16 : i32
      %mul3A_59 = arith.muli %scan3A_57, %mul3A_58 : i32
      %add3A_60 = arith.constant 256 : i32
      %add3A_61 = arith.addi %add3A_60, %mul3A_59 : i32
      %get3A = arith.index_cast %add3A_61 : i32 to index
      %get3A_62 = tpu.vector_load %arg8[%get3A] {strides = array<i32>} : memref<512xi32, #tpu.memory_space<vmem>>, vector<16xi32>,
      %get3A_63 = vector.shape_cast %get3A_62 : vector<16xi32> to vector<16xi32>
      %shift_right_logical3A = arith.constant 3 : i32
      %shift_right_logical3A_64 = vector.broadcast %shift_right_logical3A : i32 to vector<16xi32>
      %shift_right_logical3A_65 = arith.shrui %get3A_63, %shift_right_logical3A_64 : vector<16xi32>
      %and3A = arith.constant 7 : i32
      %and3A_66 = vector.broadcast %and3A : i32 to vector<16xi32>
      %and3A_67 = arith.andi %get3A_63, %and3A_66 : vector<16xi32>
      %slice3A = vector.extract_strided_slice %shift_right_logical3A_65 {offsets = [0], sizes = [1], strides = [1]} : vector<16xi32> to vector<1xi32>
      %squeeze3A = vector.extract %slice3A[0] : i32 from vector<1xi32>
      %slice3A_68 = vector.extract_strided_slice %and3A_67 {offsets = [0], sizes = [1], strides = [1]} : vector<16xi32> to vector<1xi32>
      %squeeze3A_69 = vector.extract %slice3A_68[0] : i32 from vector<1xi32>
      %mul3A_70 = arith.constant 16 : i32
      %mul3A_71 = arith.muli %scan3A_57, %mul3A_70 : i32
      %add3A_72 = arith.constant 0 : i32
      %add3A_73 = arith.addi %mul3A_71, %add3A_72 : i32
      %dma_start3A = arith.constant 0 : i32
      %dma_start3A_74 = tpu.memref_slice %arg10[%add3A_73, %dma_start3A] : memref<256x64xf32, #tpu.memory_space<vmem>> -> memref<1x64xf32, #tpu.memory_space<vmem>>
      %dma_start3A_75 = arith.constant 0 : i32
      %dma_start3A_76 = tpu.memref_slice %arg2[%squeeze3A, %squeeze3A_69, %dma_start3A_75] : memref<125000x8x64xf32, #tpu.memory_space<hbm>> -> memref<1x1x64xf32, #tpu.memory_space<hbm>>
      %dma_start3A_77 = tpu.memref_squeeze %dma_start3A_76 : memref<1x1x64xf32, #tpu.memory_space<hbm>> -> memref<1x64xf32, #tpu.memory_space<hbm>>
      %dma_start3A_78 = arith.constant 0 : i32
      %dma_start3A_79 = tpu.memref_slice %arg10[%add3A_73, %dma_start3A_78] : memref<256x64xf32, #tpu.memory_space<vmem>> -> memref<1x64xf32, #tpu.memory_space<vmem>>
      %dma_start3A_80 = arith.constant 0 : i32
      %dma_start3A_81 = tpu.memref_slice %arg2[%squeeze3A, %squeeze3A_69, %dma_start3A_80] : memref<125000x8x64xf32, #tpu.memory_space<hbm>> -> memref<1x1x64xf32, #tpu.memory_space<hbm>>
      %dma_start3A_82 = tpu.memref_squeeze %dma_start3A_81 : memref<1x1x64xf32, #tpu.memory_space<hbm>> -> memref<1x64xf32, #tpu.memory_space<hbm>>
      tpu.enqueue_dma source(%dma_start3A_82 : memref<1x64xf32, #tpu.memory_space<hbm>>) target(%dma_start3A_79 : memref<1x64xf32, #tpu.memory_space<vmem>>) target_semaphore(%arg12 : memref<!tpu.dma_semaphore, #tpu.memory_space<semaphore_mem>>)
      %slice3A_83 = vector.extract_strided_slice %shift_right_logical3A_65 {offsets = [1], sizes = [1], strides = [1]} : vector<16xi32> to vector<1xi32>
      %squeeze3A_84 = vector.extract %slice3A_83[0] : i32 from vector<1xi32>
      %slice3A_85 = vector.extract_strided_slice %and3A_67 {offsets = [1], sizes = [1], strides = [1]} : vector<16xi32> to vector<1xi32>
      %squeeze3A_86 = vector.extract %slice3A_85[0] : i32 from vector<1xi32>
      %mul3A_87 = arith.constant 16 : i32
      %mul3A_88 = arith.muli %scan3A_57, %mul3A_87 : i32
      %add3A_89 = arith.constant 1 : i32
      %add3A_90 = arith.addi %mul3A_88, %add3A_89 : i32
      %dma_start3A_91 = arith.constant 0 : i32
      %dma_start3A_92 = tpu.memref_slice %arg10[%add3A_90, %dma_start3A_91] : memref<256x64xf32, #tpu.memory_space<vmem>> -> memref<1x64xf32, #tpu.memory_space<vmem>>
      %dma_start3A_93 = arith.constant 0 : i32
      %dma_start3A_94 = tpu.memref_slice %arg2[%squeeze3A_84, %squeeze3A_86, %dma_start3A_93] : memref<125000x8x64xf32, #tpu.memory_space<hbm>> -> memref<1x1x64xf32, #tpu.memory_space<hbm>>
      %dma_start3A_95 = tpu.memref_squeeze %dma_start3A_94 : memref<1x1x64xf32, #tpu.memory_space<hbm>> -> memref<1x64xf32, #tpu.memory_space<hbm>>
      %dma_start3A_96 = arith.constant 0 : i32
      %dma_start3A_97 = tpu.memref_slice %arg10[%add3A_90, %dma_start3A_96] : memref<256x64xf32, #tpu.memory_space<vmem>> -> memref<1x64xf32, #tpu.memory_space<vmem>>
      %dma_start3A_98 = arith.constant 0 : i32
      %dma_start3A_99 = tpu.memref_slice %arg2[%squeeze3A_84, %squeeze3A_86, %dma_start3A_98] : memref<125000x8x64xf32, #tpu.memory_space<hbm>> -> memref<1x1x64xf32, #tpu.memory_space<hbm>>
      %dma_start3A_100 = tpu.memref_squeeze %dma_start3A_99 : memref<1x1x64xf32, #tpu.memory_space<hbm>> -> memref<1x64xf32, #tpu.memory_space<hbm>>
      tpu.enqueue_dma source(%dma_start3A_100 : memref<1x64xf32, #tpu.memory_space<hbm>>) target(%dma_start3A_97 : memref<1x64xf32, #tpu.memory_space<vmem>>) target_semaphore(%arg12 : memref<!tpu.dma_semaphore, #tpu.memory_space<semaphore_mem>>)
      %slice3A_101 = vector.extract_strided_slice %shift_right_logical3A_65 {offsets = [2], sizes = [1], strides = [1]} : vector<16xi32> to vector<1xi32>
      %squeeze3A_102 = vector.extract %slice3A_101[0] : i32 from vector<1xi32>
      %slice3A_103 = vector.extract_strided_slice %and3A_67 {offsets = [2], sizes = [1], strides = [1]} : vector<16xi32> to vector<1xi32>
      %squeeze3A_104 = vector.extract %slice3A_103[0] : i32 from vector<1xi32>
      %mul3A_105 = arith.constant 16 : i32
      %mul3A_106 = arith.muli %scan3A_57, %mul3A_105 : i32
      %add3A_107 = arith.constant 2 : i32
      %add3A_108 = arith.addi %mul3A_106, %add3A_107 : i32
      %dma_start3A_109 = arith.constant 0 : i32
      %dma_start3A_110 = tpu.memref_slice %arg10[%add3A_108, %dma_start3A_109] : memref<256x64xf32, #tpu.memory_space<vmem>> -> memref<1x64xf32, #tpu.memory_space<vmem>>
      %dma_start3A_111 = arith.constant 0 : i32
      %dma_start3A_112 = tpu.memref_slice %arg2[%squeeze3A_102, %squeeze3A_104, %dma_start3A_111] : memref<125000x8x64xf32, #tpu.memory_space<hbm>> -> memref<1x1x64xf32, #tpu.memory_space<hbm>>
      %dma_start3A_113 = tpu.memref_squeeze %dma_start3A_112 : memref<1x1x64xf32, #tpu.memory_space<hbm>> -> memref<1x64xf32, #tpu.memory_space<hbm>>
      %dma_start3A_114 = arith.constant 0 : i32
      %dma_start3A_115 = tpu.memref_slice %arg10[%add3A_108, %dma_start3A_114] : memref<256x64xf32, #tpu.memory_space<vmem>> -> memref<1x64xf32, #tpu.memory_space<vmem>>
      %dma_start3A_116 = arith.constant 0 : i32
      %dma_start3A_117 = tpu.memref_slice %arg2[%squeeze3A_102, %squeeze3A_104, %dma_start3A_116] : memref<125000x8x64xf32, #tpu.memory_space<hbm>> -> memref<1x1x64xf32, #tpu.memory_space<hbm>>
      %dma_start3A_118 = tpu.memref_squeeze %dma_start3A_117 : memref<1x1x64xf32, #tpu.memory_space<hbm>> -> memref<1x64xf32, #tpu.memory_space<hbm>>
      tpu.enqueue_dma source(%dma_start3A_118 : memref<1x64xf32, #tpu.memory_space<hbm>>) target(%dma_start3A_115 : memref<1x64xf32, #tpu.memory_space<vmem>>) target_semaphore(%arg12 : memref<!tpu.dma_semaphore, #tpu.memory_space<semaphore_mem>>)
      %slice3A_119 = vector.extract_strided_slice %shift_right_logical3A_65 {offsets = [3], sizes = [1], strides = [1]} : vector<16xi32> to vector<1xi32>
      %squeeze3A_120 = vector.extract %slice3A_119[0] : i32 from vector<1xi32>
      %slice3A_121 = vector.extract_strided_slice %and3A_67 {offsets = [3], sizes = [1], strides = [1]} : vector<16xi32> to vector<1xi32>
      %squeeze3A_122 = vector.extract %slice3A_121[0] : i32 from vector<1xi32>
      %mul3A_123 = arith.constant 16 : i32
      %mul3A_124 = arith.muli %scan3A_57, %mul3A_123 : i32
      %add3A_125 = arith.constant 3 : i32
      %add3A_126 = arith.addi %mul3A_124, %add3A_125 : i32
      %dma_start3A_127 = arith.constant 0 : i32
      %dma_start3A_128 = tpu.memref_slice %arg10[%add3A_126, %dma_start3A_127] : memref<256x64xf32, #tpu.memory_space<vmem>> -> memref<1x64xf32, #tpu.memory_space<vmem>>
      %dma_start3A_129 = arith.constant 0 : i32
      %dma_start3A_130 = tpu.memref_slice %arg2[%squeeze3A_120, %squeeze3A_122, %dma_start3A_129] : memref<125000x8x64xf32, #tpu.memory_space<hbm>> -> memref<1x1x64xf32, #tpu.memory_space<hbm>>
      %dma_start3A_131 = tpu.memref_squeeze %dma_start3A_130 : memref<1x1x64xf32, #tpu.memory_space<hbm>> -> memref<1x64xf32, #tpu.memory_space<hbm>>
      %dma_start3A_132 = arith.constant 0 : i32
      %dma_start3A_133 = tpu.memref_slice %arg10[%add3A_126, %dma_start3A_132] : memref<256x64xf32, #tpu.memory_space<vmem>> -> memref<1x64xf32, #tpu.memory_space<vmem>>
      %dma_start3A_134 = arith.constant 0 : i32
      %dma_start3A_135 = tpu.memref_slice %arg2[%squeeze3A_120, %squeeze3A_122, %dma_start3A_134] : memref<125000x8x64xf32, #tpu.memory_space<hbm>> -> memref<1x1x64xf32, #tpu.memory_space<hbm>>
      %dma_start3A_136 = tpu.memref_squeeze %dma_start3A_135 : memref<1x1x64xf32, #tpu.memory_space<hbm>> -> memref<1x64xf32, #tpu.memory_space<hbm>>
      tpu.enqueue_dma source(%dma_start3A_136 : memref<1x64xf32, #tpu.memory_space<hbm>>) target(%dma_start3A_133 : memref<1x64xf32, #tpu.memory_space<vmem>>) target_semaphore(%arg12 : memref<!tpu.dma_semaphore, #tpu.memory_space<semaphore_mem>>)
      %slice3A_137 = vector.extract_strided_slice %shift_right_logical3A_65 {offsets = [4], sizes = [1], strides = [1]} : vector<16xi32> to vector<1xi32>
      %squeeze3A_138 = vector.extract %slice3A_137[0] : i32 from vector<1xi32>
      %slice3A_139 = vector.extract_strided_slice %and3A_67 {offsets = [4], sizes = [1], strides = [1]} : vector<16xi32> to vector<1xi32>
      %squeeze3A_140 = vector.extract %slice3A_139[0] : i32 from vector<1xi32>
      %mul3A_141 = arith.constant 16 : i32
      %mul3A_142 = arith.muli %scan3A_57, %mul3A_141 : i32
      %add3A_143 = arith.constant 4 : i32
      %add3A_144 = arith.addi %mul3A_142, %add3A_143 : i32
      %dma_start3A_145 = arith.constant 0 : i32
      %dma_start3A_146 = tpu.memref_slice %arg10[%add3A_144, %dma_start3A_145] : memref<256x64xf32, #tpu.memory_space<vmem>> -> memref<1x64xf32, #tpu.memory_space<vmem>>
      %dma_start3A_147 = arith.constant 0 : i32
      %dma_start3A_148 = tpu.memref_slice %arg2[%squeeze3A_138, %squeeze3A_140, %dma_start3A_147] : memref<125000x8x64xf32, #tpu.memory_space<hbm>> -> memref<1x1x64xf32, #tpu.memory_space<hbm>>
      %dma_start3A_149 = tpu.memref_squeeze %dma_start3A_148 : memref<1x1x64xf32, #tpu.memory_space<hbm>> -> memref<1x64xf32, #tpu.memory_space<hbm>>
      %dma_start3A_150 = arith.constant 0 : i32
      %dma_start3A_151 = tpu.memref_slice %arg10[%add3A_144, %dma_start3A_150] : memref<256x64xf32, #tpu.memory_space<vmem>> -> memref<1x64xf32, #tpu.memory_space<vmem>>
      %dma_start3A_152 = arith.constant 0 : i32
      %dma_start3A_153 = tpu.memref_slice %arg2[%squeeze3A_138, %squeeze3A_140, %dma_start3A_152] : memref<125000x8x64xf32, #tpu.memory_space<hbm>> -> memref<1x1x64xf32, #tpu.memory_space<hbm>>
      %dma_start3A_154 = tpu.memref_squeeze %dma_start3A_153 : memref<1x1x64xf32, #tpu.memory_space<hbm>> -> memref<1x64xf32, #tpu.memory_space<hbm>>
      tpu.enqueue_dma source(%dma_start3A_154 : memref<1x64xf32, #tpu.memory_space<hbm>>) target(%dma_start3A_151 : memref<1x64xf32, #tpu.memory_space<vmem>>) target_semaphore(%arg12 : memref<!tpu.dma_semaphore, #tpu.memory_space<semaphore_mem>>)
      %slice3A_155 = vector.extract_strided_slice %shift_right_logical3A_65 {offsets = [5], sizes = [1], strides = [1]} : vector<16xi32> to vector<1xi32>
      %squeeze3A_156 = vector.extract %slice3A_155[0] : i32 from vector<1xi32>
      %slice3A_157 = vector.extract_strided_slice %and3A_67 {offsets = [5], sizes = [1], strides = [1]} : vector<16xi32> to vector<1xi32>
      %squeeze3A_158 = vector.extract %slice3A_157[0] : i32 from vector<1xi32>
      %mul3A_159 = arith.constant 16 : i32
      %mul3A_160 = arith.muli %scan3A_57, %mul3A_159 : i32
      %add3A_161 = arith.constant 5 : i32
      %add3A_162 = arith.addi %mul3A_160, %add3A_161 : i32
      %dma_start3A_163 = arith.constant 0 : i32
      %dma_start3A_164 = tpu.memref_slice %arg10[%add3A_162, %dma_start3A_163] : memref<256x64xf32, #tpu.memory_space<vmem>> -> memref<1x64xf32, #tpu.memory_space<vmem>>
      %dma_start3A_165 = arith.constant 0 : i32
      %dma_start3A_166 = tpu.memref_slice %arg2[%squeeze3A_156, %squeeze3A_158, %dma_start3A_165] : memref<125000x8x64xf32, #tpu.memory_space<hbm>> -> memref<1x1x64xf32, #tpu.memory_space<hbm>>
      %dma_start3A_167 = tpu.memref_squeeze %dma_start3A_166 : memref<1x1x64xf32, #tpu.memory_space<hbm>> -> memref<1x64xf32, #tpu.memory_space<hbm>>
      %dma_start3A_168 = arith.constant 0 : i32
      %dma_start3A_169 = tpu.memref_slice %arg10[%add3A_162, %dma_start3A_168] : memref<256x64xf32, #tpu.memory_space<vmem>> -> memref<1x64xf32, #tpu.memory_space<vmem>>
      %dma_start3A_170 = arith.constant 0 : i32
      %dma_start3A_171 = tpu.memref_slice %arg2[%squeeze3A_156, %squeeze3A_158, %dma_start3A_170] : memref<125000x8x64xf32, #tpu.memory_space<hbm>> -> memref<1x1x64xf32, #tpu.memory_space<hbm>>
      %dma_start3A_172 = tpu.memref_squeeze %dma_start3A_171 : memref<1x1x64xf32, #tpu.memory_space<hbm>> -> memref<1x64xf32, #tpu.memory_space<hbm>>
      tpu.enqueue_dma source(%dma_start3A_172 : memref<1x64xf32, #tpu.memory_space<hbm>>) target(%dma_start3A_169 : memref<1x64xf32, #tpu.memory_space<vmem>>) target_semaphore(%arg12 : memref<!tpu.dma_semaphore, #tpu.memory_space<semaphore_mem>>)
      %slice3A_173 = vector.extract_strided_slice %shift_right_logical3A_65 {offsets = [6], sizes = [1], strides = [1]} : vector<16xi32> to vector<1xi32>
      %squeeze3A_174 = vector.extract %slice3A_173[0] : i32 from vector<1xi32>
      %slice3A_175 = vector.extract_strided_slice %and3A_67 {offsets = [6], sizes = [1], strides = [1]} : vector<16xi32> to vector<1xi32>
      %squeeze3A_176 = vector.extract %slice3A_175[0] : i32 from vector<1xi32>
      %mul3A_177 = arith.constant 16 : i32
      %mul3A_178 = arith.muli %scan3A_57, %mul3A_177 : i32
      %add3A_179 = arith.constant 6 : i32
      %add3A_180 = arith.addi %mul3A_178, %add3A_179 : i32
      %dma_start3A_181 = arith.constant 0 : i32
      %dma_start3A_182 = tpu.memref_slice %arg10[%add3A_180, %dma_start3A_181] : memref<256x64xf32, #tpu.memory_space<vmem>> -> memref<1x64xf32, #tpu.memory_space<vmem>>
      %dma_start3A_183 = arith.constant 0 : i32
      %dma_start3A_184 = tpu.memref_slice %arg2[%squeeze3A_174, %squeeze3A_176, %dma_start3A_183] : memref<125000x8x64xf32, #tpu.memory_space<hbm>> -> memref<1x1x64xf32, #tpu.memory_space<hbm>>
      %dma_start3A_185 = tpu.memref_squeeze %dma_start3A_184 : memref<1x1x64xf32, #tpu.memory_space<hbm>> -> memref<1x64xf32, #tpu.memory_space<hbm>>
      %dma_start3A_186 = arith.constant 0 : i32
      %dma_start3A_187 = tpu.memref_slice %arg10[%add3A_180, %dma_start3A_186] : memref<256x64xf32, #tpu.memory_space<vmem>> -> memref<1x64xf32, #tpu.memory_space<vmem>>
      %dma_start3A_188 = arith.constant 0 : i32
      %dma_start3A_189 = tpu.memref_slice %arg2[%squeeze3A_174, %squeeze3A_176, %dma_start3A_188] : memref<125000x8x64xf32, #tpu.memory_space<hbm>> -> memref<1x1x64xf32, #tpu.memory_space<hbm>>
      %dma_start3A_190 = tpu.memref_squeeze %dma_start3A_189 : memref<1x1x64xf32, #tpu.memory_space<hbm>> -> memref<1x64xf32, #tpu.memory_space<hbm>>
      tpu.enqueue_dma source(%dma_start3A_190 : memref<1x64xf32, #tpu.memory_space<hbm>>) target(%dma_start3A_187 : memref<1x64xf32, #tpu.memory_space<vmem>>) target_semaphore(%arg12 : memref<!tpu.dma_semaphore, #tpu.memory_space<semaphore_mem>>)
      %slice3A_191 = vector.extract_strided_slice %shift_right_logical3A_65 {offsets = [7], sizes = [1], strides = [1]} : vector<16xi32> to vector<1xi32>
      %squeeze3A_192 = vector.extract %slice3A_191[0] : i32 from vector<1xi32>
      %slice3A_193 = vector.extract_strided_slice %and3A_67 {offsets = [7], sizes = [1], strides = [1]} : vector<16xi32> to vector<1xi32>
      %squeeze3A_194 = vector.extract %slice3A_193[0] : i32 from vector<1xi32>
      %mul3A_195 = arith.constant 16 : i32
      %mul3A_196 = arith.muli %scan3A_57, %mul3A_195 : i32
      %add3A_197 = arith.constant 7 : i32
      %add3A_198 = arith.addi %mul3A_196, %add3A_197 : i32
      %dma_start3A_199 = arith.constant 0 : i32
      %dma_start3A_200 = tpu.memref_slice %arg10[%add3A_198, %dma_start3A_199] : memref<256x64xf32, #tpu.memory_space<vmem>> -> memref<1x64xf32, #tpu.memory_space<vmem>>
      %dma_start3A_201 = arith.constant 0 : i32
      %dma_start3A_202 = tpu.memref_slice %arg2[%squeeze3A_192, %squeeze3A_194, %dma_start3A_201] : memref<125000x8x64xf32, #tpu.memory_space<hbm>> -> memref<1x1x64xf32, #tpu.memory_space<hbm>>
      %dma_start3A_203 = tpu.memref_squeeze %dma_start3A_202 : memref<1x1x64xf32, #tpu.memory_space<hbm>> -> memref<1x64xf32, #tpu.memory_space<hbm>>
      %dma_start3A_204 = arith.constant 0 : i32
      %dma_start3A_205 = tpu.memref_slice %arg10[%add3A_198, %dma_start3A_204] : memref<256x64xf32, #tpu.memory_space<vmem>> -> memref<1x64xf32, #tpu.memory_space<vmem>>
      %dma_start3A_206 = arith.constant 0 : i32
      %dma_start3A_207 = tpu.memref_slice %arg2[%squeeze3A_192, %squeeze3A_194, %dma_start3A_206] : memref<125000x8x64xf32, #tpu.memory_space<hbm>> -> memref<1x1x64xf32, #tpu.memory_space<hbm>>
      %dma_start3A_208 = tpu.memref_squeeze %dma_start3A_207 : memref<1x1x64xf32, #tpu.memory_space<hbm>> -> memref<1x64xf32, #tpu.memory_space<hbm>>
      tpu.enqueue_dma source(%dma_start3A_208 : memref<1x64xf32, #tpu.memory_space<hbm>>) target(%dma_start3A_205 : memref<1x64xf32, #tpu.memory_space<vmem>>) target_semaphore(%arg12 : memref<!tpu.dma_semaphore, #tpu.memory_space<semaphore_mem>>)
      %slice3A_209 = vector.extract_strided_slice %shift_right_logical3A_65 {offsets = [8], sizes = [1], strides = [1]} : vector<16xi32> to vector<1xi32>
      %squeeze3A_210 = vector.extract %slice3A_209[0] : i32 from vector<1xi32>
      %slice3A_211 = vector.extract_strided_slice %and3A_67 {offsets = [8], sizes = [1], strides = [1]} : vector<16xi32> to vector<1xi32>
      %squeeze3A_212 = vector.extract %slice3A_211[0] : i32 from vector<1xi32>
      %mul3A_213 = arith.constant 16 : i32
      %mul3A_214 = arith.muli %scan3A_57, %mul3A_213 : i32
      %add3A_215 = arith.constant 8 : i32
      %add3A_216 = arith.addi %mul3A_214, %add3A_215 : i32
      %dma_start3A_217 = arith.constant 0 : i32
      %dma_start3A_218 = tpu.memref_slice %arg10[%add3A_216, %dma_start3A_217] : memref<256x64xf32, #tpu.memory_space<vmem>> -> memref<1x64xf32, #tpu.memory_space<vmem>>
      %dma_start3A_219 = arith.constant 0 : i32
      %dma_start3A_220 = tpu.memref_slice %arg2[%squeeze3A_210, %squeeze3A_212, %dma_start3A_219] : memref<125000x8x64xf32, #tpu.memory_space<hbm>> -> memref<1x1x64xf32, #tpu.memory_space<hbm>>
      %dma_start3A_221 = tpu.memref_squeeze %dma_start3A_220 : memref<1x1x64xf32, #tpu.memory_space<hbm>> -> memref<1x64xf32, #tpu.memory_space<hbm>>
      %dma_start3A_222 = arith.constant 0 : i32
      %dma_start3A_223 = tpu.memref_slice %arg10[%add3A_216, %dma_start3A_222] : memref<256x64xf32, #tpu.memory_space<vmem>> -> memref<1x64xf32, #tpu.memory_space<vmem>>
      %dma_start3A_224 = arith.constant 0 : i32
      %dma_start3A_225 = tpu.memref_slice %arg2[%squeeze3A_210, %squeeze3A_212, %dma_start3A_224] : memref<125000x8x64xf32, #tpu.memory_space<hbm>> -> memref<1x1x64xf32, #tpu.memory_space<hbm>>
      %dma_start3A_226 = tpu.memref_squeeze %dma_start3A_225 : memref<1x1x64xf32, #tpu.memory_space<hbm>> -> memref<1x64xf32, #tpu.memory_space<hbm>>
      tpu.enqueue_dma source(%dma_start3A_226 : memref<1x64xf32, #tpu.memory_space<hbm>>) target(%dma_start3A_223 : memref<1x64xf32, #tpu.memory_space<vmem>>) target_semaphore(%arg12 : memref<!tpu.dma_semaphore, #tpu.memory_space<semaphore_mem>>)
      %slice3A_227 = vector.extract_strided_slice %shift_right_logical3A_65 {offsets = [9], sizes = [1], strides = [1]} : vector<16xi32> to vector<1xi32>
      %squeeze3A_228 = vector.extract %slice3A_227[0] : i32 from vector<1xi32>
      %slice3A_229 = vector.extract_strided_slice %and3A_67 {offsets = [9], sizes = [1], strides = [1]} : vector<16xi32> to vector<1xi32>
      %squeeze3A_230 = vector.extract %slice3A_229[0] : i32 from vector<1xi32>
      %mul3A_231 = arith.constant 16 : i32
      %mul3A_232 = arith.muli %scan3A_57, %mul3A_231 : i32
      %add3A_233 = arith.constant 9 : i32
      %add3A_234 = arith.addi %mul3A_232, %add3A_233 : i32
      %dma_start3A_235 = arith.constant 0 : i32
      %dma_start3A_236 = tpu.memref_slice %arg10[%add3A_234, %dma_start3A_235] : memref<256x64xf32, #tpu.memory_space<vmem>> -> memref<1x64xf32, #tpu.memory_space<vmem>>
      %dma_start3A_237 = arith.constant 0 : i32
      %dma_start3A_238 = tpu.memref_slice %arg2[%squeeze3A_228, %squeeze3A_230, %dma_start3A_237] : memref<125000x8x64xf32, #tpu.memory_space<hbm>> -> memref<1x1x64xf32, #tpu.memory_space<hbm>>
      %dma_start3A_239 = tpu.memref_squeeze %dma_start3A_238 : memref<1x1x64xf32, #tpu.memory_space<hbm>> -> memref<1x64xf32, #tpu.memory_space<hbm>>
      %dma_start3A_240 = arith.constant 0 : i32
      %dma_start3A_241 = tpu.memref_slice %arg10[%add3A_234, %dma_start3A_240] : memref<256x64xf32, #tpu.memory_space<vmem>> -> memref<1x64xf32, #tpu.memory_space<vmem>>
      %dma_start3A_242 = arith.constant 0 : i32
      %dma_start3A_243 = tpu.memref_slice %arg2[%squeeze3A_228, %squeeze3A_230, %dma_start3A_242] : memref<125000x8x64xf32, #tpu.memory_space<hbm>> -> memref<1x1x64xf32, #tpu.memory_space<hbm>>
      %dma_start3A_244 = tpu.memref_squeeze %dma_start3A_243 : memref<1x1x64xf32, #tpu.memory_space<hbm>> -> memref<1x64xf32, #tpu.memory_space<hbm>>
      tpu.enqueue_dma source(%dma_start3A_244 : memref<1x64xf32, #tpu.memory_space<hbm>>) target(%dma_start3A_241 : memref<1x64xf32, #tpu.memory_space<vmem>>) target_semaphore(%arg12 : memref<!tpu.dma_semaphore, #tpu.memory_space<semaphore_mem>>)
      %slice3A_245 = vector.extract_strided_slice %shift_right_logical3A_65 {offsets = [10], sizes = [1], strides = [1]} : vector<16xi32> to vector<1xi32>
      %squeeze3A_246 = vector.extract %slice3A_245[0] : i32 from vector<1xi32>
      %slice3A_247 = vector.extract_strided_slice %and3A_67 {offsets = [10], sizes = [1], strides = [1]} : vector<16xi32> to vector<1xi32>
      %squeeze3A_248 = vector.extract %slice3A_247[0] : i32 from vector<1xi32>
      %mul3A_249 = arith.constant 16 : i32
      %mul3A_250 = arith.muli %scan3A_57, %mul3A_249 : i32
      %add3A_251 = arith.constant 10 : i32
      %add3A_252 = arith.addi %mul3A_250, %add3A_251 : i32
      %dma_start3A_253 = arith.constant 0 : i32
      %dma_start3A_254 = tpu.memref_slice %arg10[%add3A_252, %dma_start3A_253] : memref<256x64xf32, #tpu.memory_space<vmem>> -> memref<1x64xf32, #tpu.memory_space<vmem>>
      %dma_start3A_255 = arith.constant 0 : i32
      %dma_start3A_256 = tpu.memref_slice %arg2[%squeeze3A_246, %squeeze3A_248, %dma_start3A_255] : memref<125000x8x64xf32, #tpu.memory_space<hbm>> -> memref<1x1x64xf32, #tpu.memory_space<hbm>>
      %dma_start3A_257 = tpu.memref_squeeze %dma_start3A_256 : memref<1x1x64xf32, #tpu.memory_space<hbm>> -> memref<1x64xf32, #tpu.memory_space<hbm>>
      %dma_start3A_258 = arith.constant 0 : i32
      %dma_start3A_259 = tpu.memref_slice %arg10[%add3A_252, %dma_start3A_258] : memref<256x64xf32, #tpu.memory_space<vmem>> -> memref<1x64xf32, #tpu.memory_space<vmem>>
      %dma_start3A_260 = arith.constant 0 : i32
      %dma_start3A_261 = tpu.memref_slice %arg2[%squeeze3A_246, %squeeze3A_248, %dma_start3A_260] : memref<125000x8x64xf32, #tpu.memory_space<hbm>> -> memref<1x1x64xf32, #tpu.memory_space<hbm>>
      %dma_start3A_262 = tpu.memref_squeeze %dma_start3A_261 : memref<1x1x64xf32, #tpu.memory_space<hbm>> -> memref<1x64xf32, #tpu.memory_space<hbm>>
      tpu.enqueue_dma source(%dma_start3A_262 : memref<1x64xf32, #tpu.memory_space<hbm>>) target(%dma_start3A_259 : memref<1x64xf32, #tpu.memory_space<vmem>>) target_semaphore(%arg12 : memref<!tpu.dma_semaphore, #tpu.memory_space<semaphore_mem>>)
      %slice3A_263 = vector.extract_strided_slice %shift_right_logical3A_65 {offsets = [11], sizes = [1], strides = [1]} : vector<16xi32> to vector<1xi32>
      %squeeze3A_264 = vector.extract %slice3A_263[0] : i32 from vector<1xi32>
      %slice3A_265 = vector.extract_strided_slice %and3A_67 {offsets = [11], sizes = [1], strides = [1]} : vector<16xi32> to vector<1xi32>
      %squeeze3A_266 = vector.extract %slice3A_265[0] : i32 from vector<1xi32>
      %mul3A_267 = arith.constant 16 : i32
      %mul3A_268 = arith.muli %scan3A_57, %mul3A_267 : i32
      %add3A_269 = arith.constant 11 : i32
      %add3A_270 = arith.addi %mul3A_268, %add3A_269 : i32
      %dma_start3A_271 = arith.constant 0 : i32
      %dma_start3A_272 = tpu.memref_slice %arg10[%add3A_270, %dma_start3A_271] : memref<256x64xf32, #tpu.memory_space<vmem>> -> memref<1x64xf32, #tpu.memory_space<vmem>>
      %dma_start3A_273 = arith.constant 0 : i32
      %dma_start3A_274 = tpu.memref_slice %arg2[%squeeze3A_264, %squeeze3A_266, %dma_start3A_273] : memref<125000x8x64xf32, #tpu.memory_space<hbm>> -> memref<1x1x64xf32, #tpu.memory_space<hbm>>
      %dma_start3A_275 = tpu.memref_squeeze %dma_start3A_274 : memref<1x1x64xf32, #tpu.memory_space<hbm>> -> memref<1x64xf32, #tpu.memory_space<hbm>>
      %dma_start3A_276 = arith.constant 0 : i32
      %dma_start3A_277 = tpu.memref_slice %arg10[%add3A_270, %dma_start3A_276] : memref<256x64xf32, #tpu.memory_space<vmem>> -> memref<1x64xf32, #tpu.memory_space<vmem>>
      %dma_start3A_278 = arith.constant 0 : i32
      %dma_start3A_279 = tpu.memref_slice %arg2[%squeeze3A_264, %squeeze3A_266, %dma_start3A_278] : memref<125000x8x64xf32, #tpu.memory_space<hbm>> -> memref<1x1x64xf32, #tpu.memory_space<hbm>>
      %dma_start3A_280 = tpu.memref_squeeze %dma_start3A_279 : memref<1x1x64xf32, #tpu.memory_space<hbm>> -> memref<1x64xf32, #tpu.memory_space<hbm>>
      tpu.enqueue_dma source(%dma_start3A_280 : memref<1x64xf32, #tpu.memory_space<hbm>>) target(%dma_start3A_277 : memref<1x64xf32, #tpu.memory_space<vmem>>) target_semaphore(%arg12 : memref<!tpu.dma_semaphore, #tpu.memory_space<semaphore_mem>>)
      %slice3A_281 = vector.extract_strided_slice %shift_right_logical3A_65 {offsets = [12], sizes = [1], strides = [1]} : vector<16xi32> to vector<1xi32>
      %squeeze3A_282 = vector.extract %slice3A_281[0] : i32 from vector<1xi32>
      %slice3A_283 = vector.extract_strided_slice %and3A_67 {offsets = [12], sizes = [1], strides = [1]} : vector<16xi32> to vector<1xi32>
      %squeeze3A_284 = vector.extract %slice3A_283[0] : i32 from vector<1xi32>
      %mul3A_285 = arith.constant 16 : i32
      %mul3A_286 = arith.muli %scan3A_57, %mul3A_285 : i32
      %add3A_287 = arith.constant 12 : i32
      %add3A_288 = arith.addi %mul3A_286, %add3A_287 : i32
      %dma_start3A_289 = arith.constant 0 : i32
      %dma_start3A_290 = tpu.memref_slice %arg10[%add3A_288, %dma_start3A_289] : memref<256x64xf32, #tpu.memory_space<vmem>> -> memref<1x64xf32, #tpu.memory_space<vmem>>
      %dma_start3A_291 = arith.constant 0 : i32
      %dma_start3A_292 = tpu.memref_slice %arg2[%squeeze3A_282, %squeeze3A_284, %dma_start3A_291] : memref<125000x8x64xf32, #tpu.memory_space<hbm>> -> memref<1x1x64xf32, #tpu.memory_space<hbm>>
      %dma_start3A_293 = tpu.memref_squeeze %dma_start3A_292 : memref<1x1x64xf32, #tpu.memory_space<hbm>> -> memref<1x64xf32, #tpu.memory_space<hbm>>
      %dma_start3A_294 = arith.constant 0 : i32
      %dma_start3A_295 = tpu.memref_slice %arg10[%add3A_288, %dma_start3A_294] : memref<256x64xf32, #tpu.memory_space<vmem>> -> memref<1x64xf32, #tpu.memory_space<vmem>>
      %dma_start3A_296 = arith.constant 0 : i32
      %dma_start3A_297 = tpu.memref_slice %arg2[%squeeze3A_282, %squeeze3A_284, %dma_start3A_296] : memref<125000x8x64xf32, #tpu.memory_space<hbm>> -> memref<1x1x64xf32, #tpu.memory_space<hbm>>
      %dma_start3A_298 = tpu.memref_squeeze %dma_start3A_297 : memref<1x1x64xf32, #tpu.memory_space<hbm>> -> memref<1x64xf32, #tpu.memory_space<hbm>>
      tpu.enqueue_dma source(%dma_start3A_298 : memref<1x64xf32, #tpu.memory_space<hbm>>) target(%dma_start3A_295 : memref<1x64xf32, #tpu.memory_space<vmem>>) target_semaphore(%arg12 : memref<!tpu.dma_semaphore, #tpu.memory_space<semaphore_mem>>)
      %slice3A_299 = vector.extract_strided_slice %shift_right_logical3A_65 {offsets = [13], sizes = [1], strides = [1]} : vector<16xi32> to vector<1xi32>
      %squeeze3A_300 = vector.extract %slice3A_299[0] : i32 from vector<1xi32>
      %slice3A_301 = vector.extract_strided_slice %and3A_67 {offsets = [13], sizes = [1], strides = [1]} : vector<16xi32> to vector<1xi32>
      %squeeze3A_302 = vector.extract %slice3A_301[0] : i32 from vector<1xi32>
      %mul3A_303 = arith.constant 16 : i32
      %mul3A_304 = arith.muli %scan3A_57, %mul3A_303 : i32
      %add3A_305 = arith.constant 13 : i32
      %add3A_306 = arith.addi %mul3A_304, %add3A_305 : i32
      %dma_start3A_307 = arith.constant 0 : i32
      %dma_start3A_308 = tpu.memref_slice %arg10[%add3A_306, %dma_start3A_307] : memref<256x64xf32, #tpu.memory_space<vmem>> -> memref<1x64xf32, #tpu.memory_space<vmem>>
      %dma_start3A_309 = arith.constant 0 : i32
      %dma_start3A_310 = tpu.memref_slice %arg2[%squeeze3A_300, %squeeze3A_302, %dma_start3A_309] : memref<125000x8x64xf32, #tpu.memory_space<hbm>> -> memref<1x1x64xf32, #tpu.memory_space<hbm>>
      %dma_start3A_311 = tpu.memref_squeeze %dma_start3A_310 : memref<1x1x64xf32, #tpu.memory_space<hbm>> -> memref<1x64xf32, #tpu.memory_space<hbm>>
      %dma_start3A_312 = arith.constant 0 : i32
      %dma_start3A_313 = tpu.memref_slice %arg10[%add3A_306, %dma_start3A_312] : memref<256x64xf32, #tpu.memory_space<vmem>> -> memref<1x64xf32, #tpu.memory_space<vmem>>
      %dma_start3A_314 = arith.constant 0 : i32
      %dma_start3A_315 = tpu.memref_slice %arg2[%squeeze3A_300, %squeeze3A_302, %dma_start3A_314] : memref<125000x8x64xf32, #tpu.memory_space<hbm>> -> memref<1x1x64xf32, #tpu.memory_space<hbm>>
      %dma_start3A_316 = tpu.memref_squeeze %dma_start3A_315 : memref<1x1x64xf32, #tpu.memory_space<hbm>> -> memref<1x64xf32, #tpu.memory_space<hbm>>
      tpu.enqueue_dma source(%dma_start3A_316 : memref<1x64xf32, #tpu.memory_space<hbm>>) target(%dma_start3A_313 : memref<1x64xf32, #tpu.memory_space<vmem>>) target_semaphore(%arg12 : memref<!tpu.dma_semaphore, #tpu.memory_space<semaphore_mem>>)
      %slice3A_317 = vector.extract_strided_slice %shift_right_logical3A_65 {offsets = [14], sizes = [1], strides = [1]} : vector<16xi32> to vector<1xi32>
      %squeeze3A_318 = vector.extract %slice3A_317[0] : i32 from vector<1xi32>
      %slice3A_319 = vector.extract_strided_slice %and3A_67 {offsets = [14], sizes = [1], strides = [1]} : vector<16xi32> to vector<1xi32>
      %squeeze3A_320 = vector.extract %slice3A_319[0] : i32 from vector<1xi32>
      %mul3A_321 = arith.constant 16 : i32
      %mul3A_322 = arith.muli %scan3A_57, %mul3A_321 : i32
      %add3A_323 = arith.constant 14 : i32
      %add3A_324 = arith.addi %mul3A_322, %add3A_323 : i32
      %dma_start3A_325 = arith.constant 0 : i32
      %dma_start3A_326 = tpu.memref_slice %arg10[%add3A_324, %dma_start3A_325] : memref<256x64xf32, #tpu.memory_space<vmem>> -> memref<1x64xf32, #tpu.memory_space<vmem>>
      %dma_start3A_327 = arith.constant 0 : i32
      %dma_start3A_328 = tpu.memref_slice %arg2[%squeeze3A_318, %squeeze3A_320, %dma_start3A_327] : memref<125000x8x64xf32, #tpu.memory_space<hbm>> -> memref<1x1x64xf32, #tpu.memory_space<hbm>>
      %dma_start3A_329 = tpu.memref_squeeze %dma_start3A_328 : memref<1x1x64xf32, #tpu.memory_space<hbm>> -> memref<1x64xf32, #tpu.memory_space<hbm>>
      %dma_start3A_330 = arith.constant 0 : i32
      %dma_start3A_331 = tpu.memref_slice %arg10[%add3A_324, %dma_start3A_330] : memref<256x64xf32, #tpu.memory_space<vmem>> -> memref<1x64xf32, #tpu.memory_space<vmem>>
      %dma_start3A_332 = arith.constant 0 : i32
      %dma_start3A_333 = tpu.memref_slice %arg2[%squeeze3A_318, %squeeze3A_320, %dma_start3A_332] : memref<125000x8x64xf32, #tpu.memory_space<hbm>> -> memref<1x1x64xf32, #tpu.memory_space<hbm>>
      %dma_start3A_334 = tpu.memref_squeeze %dma_start3A_333 : memref<1x1x64xf32, #tpu.memory_space<hbm>> -> memref<1x64xf32, #tpu.memory_space<hbm>>
      tpu.enqueue_dma source(%dma_start3A_334 : memref<1x64xf32, #tpu.memory_space<hbm>>) target(%dma_start3A_331 : memref<1x64xf32, #tpu.memory_space<vmem>>) target_semaphore(%arg12 : memref<!tpu.dma_semaphore, #tpu.memory_space<semaphore_mem>>)
      %slice3A_335 = vector.extract_strided_slice %shift_right_logical3A_65 {offsets = [15], sizes = [1], strides = [1]} : vector<16xi32> to vector<1xi32>
      %squeeze3A_336 = vector.extract %slice3A_335[0] : i32 from vector<1xi32>
      %slice3A_337 = vector.extract_strided_slice %and3A_67 {offsets = [15], sizes = [1], strides = [1]} : vector<16xi32> to vector<1xi32>
      %squeeze3A_338 = vector.extract %slice3A_337[0] : i32 from vector<1xi32>
      %mul3A_339 = arith.constant 16 : i32
      %mul3A_340 = arith.muli %scan3A_57, %mul3A_339 : i32
      %add3A_341 = arith.constant 15 : i32
      %add3A_342 = arith.addi %mul3A_340, %add3A_341 : i32
      %dma_start3A_343 = arith.constant 0 : i32
      %dma_start3A_344 = tpu.memref_slice %arg10[%add3A_342, %dma_start3A_343] : memref<256x64xf32, #tpu.memory_space<vmem>> -> memref<1x64xf32, #tpu.memory_space<vmem>>
      %dma_start3A_345 = arith.constant 0 : i32
      %dma_start3A_346 = tpu.memref_slice %arg2[%squeeze3A_336, %squeeze3A_338, %dma_start3A_345] : memref<125000x8x64xf32, #tpu.memory_space<hbm>> -> memref<1x1x64xf32, #tpu.memory_space<hbm>>
      %dma_start3A_347 = tpu.memref_squeeze %dma_start3A_346 : memref<1x1x64xf32, #tpu.memory_space<hbm>> -> memref<1x64xf32, #tpu.memory_space<hbm>>
      %dma_start3A_348 = arith.constant 0 : i32
      %dma_start3A_349 = tpu.memref_slice %arg10[%add3A_342, %dma_start3A_348] : memref<256x64xf32, #tpu.memory_space<vmem>> -> memref<1x64xf32, #tpu.memory_space<vmem>>
      %dma_start3A_350 = arith.constant 0 : i32
      %dma_start3A_351 = tpu.memref_slice %arg2[%squeeze3A_336, %squeeze3A_338, %dma_start3A_350] : memref<125000x8x64xf32, #tpu.memory_space<hbm>> -> memref<1x1x64xf32, #tpu.memory_space<hbm>>
      %dma_start3A_352 = tpu.memref_squeeze %dma_start3A_351 : memref<1x1x64xf32, #tpu.memory_space<hbm>> -> memref<1x64xf32, #tpu.memory_space<hbm>>
      tpu.enqueue_dma source(%dma_start3A_352 : memref<1x64xf32, #tpu.memory_space<hbm>>) target(%dma_start3A_349 : memref<1x64xf32, #tpu.memory_space<vmem>>) target_semaphore(%arg12 : memref<!tpu.dma_semaphore, #tpu.memory_space<semaphore_mem>>)
    }
    %scan3A_26 = arith.constant 16 : i32
    %dma_wait3A_27 = arith.constant 0 : i32
    %dma_wait3A_28 = arith.constant 0 : i32
    %dma_wait3A_29 = tpu.memref_slice %arg7[%dma_wait3A_27, %dma_wait3A_28] : memref<16384x64xf32, #tpu.memory_space<hbm>> -> memref<256x64xf32, #tpu.memory_space<hbm>>
    %dma_wait3A_30 = arith.constant 0 : i32
    %dma_wait3A_31 = arith.constant 0 : i32
    %dma_wait3A_32 = tpu.memref_slice %arg7[%dma_wait3A_30, %dma_wait3A_31] : memref<16384x64xf32, #tpu.memory_space<hbm>> -> memref<256x64xf32, #tpu.memory_space<hbm>>
    tpu.wait_dma2 semaphore(%arg13 : memref<!tpu.dma_semaphore, #tpu.memory_space<semaphore_mem>>) src(%dma_wait3A_32 : memref<256x64xf32, #tpu.memory_space<hbm>>) dst(%arg11 : memref<256x64xf32, #tpu.memory_space<vmem>>)
    %add3A_33 = arith.constant 0 : i32
    %add3A_34 = arith.addi %mul3A_2, %add3A_33 : i32
    "tpu.region"() ({
      %run_scoped3A = tpu.sem_alloc : memref<!tpu.dma_semaphore, #tpu.memory_space<semaphore_mem>>
      %dma_start3A = arith.constant 0 : i32
      %dma_start3A_57 = tpu.memref_slice %arg7[%add3A_34, %dma_start3A] : memref<16384x64xf32, #tpu.memory_space<hbm>> -> memref<256x64xf32, #tpu.memory_space<hbm>>
      %dma_start3A_58 = arith.constant 0 : i32
      %dma_start3A_59 = tpu.memref_slice %arg7[%add3A_34, %dma_start3A_58] : memref<16384x64xf32, #tpu.memory_space<hbm>> -> memref<256x64xf32, #tpu.memory_space<hbm>>
      tpu.enqueue_dma source(%arg11 : memref<256x64xf32, #tpu.memory_space<vmem>>) target(%dma_start3A_59 : memref<256x64xf32, #tpu.memory_space<hbm>>) target_semaphore(%run_scoped3A : memref<!tpu.dma_semaphore, #tpu.memory_space<semaphore_mem>>)
      %dma_wait3A_60 = arith.constant 0 : i32
      %dma_wait3A_61 = tpu.memref_slice %arg7[%add3A_34, %dma_wait3A_60] : memref<16384x64xf32, #tpu.memory_space<hbm>> -> memref<256x64xf32, #tpu.memory_space<hbm>>
      %dma_wait3A_62 = arith.constant 0 : i32
      %dma_wait3A_63 = tpu.memref_slice %arg7[%add3A_34, %dma_wait3A_62] : memref<16384x64xf32, #tpu.memory_space<hbm>> -> memref<256x64xf32, #tpu.memory_space<hbm>>
      tpu.wait_dma2 semaphore(%run_scoped3A : memref<!tpu.dma_semaphore, #tpu.memory_space<semaphore_mem>>) src(%arg11 : memref<256x64xf32, #tpu.memory_space<vmem>>) dst(%dma_wait3A_63 : memref<256x64xf32, #tpu.memory_space<hbm>>)
      tpu.yield
    }) : () -> ()
    %scan3A_35 = arith.constant 0 : i32
    %scan3A_36 = arith.constant 0 : i32
    %scan3A_37 = arith.constant 16 : i32
    %scan3A_38 = arith.addi %scan3A_36, %scan3A_37 : i32
    %scan3A_39 = arith.constant 1 : i32
    scf.for %scan3A_57 = %scan3A_36 to %scan3A_38 step %scan3A_39  : i32 {
      %mul3A_58 = arith.constant 16 : i32
      %mul3A_59 = arith.muli %scan3A_57, %mul3A_58 : i32
      %add3A_60 = arith.constant 256 : i32
      %add3A_61 = arith.addi %add3A_60, %mul3A_59 : i32
      %get3A = arith.index_cast %add3A_61 : i32 to index
      %get3A_62 = tpu.vector_load %arg9[%get3A] {strides = array<i32>} : memref<512xi32, #tpu.memory_space<vmem>>, vector<16xi32>,
      %get3A_63 = vector.shape_cast %get3A_62 : vector<16xi32> to vector<16xi32>
      %shift_right_logical3A = arith.constant 3 : i32
      %shift_right_logical3A_64 = vector.broadcast %shift_right_logical3A : i32 to vector<16xi32>
      %shift_right_logical3A_65 = arith.shrui %get3A_63, %shift_right_logical3A_64 : vector<16xi32>
      %and3A = arith.constant 7 : i32
      %and3A_66 = vector.broadcast %and3A : i32 to vector<16xi32>
      %and3A_67 = arith.andi %get3A_63, %and3A_66 : vector<16xi32>
      %slice3A = vector.extract_strided_slice %shift_right_logical3A_65 {offsets = [0], sizes = [1], strides = [1]} : vector<16xi32> to vector<1xi32>
      %squeeze3A = vector.extract %slice3A[0] : i32 from vector<1xi32>
      %slice3A_68 = vector.extract_strided_slice %and3A_67 {offsets = [0], sizes = [1], strides = [1]} : vector<16xi32> to vector<1xi32>
      %squeeze3A_69 = vector.extract %slice3A_68[0] : i32 from vector<1xi32>
      %mul3A_70 = arith.constant 16 : i32
      %mul3A_71 = arith.muli %scan3A_57, %mul3A_70 : i32
      %add3A_72 = arith.constant 0 : i32
      %add3A_73 = arith.addi %mul3A_71, %add3A_72 : i32
      %dma_start3A = arith.constant 0 : i32
      %dma_start3A_74 = tpu.memref_slice %arg11[%add3A_73, %dma_start3A] : memref<256x64xf32, #tpu.memory_space<vmem>> -> memref<1x64xf32, #tpu.memory_space<vmem>>
      %dma_start3A_75 = arith.constant 0 : i32
      %dma_start3A_76 = tpu.memref_slice %arg3[%squeeze3A, %squeeze3A_69, %dma_start3A_75] : memref<125000x8x64xf32, #tpu.memory_space<hbm>> -> memref<1x1x64xf32, #tpu.memory_space<hbm>>
      %dma_start3A_77 = tpu.memref_squeeze %dma_start3A_76 : memref<1x1x64xf32, #tpu.memory_space<hbm>> -> memref<1x64xf32, #tpu.memory_space<hbm>>
      %dma_start3A_78 = arith.constant 0 : i32
      %dma_start3A_79 = tpu.memref_slice %arg11[%add3A_73, %dma_start3A_78] : memref<256x64xf32, #tpu.memory_space<vmem>> -> memref<1x64xf32, #tpu.memory_space<vmem>>
      %dma_start3A_80 = arith.constant 0 : i32
      %dma_start3A_81 = tpu.memref_slice %arg3[%squeeze3A, %squeeze3A_69, %dma_start3A_80] : memref<125000x8x64xf32, #tpu.memory_space<hbm>> -> memref<1x1x64xf32, #tpu.memory_space<hbm>>
      %dma_start3A_82 = tpu.memref_squeeze %dma_start3A_81 : memref<1x1x64xf32, #tpu.memory_space<hbm>> -> memref<1x64xf32, #tpu.memory_space<hbm>>
      tpu.enqueue_dma source(%dma_start3A_82 : memref<1x64xf32, #tpu.memory_space<hbm>>) target(%dma_start3A_79 : memref<1x64xf32, #tpu.memory_space<vmem>>) target_semaphore(%arg13 : memref<!tpu.dma_semaphore, #tpu.memory_space<semaphore_mem>>)
      %slice3A_83 = vector.extract_strided_slice %shift_right_logical3A_65 {offsets = [1], sizes = [1], strides = [1]} : vector<16xi32> to vector<1xi32>
      %squeeze3A_84 = vector.extract %slice3A_83[0] : i32 from vector<1xi32>
      %slice3A_85 = vector.extract_strided_slice %and3A_67 {offsets = [1], sizes = [1], strides = [1]} : vector<16xi32> to vector<1xi32>
      %squeeze3A_86 = vector.extract %slice3A_85[0] : i32 from vector<1xi32>
      %mul3A_87 = arith.constant 16 : i32
      %mul3A_88 = arith.muli %scan3A_57, %mul3A_87 : i32
      %add3A_89 = arith.constant 1 : i32
      %add3A_90 = arith.addi %mul3A_88, %add3A_89 : i32
      %dma_start3A_91 = arith.constant 0 : i32
      %dma_start3A_92 = tpu.memref_slice %arg11[%add3A_90, %dma_start3A_91] : memref<256x64xf32, #tpu.memory_space<vmem>> -> memref<1x64xf32, #tpu.memory_space<vmem>>
      %dma_start3A_93 = arith.constant 0 : i32
      %dma_start3A_94 = tpu.memref_slice %arg3[%squeeze3A_84, %squeeze3A_86, %dma_start3A_93] : memref<125000x8x64xf32, #tpu.memory_space<hbm>> -> memref<1x1x64xf32, #tpu.memory_space<hbm>>
      %dma_start3A_95 = tpu.memref_squeeze %dma_start3A_94 : memref<1x1x64xf32, #tpu.memory_space<hbm>> -> memref<1x64xf32, #tpu.memory_space<hbm>>
      %dma_start3A_96 = arith.constant 0 : i32
      %dma_start3A_97 = tpu.memref_slice %arg11[%add3A_90, %dma_start3A_96] : memref<256x64xf32, #tpu.memory_space<vmem>> -> memref<1x64xf32, #tpu.memory_space<vmem>>
      %dma_start3A_98 = arith.constant 0 : i32
      %dma_start3A_99 = tpu.memref_slice %arg3[%squeeze3A_84, %squeeze3A_86, %dma_start3A_98] : memref<125000x8x64xf32, #tpu.memory_space<hbm>> -> memref<1x1x64xf32, #tpu.memory_space<hbm>>
      %dma_start3A_100 = tpu.memref_squeeze %dma_start3A_99 : memref<1x1x64xf32, #tpu.memory_space<hbm>> -> memref<1x64xf32, #tpu.memory_space<hbm>>
      tpu.enqueue_dma source(%dma_start3A_100 : memref<1x64xf32, #tpu.memory_space<hbm>>) target(%dma_start3A_97 : memref<1x64xf32, #tpu.memory_space<vmem>>) target_semaphore(%arg13 : memref<!tpu.dma_semaphore, #tpu.memory_space<semaphore_mem>>)
      %slice3A_101 = vector.extract_strided_slice %shift_right_logical3A_65 {offsets = [2], sizes = [1], strides = [1]} : vector<16xi32> to vector<1xi32>
      %squeeze3A_102 = vector.extract %slice3A_101[0] : i32 from vector<1xi32>
      %slice3A_103 = vector.extract_strided_slice %and3A_67 {offsets = [2], sizes = [1], strides = [1]} : vector<16xi32> to vector<1xi32>
      %squeeze3A_104 = vector.extract %slice3A_103[0] : i32 from vector<1xi32>
      %mul3A_105 = arith.constant 16 : i32
      %mul3A_106 = arith.muli %scan3A_57, %mul3A_105 : i32
      %add3A_107 = arith.constant 2 : i32
      %add3A_108 = arith.addi %mul3A_106, %add3A_107 : i32
      %dma_start3A_109 = arith.constant 0 : i32
      %dma_start3A_110 = tpu.memref_slice %arg11[%add3A_108, %dma_start3A_109] : memref<256x64xf32, #tpu.memory_space<vmem>> -> memref<1x64xf32, #tpu.memory_space<vmem>>
      %dma_start3A_111 = arith.constant 0 : i32
      %dma_start3A_112 = tpu.memref_slice %arg3[%squeeze3A_102, %squeeze3A_104, %dma_start3A_111] : memref<125000x8x64xf32, #tpu.memory_space<hbm>> -> memref<1x1x64xf32, #tpu.memory_space<hbm>>
      %dma_start3A_113 = tpu.memref_squeeze %dma_start3A_112 : memref<1x1x64xf32, #tpu.memory_space<hbm>> -> memref<1x64xf32, #tpu.memory_space<hbm>>
      %dma_start3A_114 = arith.constant 0 : i32
      %dma_start3A_115 = tpu.memref_slice %arg11[%add3A_108, %dma_start3A_114] : memref<256x64xf32, #tpu.memory_space<vmem>> -> memref<1x64xf32, #tpu.memory_space<vmem>>
      %dma_start3A_116 = arith.constant 0 : i32
      %dma_start3A_117 = tpu.memref_slice %arg3[%squeeze3A_102, %squeeze3A_104, %dma_start3A_116] : memref<125000x8x64xf32, #tpu.memory_space<hbm>> -> memref<1x1x64xf32, #tpu.memory_space<hbm>>
      %dma_start3A_118 = tpu.memref_squeeze %dma_start3A_117 : memref<1x1x64xf32, #tpu.memory_space<hbm>> -> memref<1x64xf32, #tpu.memory_space<hbm>>
      tpu.enqueue_dma source(%dma_start3A_118 : memref<1x64xf32, #tpu.memory_space<hbm>>) target(%dma_start3A_115 : memref<1x64xf32, #tpu.memory_space<vmem>>) target_semaphore(%arg13 : memref<!tpu.dma_semaphore, #tpu.memory_space<semaphore_mem>>)
      %slice3A_119 = vector.extract_strided_slice %shift_right_logical3A_65 {offsets = [3], sizes = [1], strides = [1]} : vector<16xi32> to vector<1xi32>
      %squeeze3A_120 = vector.extract %slice3A_119[0] : i32 from vector<1xi32>
      %slice3A_121 = vector.extract_strided_slice %and3A_67 {offsets = [3], sizes = [1], strides = [1]} : vector<16xi32> to vector<1xi32>
      %squeeze3A_122 = vector.extract %slice3A_121[0] : i32 from vector<1xi32>
      %mul3A_123 = arith.constant 16 : i32
      %mul3A_124 = arith.muli %scan3A_57, %mul3A_123 : i32
      %add3A_125 = arith.constant 3 : i32
      %add3A_126 = arith.addi %mul3A_124, %add3A_125 : i32
      %dma_start3A_127 = arith.constant 0 : i32
      %dma_start3A_128 = tpu.memref_slice %arg11[%add3A_126, %dma_start3A_127] : memref<256x64xf32, #tpu.memory_space<vmem>> -> memref<1x64xf32, #tpu.memory_space<vmem>>
      %dma_start3A_129 = arith.constant 0 : i32
      %dma_start3A_130 = tpu.memref_slice %arg3[%squeeze3A_120, %squeeze3A_122, %dma_start3A_129] : memref<125000x8x64xf32, #tpu.memory_space<hbm>> -> memref<1x1x64xf32, #tpu.memory_space<hbm>>
      %dma_start3A_131 = tpu.memref_squeeze %dma_start3A_130 : memref<1x1x64xf32, #tpu.memory_space<hbm>> -> memref<1x64xf32, #tpu.memory_space<hbm>>
      %dma_start3A_132 = arith.constant 0 : i32
      %dma_start3A_133 = tpu.memref_slice %arg11[%add3A_126, %dma_start3A_132] : memref<256x64xf32, #tpu.memory_space<vmem>> -> memref<1x64xf32, #tpu.memory_space<vmem>>
      %dma_start3A_134 = arith.constant 0 : i32
      %dma_start3A_135 = tpu.memref_slice %arg3[%squeeze3A_120, %squeeze3A_122, %dma_start3A_134] : memref<125000x8x64xf32, #tpu.memory_space<hbm>> -> memref<1x1x64xf32, #tpu.memory_space<hbm>>
      %dma_start3A_136 = tpu.memref_squeeze %dma_start3A_135 : memref<1x1x64xf32, #tpu.memory_space<hbm>> -> memref<1x64xf32, #tpu.memory_space<hbm>>
      tpu.enqueue_dma source(%dma_start3A_136 : memref<1x64xf32, #tpu.memory_space<hbm>>) target(%dma_start3A_133 : memref<1x64xf32, #tpu.memory_space<vmem>>) target_semaphore(%arg13 : memref<!tpu.dma_semaphore, #tpu.memory_space<semaphore_mem>>)
      %slice3A_137 = vector.extract_strided_slice %shift_right_logical3A_65 {offsets = [4], sizes = [1], strides = [1]} : vector<16xi32> to vector<1xi32>
      %squeeze3A_138 = vector.extract %slice3A_137[0] : i32 from vector<1xi32>
      %slice3A_139 = vector.extract_strided_slice %and3A_67 {offsets = [4], sizes = [1], strides = [1]} : vector<16xi32> to vector<1xi32>
      %squeeze3A_140 = vector.extract %slice3A_139[0] : i32 from vector<1xi32>
      %mul3A_141 = arith.constant 16 : i32
      %mul3A_142 = arith.muli %scan3A_57, %mul3A_141 : i32
      %add3A_143 = arith.constant 4 : i32
      %add3A_144 = arith.addi %mul3A_142, %add3A_143 : i32
      %dma_start3A_145 = arith.constant 0 : i32
      %dma_start3A_146 = tpu.memref_slice %arg11[%add3A_144, %dma_start3A_145] : memref<256x64xf32, #tpu.memory_space<vmem>> -> memref<1x64xf32, #tpu.memory_space<vmem>>
      %dma_start3A_147 = arith.constant 0 : i32
      %dma_start3A_148 = tpu.memref_slice %arg3[%squeeze3A_138, %squeeze3A_140, %dma_start3A_147] : memref<125000x8x64xf32, #tpu.memory_space<hbm>> -> memref<1x1x64xf32, #tpu.memory_space<hbm>>
      %dma_start3A_149 = tpu.memref_squeeze %dma_start3A_148 : memref<1x1x64xf32, #tpu.memory_space<hbm>> -> memref<1x64xf32, #tpu.memory_space<hbm>>
      %dma_start3A_150 = arith.constant 0 : i32
      %dma_start3A_151 = tpu.memref_slice %arg11[%add3A_144, %dma_start3A_150] : memref<256x64xf32, #tpu.memory_space<vmem>> -> memref<1x64xf32, #tpu.memory_space<vmem>>
      %dma_start3A_152 = arith.constant 0 : i32
      %dma_start3A_153 = tpu.memref_slice %arg3[%squeeze3A_138, %squeeze3A_140, %dma_start3A_152] : memref<125000x8x64xf32, #tpu.memory_space<hbm>> -> memref<1x1x64xf32, #tpu.memory_space<hbm>>
      %dma_start3A_154 = tpu.memref_squeeze %dma_start3A_153 : memref<1x1x64xf32, #tpu.memory_space<hbm>> -> memref<1x64xf32, #tpu.memory_space<hbm>>
      tpu.enqueue_dma source(%dma_start3A_154 : memref<1x64xf32, #tpu.memory_space<hbm>>) target(%dma_start3A_151 : memref<1x64xf32, #tpu.memory_space<vmem>>) target_semaphore(%arg13 : memref<!tpu.dma_semaphore, #tpu.memory_space<semaphore_mem>>)
      %slice3A_155 = vector.extract_strided_slice %shift_right_logical3A_65 {offsets = [5], sizes = [1], strides = [1]} : vector<16xi32> to vector<1xi32>
      %squeeze3A_156 = vector.extract %slice3A_155[0] : i32 from vector<1xi32>
      %slice3A_157 = vector.extract_strided_slice %and3A_67 {offsets = [5], sizes = [1], strides = [1]} : vector<16xi32> to vector<1xi32>
      %squeeze3A_158 = vector.extract %slice3A_157[0] : i32 from vector<1xi32>
      %mul3A_159 = arith.constant 16 : i32
      %mul3A_160 = arith.muli %scan3A_57, %mul3A_159 : i32
      %add3A_161 = arith.constant 5 : i32
      %add3A_162 = arith.addi %mul3A_160, %add3A_161 : i32
      %dma_start3A_163 = arith.constant 0 : i32
      %dma_start3A_164 = tpu.memref_slice %arg11[%add3A_162, %dma_start3A_163] : memref<256x64xf32, #tpu.memory_space<vmem>> -> memref<1x64xf32, #tpu.memory_space<vmem>>
      %dma_start3A_165 = arith.constant 0 : i32
      %dma_start3A_166 = tpu.memref_slice %arg3[%squeeze3A_156, %squeeze3A_158, %dma_start3A_165] : memref<125000x8x64xf32, #tpu.memory_space<hbm>> -> memref<1x1x64xf32, #tpu.memory_space<hbm>>
      %dma_start3A_167 = tpu.memref_squeeze %dma_start3A_166 : memref<1x1x64xf32, #tpu.memory_space<hbm>> -> memref<1x64xf32, #tpu.memory_space<hbm>>
      %dma_start3A_168 = arith.constant 0 : i32
      %dma_start3A_169 = tpu.memref_slice %arg11[%add3A_162, %dma_start3A_168] : memref<256x64xf32, #tpu.memory_space<vmem>> -> memref<1x64xf32, #tpu.memory_space<vmem>>
      %dma_start3A_170 = arith.constant 0 : i32
      %dma_start3A_171 = tpu.memref_slice %arg3[%squeeze3A_156, %squeeze3A_158, %dma_start3A_170] : memref<125000x8x64xf32, #tpu.memory_space<hbm>> -> memref<1x1x64xf32, #tpu.memory_space<hbm>>
      %dma_start3A_172 = tpu.memref_squeeze %dma_start3A_171 : memref<1x1x64xf32, #tpu.memory_space<hbm>> -> memref<1x64xf32, #tpu.memory_space<hbm>>
      tpu.enqueue_dma source(%dma_start3A_172 : memref<1x64xf32, #tpu.memory_space<hbm>>) target(%dma_start3A_169 : memref<1x64xf32, #tpu.memory_space<vmem>>) target_semaphore(%arg13 : memref<!tpu.dma_semaphore, #tpu.memory_space<semaphore_mem>>)
      %slice3A_173 = vector.extract_strided_slice %shift_right_logical3A_65 {offsets = [6], sizes = [1], strides = [1]} : vector<16xi32> to vector<1xi32>
      %squeeze3A_174 = vector.extract %slice3A_173[0] : i32 from vector<1xi32>
      %slice3A_175 = vector.extract_strided_slice %and3A_67 {offsets = [6], sizes = [1], strides = [1]} : vector<16xi32> to vector<1xi32>
      %squeeze3A_176 = vector.extract %slice3A_175[0] : i32 from vector<1xi32>
      %mul3A_177 = arith.constant 16 : i32
      %mul3A_178 = arith.muli %scan3A_57, %mul3A_177 : i32
      %add3A_179 = arith.constant 6 : i32
      %add3A_180 = arith.addi %mul3A_178, %add3A_179 : i32
      %dma_start3A_181 = arith.constant 0 : i32
      %dma_start3A_182 = tpu.memref_slice %arg11[%add3A_180, %dma_start3A_181] : memref<256x64xf32, #tpu.memory_space<vmem>> -> memref<1x64xf32, #tpu.memory_space<vmem>>
      %dma_start3A_183 = arith.constant 0 : i32
      %dma_start3A_184 = tpu.memref_slice %arg3[%squeeze3A_174, %squeeze3A_176, %dma_start3A_183] : memref<125000x8x64xf32, #tpu.memory_space<hbm>> -> memref<1x1x64xf32, #tpu.memory_space<hbm>>
      %dma_start3A_185 = tpu.memref_squeeze %dma_start3A_184 : memref<1x1x64xf32, #tpu.memory_space<hbm>> -> memref<1x64xf32, #tpu.memory_space<hbm>>
      %dma_start3A_186 = arith.constant 0 : i32
      %dma_start3A_187 = tpu.memref_slice %arg11[%add3A_180, %dma_start3A_186] : memref<256x64xf32, #tpu.memory_space<vmem>> -> memref<1x64xf32, #tpu.memory_space<vmem>>
      %dma_start3A_188 = arith.constant 0 : i32
      %dma_start3A_189 = tpu.memref_slice %arg3[%squeeze3A_174, %squeeze3A_176, %dma_start3A_188] : memref<125000x8x64xf32, #tpu.memory_space<hbm>> -> memref<1x1x64xf32, #tpu.memory_space<hbm>>
      %dma_start3A_190 = tpu.memref_squeeze %dma_start3A_189 : memref<1x1x64xf32, #tpu.memory_space<hbm>> -> memref<1x64xf32, #tpu.memory_space<hbm>>
      tpu.enqueue_dma source(%dma_start3A_190 : memref<1x64xf32, #tpu.memory_space<hbm>>) target(%dma_start3A_187 : memref<1x64xf32, #tpu.memory_space<vmem>>) target_semaphore(%arg13 : memref<!tpu.dma_semaphore, #tpu.memory_space<semaphore_mem>>)
      %slice3A_191 = vector.extract_strided_slice %shift_right_logical3A_65 {offsets = [7], sizes = [1], strides = [1]} : vector<16xi32> to vector<1xi32>
      %squeeze3A_192 = vector.extract %slice3A_191[0] : i32 from vector<1xi32>
      %slice3A_193 = vector.extract_strided_slice %and3A_67 {offsets = [7], sizes = [1], strides = [1]} : vector<16xi32> to vector<1xi32>
      %squeeze3A_194 = vector.extract %slice3A_193[0] : i32 from vector<1xi32>
      %mul3A_195 = arith.constant 16 : i32
      %mul3A_196 = arith.muli %scan3A_57, %mul3A_195 : i32
      %add3A_197 = arith.constant 7 : i32
      %add3A_198 = arith.addi %mul3A_196, %add3A_197 : i32
      %dma_start3A_199 = arith.constant 0 : i32
      %dma_start3A_200 = tpu.memref_slice %arg11[%add3A_198, %dma_start3A_199] : memref<256x64xf32, #tpu.memory_space<vmem>> -> memref<1x64xf32, #tpu.memory_space<vmem>>
      %dma_start3A_201 = arith.constant 0 : i32
      %dma_start3A_202 = tpu.memref_slice %arg3[%squeeze3A_192, %squeeze3A_194, %dma_start3A_201] : memref<125000x8x64xf32, #tpu.memory_space<hbm>> -> memref<1x1x64xf32, #tpu.memory_space<hbm>>
      %dma_start3A_203 = tpu.memref_squeeze %dma_start3A_202 : memref<1x1x64xf32, #tpu.memory_space<hbm>> -> memref<1x64xf32, #tpu.memory_space<hbm>>
      %dma_start3A_204 = arith.constant 0 : i32
      %dma_start3A_205 = tpu.memref_slice %arg11[%add3A_198, %dma_start3A_204] : memref<256x64xf32, #tpu.memory_space<vmem>> -> memref<1x64xf32, #tpu.memory_space<vmem>>
      %dma_start3A_206 = arith.constant 0 : i32
      %dma_start3A_207 = tpu.memref_slice %arg3[%squeeze3A_192, %squeeze3A_194, %dma_start3A_206] : memref<125000x8x64xf32, #tpu.memory_space<hbm>> -> memref<1x1x64xf32, #tpu.memory_space<hbm>>
      %dma_start3A_208 = tpu.memref_squeeze %dma_start3A_207 : memref<1x1x64xf32, #tpu.memory_space<hbm>> -> memref<1x64xf32, #tpu.memory_space<hbm>>
      tpu.enqueue_dma source(%dma_start3A_208 : memref<1x64xf32, #tpu.memory_space<hbm>>) target(%dma_start3A_205 : memref<1x64xf32, #tpu.memory_space<vmem>>) target_semaphore(%arg13 : memref<!tpu.dma_semaphore, #tpu.memory_space<semaphore_mem>>)
      %slice3A_209 = vector.extract_strided_slice %shift_right_logical3A_65 {offsets = [8], sizes = [1], strides = [1]} : vector<16xi32> to vector<1xi32>
      %squeeze3A_210 = vector.extract %slice3A_209[0] : i32 from vector<1xi32>
      %slice3A_211 = vector.extract_strided_slice %and3A_67 {offsets = [8], sizes = [1], strides = [1]} : vector<16xi32> to vector<1xi32>
      %squeeze3A_212 = vector.extract %slice3A_211[0] : i32 from vector<1xi32>
      %mul3A_213 = arith.constant 16 : i32
      %mul3A_214 = arith.muli %scan3A_57, %mul3A_213 : i32
      %add3A_215 = arith.constant 8 : i32
      %add3A_216 = arith.addi %mul3A_214, %add3A_215 : i32
      %dma_start3A_217 = arith.constant 0 : i32
      %dma_start3A_218 = tpu.memref_slice %arg11[%add3A_216, %dma_start3A_217] : memref<256x64xf32, #tpu.memory_space<vmem>> -> memref<1x64xf32, #tpu.memory_space<vmem>>
      %dma_start3A_219 = arith.constant 0 : i32
      %dma_start3A_220 = tpu.memref_slice %arg3[%squeeze3A_210, %squeeze3A_212, %dma_start3A_219] : memref<125000x8x64xf32, #tpu.memory_space<hbm>> -> memref<1x1x64xf32, #tpu.memory_space<hbm>>
      %dma_start3A_221 = tpu.memref_squeeze %dma_start3A_220 : memref<1x1x64xf32, #tpu.memory_space<hbm>> -> memref<1x64xf32, #tpu.memory_space<hbm>>
      %dma_start3A_222 = arith.constant 0 : i32
      %dma_start3A_223 = tpu.memref_slice %arg11[%add3A_216, %dma_start3A_222] : memref<256x64xf32, #tpu.memory_space<vmem>> -> memref<1x64xf32, #tpu.memory_space<vmem>>
      %dma_start3A_224 = arith.constant 0 : i32
      %dma_start3A_225 = tpu.memref_slice %arg3[%squeeze3A_210, %squeeze3A_212, %dma_start3A_224] : memref<125000x8x64xf32, #tpu.memory_space<hbm>> -> memref<1x1x64xf32, #tpu.memory_space<hbm>>
      %dma_start3A_226 = tpu.memref_squeeze %dma_start3A_225 : memref<1x1x64xf32, #tpu.memory_space<hbm>> -> memref<1x64xf32, #tpu.memory_space<hbm>>
      tpu.enqueue_dma source(%dma_start3A_226 : memref<1x64xf32, #tpu.memory_space<hbm>>) target(%dma_start3A_223 : memref<1x64xf32, #tpu.memory_space<vmem>>) target_semaphore(%arg13 : memref<!tpu.dma_semaphore, #tpu.memory_space<semaphore_mem>>)
      %slice3A_227 = vector.extract_strided_slice %shift_right_logical3A_65 {offsets = [9], sizes = [1], strides = [1]} : vector<16xi32> to vector<1xi32>
      %squeeze3A_228 = vector.extract %slice3A_227[0] : i32 from vector<1xi32>
      %slice3A_229 = vector.extract_strided_slice %and3A_67 {offsets = [9], sizes = [1], strides = [1]} : vector<16xi32> to vector<1xi32>
      %squeeze3A_230 = vector.extract %slice3A_229[0] : i32 from vector<1xi32>
      %mul3A_231 = arith.constant 16 : i32
      %mul3A_232 = arith.muli %scan3A_57, %mul3A_231 : i32
      %add3A_233 = arith.constant 9 : i32
      %add3A_234 = arith.addi %mul3A_232, %add3A_233 : i32
      %dma_start3A_235 = arith.constant 0 : i32
      %dma_start3A_236 = tpu.memref_slice %arg11[%add3A_234, %dma_start3A_235] : memref<256x64xf32, #tpu.memory_space<vmem>> -> memref<1x64xf32, #tpu.memory_space<vmem>>
      %dma_start3A_237 = arith.constant 0 : i32
      %dma_start3A_238 = tpu.memref_slice %arg3[%squeeze3A_228, %squeeze3A_230, %dma_start3A_237] : memref<125000x8x64xf32, #tpu.memory_space<hbm>> -> memref<1x1x64xf32, #tpu.memory_space<hbm>>
      %dma_start3A_239 = tpu.memref_squeeze %dma_start3A_238 : memref<1x1x64xf32, #tpu.memory_space<hbm>> -> memref<1x64xf32, #tpu.memory_space<hbm>>
      %dma_start3A_240 = arith.constant 0 : i32
      %dma_start3A_241 = tpu.memref_slice %arg11[%add3A_234, %dma_start3A_240] : memref<256x64xf32, #tpu.memory_space<vmem>> -> memref<1x64xf32, #tpu.memory_space<vmem>>
      %dma_start3A_242 = arith.constant 0 : i32
      %dma_start3A_243 = tpu.memref_slice %arg3[%squeeze3A_228, %squeeze3A_230, %dma_start3A_242] : memref<125000x8x64xf32, #tpu.memory_space<hbm>> -> memref<1x1x64xf32, #tpu.memory_space<hbm>>
      %dma_start3A_244 = tpu.memref_squeeze %dma_start3A_243 : memref<1x1x64xf32, #tpu.memory_space<hbm>> -> memref<1x64xf32, #tpu.memory_space<hbm>>
      tpu.enqueue_dma source(%dma_start3A_244 : memref<1x64xf32, #tpu.memory_space<hbm>>) target(%dma_start3A_241 : memref<1x64xf32, #tpu.memory_space<vmem>>) target_semaphore(%arg13 : memref<!tpu.dma_semaphore, #tpu.memory_space<semaphore_mem>>)
      %slice3A_245 = vector.extract_strided_slice %shift_right_logical3A_65 {offsets = [10], sizes = [1], strides = [1]} : vector<16xi32> to vector<1xi32>
      %squeeze3A_246 = vector.extract %slice3A_245[0] : i32 from vector<1xi32>
      %slice3A_247 = vector.extract_strided_slice %and3A_67 {offsets = [10], sizes = [1], strides = [1]} : vector<16xi32> to vector<1xi32>
      %squeeze3A_248 = vector.extract %slice3A_247[0] : i32 from vector<1xi32>
      %mul3A_249 = arith.constant 16 : i32
      %mul3A_250 = arith.muli %scan3A_57, %mul3A_249 : i32
      %add3A_251 = arith.constant 10 : i32
      %add3A_252 = arith.addi %mul3A_250, %add3A_251 : i32
      %dma_start3A_253 = arith.constant 0 : i32
      %dma_start3A_254 = tpu.memref_slice %arg11[%add3A_252, %dma_start3A_253] : memref<256x64xf32, #tpu.memory_space<vmem>> -> memref<1x64xf32, #tpu.memory_space<vmem>>
      %dma_start3A_255 = arith.constant 0 : i32
      %dma_start3A_256 = tpu.memref_slice %arg3[%squeeze3A_246, %squeeze3A_248, %dma_start3A_255] : memref<125000x8x64xf32, #tpu.memory_space<hbm>> -> memref<1x1x64xf32, #tpu.memory_space<hbm>>
      %dma_start3A_257 = tpu.memref_squeeze %dma_start3A_256 : memref<1x1x64xf32, #tpu.memory_space<hbm>> -> memref<1x64xf32, #tpu.memory_space<hbm>>
      %dma_start3A_258 = arith.constant 0 : i32
      %dma_start3A_259 = tpu.memref_slice %arg11[%add3A_252, %dma_start3A_258] : memref<256x64xf32, #tpu.memory_space<vmem>> -> memref<1x64xf32, #tpu.memory_space<vmem>>
      %dma_start3A_260 = arith.constant 0 : i32
      %dma_start3A_261 = tpu.memref_slice %arg3[%squeeze3A_246, %squeeze3A_248, %dma_start3A_260] : memref<125000x8x64xf32, #tpu.memory_space<hbm>> -> memref<1x1x64xf32, #tpu.memory_space<hbm>>
      %dma_start3A_262 = tpu.memref_squeeze %dma_start3A_261 : memref<1x1x64xf32, #tpu.memory_space<hbm>> -> memref<1x64xf32, #tpu.memory_space<hbm>>
      tpu.enqueue_dma source(%dma_start3A_262 : memref<1x64xf32, #tpu.memory_space<hbm>>) target(%dma_start3A_259 : memref<1x64xf32, #tpu.memory_space<vmem>>) target_semaphore(%arg13 : memref<!tpu.dma_semaphore, #tpu.memory_space<semaphore_mem>>)
      %slice3A_263 = vector.extract_strided_slice %shift_right_logical3A_65 {offsets = [11], sizes = [1], strides = [1]} : vector<16xi32> to vector<1xi32>
      %squeeze3A_264 = vector.extract %slice3A_263[0] : i32 from vector<1xi32>
      %slice3A_265 = vector.extract_strided_slice %and3A_67 {offsets = [11], sizes = [1], strides = [1]} : vector<16xi32> to vector<1xi32>
      %squeeze3A_266 = vector.extract %slice3A_265[0] : i32 from vector<1xi32>
      %mul3A_267 = arith.constant 16 : i32
      %mul3A_268 = arith.muli %scan3A_57, %mul3A_267 : i32
      %add3A_269 = arith.constant 11 : i32
      %add3A_270 = arith.addi %mul3A_268, %add3A_269 : i32
      %dma_start3A_271 = arith.constant 0 : i32
      %dma_start3A_272 = tpu.memref_slice %arg11[%add3A_270, %dma_start3A_271] : memref<256x64xf32, #tpu.memory_space<vmem>> -> memref<1x64xf32, #tpu.memory_space<vmem>>
      %dma_start3A_273 = arith.constant 0 : i32
      %dma_start3A_274 = tpu.memref_slice %arg3[%squeeze3A_264, %squeeze3A_266, %dma_start3A_273] : memref<125000x8x64xf32, #tpu.memory_space<hbm>> -> memref<1x1x64xf32, #tpu.memory_space<hbm>>
      %dma_start3A_275 = tpu.memref_squeeze %dma_start3A_274 : memref<1x1x64xf32, #tpu.memory_space<hbm>> -> memref<1x64xf32, #tpu.memory_space<hbm>>
      %dma_start3A_276 = arith.constant 0 : i32
      %dma_start3A_277 = tpu.memref_slice %arg11[%add3A_270, %dma_start3A_276] : memref<256x64xf32, #tpu.memory_space<vmem>> -> memref<1x64xf32, #tpu.memory_space<vmem>>
      %dma_start3A_278 = arith.constant 0 : i32
      %dma_start3A_279 = tpu.memref_slice %arg3[%squeeze3A_264, %squeeze3A_266, %dma_start3A_278] : memref<125000x8x64xf32, #tpu.memory_space<hbm>> -> memref<1x1x64xf32, #tpu.memory_space<hbm>>
      %dma_start3A_280 = tpu.memref_squeeze %dma_start3A_279 : memref<1x1x64xf32, #tpu.memory_space<hbm>> -> memref<1x64xf32, #tpu.memory_space<hbm>>
      tpu.enqueue_dma source(%dma_start3A_280 : memref<1x64xf32, #tpu.memory_space<hbm>>) target(%dma_start3A_277 : memref<1x64xf32, #tpu.memory_space<vmem>>) target_semaphore(%arg13 : memref<!tpu.dma_semaphore, #tpu.memory_space<semaphore_mem>>)
      %slice3A_281 = vector.extract_strided_slice %shift_right_logical3A_65 {offsets = [12], sizes = [1], strides = [1]} : vector<16xi32> to vector<1xi32>
      %squeeze3A_282 = vector.extract %slice3A_281[0] : i32 from vector<1xi32>
      %slice3A_283 = vector.extract_strided_slice %and3A_67 {offsets = [12], sizes = [1], strides = [1]} : vector<16xi32> to vector<1xi32>
      %squeeze3A_284 = vector.extract %slice3A_283[0] : i32 from vector<1xi32>
      %mul3A_285 = arith.constant 16 : i32
      %mul3A_286 = arith.muli %scan3A_57, %mul3A_285 : i32
      %add3A_287 = arith.constant 12 : i32
      %add3A_288 = arith.addi %mul3A_286, %add3A_287 : i32
      %dma_start3A_289 = arith.constant 0 : i32
      %dma_start3A_290 = tpu.memref_slice %arg11[%add3A_288, %dma_start3A_289] : memref<256x64xf32, #tpu.memory_space<vmem>> -> memref<1x64xf32, #tpu.memory_space<vmem>>
      %dma_start3A_291 = arith.constant 0 : i32
      %dma_start3A_292 = tpu.memref_slice %arg3[%squeeze3A_282, %squeeze3A_284, %dma_start3A_291] : memref<125000x8x64xf32, #tpu.memory_space<hbm>> -> memref<1x1x64xf32, #tpu.memory_space<hbm>>
      %dma_start3A_293 = tpu.memref_squeeze %dma_start3A_292 : memref<1x1x64xf32, #tpu.memory_space<hbm>> -> memref<1x64xf32, #tpu.memory_space<hbm>>
      %dma_start3A_294 = arith.constant 0 : i32
      %dma_start3A_295 = tpu.memref_slice %arg11[%add3A_288, %dma_start3A_294] : memref<256x64xf32, #tpu.memory_space<vmem>> -> memref<1x64xf32, #tpu.memory_space<vmem>>
      %dma_start3A_296 = arith.constant 0 : i32
      %dma_start3A_297 = tpu.memref_slice %arg3[%squeeze3A_282, %squeeze3A_284, %dma_start3A_296] : memref<125000x8x64xf32, #tpu.memory_space<hbm>> -> memref<1x1x64xf32, #tpu.memory_space<hbm>>
      %dma_start3A_298 = tpu.memref_squeeze %dma_start3A_297 : memref<1x1x64xf32, #tpu.memory_space<hbm>> -> memref<1x64xf32, #tpu.memory_space<hbm>>
      tpu.enqueue_dma source(%dma_start3A_298 : memref<1x64xf32, #tpu.memory_space<hbm>>) target(%dma_start3A_295 : memref<1x64xf32, #tpu.memory_space<vmem>>) target_semaphore(%arg13 : memref<!tpu.dma_semaphore, #tpu.memory_space<semaphore_mem>>)
      %slice3A_299 = vector.extract_strided_slice %shift_right_logical3A_65 {offsets = [13], sizes = [1], strides = [1]} : vector<16xi32> to vector<1xi32>
      %squeeze3A_300 = vector.extract %slice3A_299[0] : i32 from vector<1xi32>
      %slice3A_301 = vector.extract_strided_slice %and3A_67 {offsets = [13], sizes = [1], strides = [1]} : vector<16xi32> to vector<1xi32>
      %squeeze3A_302 = vector.extract %slice3A_301[0] : i32 from vector<1xi32>
      %mul3A_303 = arith.constant 16 : i32
      %mul3A_304 = arith.muli %scan3A_57, %mul3A_303 : i32
      %add3A_305 = arith.constant 13 : i32
      %add3A_306 = arith.addi %mul3A_304, %add3A_305 : i32
      %dma_start3A_307 = arith.constant 0 : i32
      %dma_start3A_308 = tpu.memref_slice %arg11[%add3A_306, %dma_start3A_307] : memref<256x64xf32, #tpu.memory_space<vmem>> -> memref<1x64xf32, #tpu.memory_space<vmem>>
      %dma_start3A_309 = arith.constant 0 : i32
      %dma_start3A_310 = tpu.memref_slice %arg3[%squeeze3A_300, %squeeze3A_302, %dma_start3A_309] : memref<125000x8x64xf32, #tpu.memory_space<hbm>> -> memref<1x1x64xf32, #tpu.memory_space<hbm>>
      %dma_start3A_311 = tpu.memref_squeeze %dma_start3A_310 : memref<1x1x64xf32, #tpu.memory_space<hbm>> -> memref<1x64xf32, #tpu.memory_space<hbm>>
      %dma_start3A_312 = arith.constant 0 : i32
      %dma_start3A_313 = tpu.memref_slice %arg11[%add3A_306, %dma_start3A_312] : memref<256x64xf32, #tpu.memory_space<vmem>> -> memref<1x64xf32, #tpu.memory_space<vmem>>
      %dma_start3A_314 = arith.constant 0 : i32
      %dma_start3A_315 = tpu.memref_slice %arg3[%squeeze3A_300, %squeeze3A_302, %dma_start3A_314] : memref<125000x8x64xf32, #tpu.memory_space<hbm>> -> memref<1x1x64xf32, #tpu.memory_space<hbm>>
      %dma_start3A_316 = tpu.memref_squeeze %dma_start3A_315 : memref<1x1x64xf32, #tpu.memory_space<hbm>> -> memref<1x64xf32, #tpu.memory_space<hbm>>
      tpu.enqueue_dma source(%dma_start3A_316 : memref<1x64xf32, #tpu.memory_space<hbm>>) target(%dma_start3A_313 : memref<1x64xf32, #tpu.memory_space<vmem>>) target_semaphore(%arg13 : memref<!tpu.dma_semaphore, #tpu.memory_space<semaphore_mem>>)
      %slice3A_317 = vector.extract_strided_slice %shift_right_logical3A_65 {offsets = [14], sizes = [1], strides = [1]} : vector<16xi32> to vector<1xi32>
      %squeeze3A_318 = vector.extract %slice3A_317[0] : i32 from vector<1xi32>
      %slice3A_319 = vector.extract_strided_slice %and3A_67 {offsets = [14], sizes = [1], strides = [1]} : vector<16xi32> to vector<1xi32>
      %squeeze3A_320 = vector.extract %slice3A_319[0] : i32 from vector<1xi32>
      %mul3A_321 = arith.constant 16 : i32
      %mul3A_322 = arith.muli %scan3A_57, %mul3A_321 : i32
      %add3A_323 = arith.constant 14 : i32
      %add3A_324 = arith.addi %mul3A_322, %add3A_323 : i32
      %dma_start3A_325 = arith.constant 0 : i32
      %dma_start3A_326 = tpu.memref_slice %arg11[%add3A_324, %dma_start3A_325] : memref<256x64xf32, #tpu.memory_space<vmem>> -> memref<1x64xf32, #tpu.memory_space<vmem>>
      %dma_start3A_327 = arith.constant 0 : i32
      %dma_start3A_328 = tpu.memref_slice %arg3[%squeeze3A_318, %squeeze3A_320, %dma_start3A_327] : memref<125000x8x64xf32, #tpu.memory_space<hbm>> -> memref<1x1x64xf32, #tpu.memory_space<hbm>>
      %dma_start3A_329 = tpu.memref_squeeze %dma_start3A_328 : memref<1x1x64xf32, #tpu.memory_space<hbm>> -> memref<1x64xf32, #tpu.memory_space<hbm>>
      %dma_start3A_330 = arith.constant 0 : i32
      %dma_start3A_331 = tpu.memref_slice %arg11[%add3A_324, %dma_start3A_330] : memref<256x64xf32, #tpu.memory_space<vmem>> -> memref<1x64xf32, #tpu.memory_space<vmem>>
      %dma_start3A_332 = arith.constant 0 : i32
      %dma_start3A_333 = tpu.memref_slice %arg3[%squeeze3A_318, %squeeze3A_320, %dma_start3A_332] : memref<125000x8x64xf32, #tpu.memory_space<hbm>> -> memref<1x1x64xf32, #tpu.memory_space<hbm>>
      %dma_start3A_334 = tpu.memref_squeeze %dma_start3A_333 : memref<1x1x64xf32, #tpu.memory_space<hbm>> -> memref<1x64xf32, #tpu.memory_space<hbm>>
      tpu.enqueue_dma source(%dma_start3A_334 : memref<1x64xf32, #tpu.memory_space<hbm>>) target(%dma_start3A_331 : memref<1x64xf32, #tpu.memory_space<vmem>>) target_semaphore(%arg13 : memref<!tpu.dma_semaphore, #tpu.memory_space<semaphore_mem>>)
      %slice3A_335 = vector.extract_strided_slice %shift_right_logical3A_65 {offsets = [15], sizes = [1], strides = [1]} : vector<16xi32> to vector<1xi32>
      %squeeze3A_336 = vector.extract %slice3A_335[0] : i32 from vector<1xi32>
      %slice3A_337 = vector.extract_strided_slice %and3A_67 {offsets = [15], sizes = [1], strides = [1]} : vector<16xi32> to vector<1xi32>
      %squeeze3A_338 = vector.extract %slice3A_337[0] : i32 from vector<1xi32>
      %mul3A_339 = arith.constant 16 : i32
      %mul3A_340 = arith.muli %scan3A_57, %mul3A_339 : i32
      %add3A_341 = arith.constant 15 : i32
      %add3A_342 = arith.addi %mul3A_340, %add3A_341 : i32
      %dma_start3A_343 = arith.constant 0 : i32
      %dma_start3A_344 = tpu.memref_slice %arg11[%add3A_342, %dma_start3A_343] : memref<256x64xf32, #tpu.memory_space<vmem>> -> memref<1x64xf32, #tpu.memory_space<vmem>>
      %dma_start3A_345 = arith.constant 0 : i32
      %dma_start3A_346 = tpu.memref_slice %arg3[%squeeze3A_336, %squeeze3A_338, %dma_start3A_345] : memref<125000x8x64xf32, #tpu.memory_space<hbm>> -> memref<1x1x64xf32, #tpu.memory_space<hbm>>
      %dma_start3A_347 = tpu.memref_squeeze %dma_start3A_346 : memref<1x1x64xf32, #tpu.memory_space<hbm>> -> memref<1x64xf32, #tpu.memory_space<hbm>>
      %dma_start3A_348 = arith.constant 0 : i32
      %dma_start3A_349 = tpu.memref_slice %arg11[%add3A_342, %dma_start3A_348] : memref<256x64xf32, #tpu.memory_space<vmem>> -> memref<1x64xf32, #tpu.memory_space<vmem>>
      %dma_start3A_350 = arith.constant 0 : i32
      %dma_start3A_351 = tpu.memref_slice %arg3[%squeeze3A_336, %squeeze3A_338, %dma_start3A_350] : memref<125000x8x64xf32, #tpu.memory_space<hbm>> -> memref<1x1x64xf32, #tpu.memory_space<hbm>>
      %dma_start3A_352 = tpu.memref_squeeze %dma_start3A_351 : memref<1x1x64xf32, #tpu.memory_space<hbm>> -> memref<1x64xf32, #tpu.memory_space<hbm>>
      tpu.enqueue_dma source(%dma_start3A_352 : memref<1x64xf32, #tpu.memory_space<hbm>>) target(%dma_start3A_349 : memref<1x64xf32, #tpu.memory_space<vmem>>) target_semaphore(%arg13 : memref<!tpu.dma_semaphore, #tpu.memory_space<semaphore_mem>>)
    }
    %scan3A_40 = arith.constant 16 : i32
    %dma_wait3A_41 = arith.constant 0 : i32
    %dma_wait3A_42 = arith.constant 0 : i32
    %dma_wait3A_43 = tpu.memref_slice %arg6[%dma_wait3A_41, %dma_wait3A_42] : memref<16384x64xf32, #tpu.memory_space<hbm>> -> memref<256x64xf32, #tpu.memory_space<hbm>>
    %dma_wait3A_44 = arith.constant 0 : i32
    %dma_wait3A_45 = arith.constant 0 : i32
    %dma_wait3A_46 = tpu.memref_slice %arg6[%dma_wait3A_44, %dma_wait3A_45] : memref<16384x64xf32, #tpu.memory_space<hbm>> -> memref<256x64xf32, #tpu.memory_space<hbm>>
    tpu.wait_dma2 semaphore(%arg12 : memref<!tpu.dma_semaphore, #tpu.memory_space<semaphore_mem>>) src(%dma_wait3A_46 : memref<256x64xf32, #tpu.memory_space<hbm>>) dst(%arg10 : memref<256x64xf32, #tpu.memory_space<vmem>>)
    %add3A_47 = arith.constant 256 : i32
    %add3A_48 = arith.addi %mul3A_2, %add3A_47 : i32
    "tpu.region"() ({
      %run_scoped3A = tpu.sem_alloc : memref<!tpu.dma_semaphore, #tpu.memory_space<semaphore_mem>>
      %dma_start3A = arith.constant 0 : i32
      %dma_start3A_57 = tpu.memref_slice %arg6[%add3A_48, %dma_start3A] : memref<16384x64xf32, #tpu.memory_space<hbm>> -> memref<256x64xf32, #tpu.memory_space<hbm>>
      %dma_start3A_58 = arith.constant 0 : i32
      %dma_start3A_59 = tpu.memref_slice %arg6[%add3A_48, %dma_start3A_58] : memref<16384x64xf32, #tpu.memory_space<hbm>> -> memref<256x64xf32, #tpu.memory_space<hbm>>
      tpu.enqueue_dma source(%arg10 : memref<256x64xf32, #tpu.memory_space<vmem>>) target(%dma_start3A_59 : memref<256x64xf32, #tpu.memory_space<hbm>>) target_semaphore(%run_scoped3A : memref<!tpu.dma_semaphore, #tpu.memory_space<semaphore_mem>>)
      %dma_wait3A_60 = arith.constant 0 : i32
      %dma_wait3A_61 = tpu.memref_slice %arg6[%add3A_48, %dma_wait3A_60] : memref<16384x64xf32, #tpu.memory_space<hbm>> -> memref<256x64xf32, #tpu.memory_space<hbm>>
      %dma_wait3A_62 = arith.constant 0 : i32
      %dma_wait3A_63 = tpu.memref_slice %arg6[%add3A_48, %dma_wait3A_62] : memref<16384x64xf32, #tpu.memory_space<hbm>> -> memref<256x64xf32, #tpu.memory_space<hbm>>
      tpu.wait_dma2 semaphore(%run_scoped3A : memref<!tpu.dma_semaphore, #tpu.memory_space<semaphore_mem>>) src(%arg10 : memref<256x64xf32, #tpu.memory_space<vmem>>) dst(%dma_wait3A_63 : memref<256x64xf32, #tpu.memory_space<hbm>>)
      tpu.yield
    }) : () -> ()
    %dma_wait3A_49 = arith.constant 0 : i32
    %dma_wait3A_50 = arith.constant 0 : i32
    %dma_wait3A_51 = tpu.memref_slice %arg7[%dma_wait3A_49, %dma_wait3A_50] : memref<16384x64xf32, #tpu.memory_space<hbm>> -> memref<256x64xf32, #tpu.memory_space<hbm>>
    %dma_wait3A_52 = arith.constant 0 : i32
    %dma_wait3A_53 = arith.constant 0 : i32
    %dma_wait3A_54 = tpu.memref_slice %arg7[%dma_wait3A_52, %dma_wait3A_53] : memref<16384x64xf32, #tpu.memory_space<hbm>> -> memref<256x64xf32, #tpu.memory_space<hbm>>
    tpu.wait_dma2 semaphore(%arg13 : memref<!tpu.dma_semaphore, #tpu.memory_space<semaphore_mem>>) src(%dma_wait3A_54 : memref<256x64xf32, #tpu.memory_space<hbm>>) dst(%arg11 : memref<256x64xf32, #tpu.memory_space<vmem>>)
    %add3A_55 = arith.constant 256 : i32
    %add3A_56 = arith.addi %mul3A_2, %add3A_55 : i32
    "tpu.region"() ({
      %run_scoped3A = tpu.sem_alloc : memref<!tpu.dma_semaphore, #tpu.memory_space<semaphore_mem>>
      %dma_start3A = arith.constant 0 : i32
      %dma_start3A_57 = tpu.memref_slice %arg7[%add3A_56, %dma_start3A] : memref<16384x64xf32, #tpu.memory_space<hbm>> -> memref<256x64xf32, #tpu.memory_space<hbm>>
      %dma_start3A_58 = arith.constant 0 : i32
      %dma_start3A_59 = tpu.memref_slice %arg7[%add3A_56, %dma_start3A_58] : memref<16384x64xf32, #tpu.memory_space<hbm>> -> memref<256x64xf32, #tpu.memory_space<hbm>>
      tpu.enqueue_dma source(%arg11 : memref<256x64xf32, #tpu.memory_space<vmem>>) target(%dma_start3A_59 : memref<256x64xf32, #tpu.memory_space<hbm>>) target_semaphore(%run_scoped3A : memref<!tpu.dma_semaphore, #tpu.memory_space<semaphore_mem>>)
      %dma_wait3A_60 = arith.constant 0 : i32
      %dma_wait3A_61 = tpu.memref_slice %arg7[%add3A_56, %dma_wait3A_60] : memref<16384x64xf32, #tpu.memory_space<hbm>> -> memref<256x64xf32, #tpu.memory_space<hbm>>
      %dma_wait3A_62 = arith.constant 0 : i32
      %dma_wait3A_63 = tpu.memref_slice %arg7[%add3A_56, %dma_wait3A_62] : memref<16384x64xf32, #tpu.memory_space<hbm>> -> memref<256x64xf32, #tpu.memory_space<hbm>>
      tpu.wait_dma2 semaphore(%run_scoped3A : memref<!tpu.dma_semaphore, #tpu.memory_space<semaphore_mem>>) src(%arg11 : memref<256x64xf32, #tpu.memory_space<vmem>>) dst(%dma_wait3A_63 : memref<256x64xf32, #tpu.memory_space<hbm>>)
      tpu.yield
    }) : () -> ()
    return
  }
}

module attributes {stable_mosaic.version = 14 : i64} {
  func.func @_mlp_body(%arg0: i32, %arg1: memref<2048x64xf32, #tpu.memory_space<vmem>>, %arg2: memref<2048x64xf32, #tpu.memory_space<vmem>>, %arg3: memref<2048x64xf32, #tpu.memory_space<vmem>>, %arg4: memref<64x64xf32, #tpu.memory_space<vmem>>, %arg5: memref<1x64xf32, #tpu.memory_space<vmem>>, %arg6: memref<64x256xf32, #tpu.memory_space<vmem>>, %arg7: memref<64x256xf32, #tpu.memory_space<vmem>>, %arg8: memref<64x256xf32, #tpu.memory_space<vmem>>, %arg9: memref<1x256xf32, #tpu.memory_space<vmem>>, %arg10: memref<1x256xf32, #tpu.memory_space<vmem>>, %arg11: memref<1x256xf32, #tpu.memory_space<vmem>>, %arg12: memref<256x128xf32, #tpu.memory_space<vmem>>, %arg13: memref<1x128xf32, #tpu.memory_space<vmem>>, %arg14: memref<1x128xf32, #tpu.memory_space<vmem>>, %arg15: memref<1x128xf32, #tpu.memory_space<vmem>>, %arg16: memref<128x1xf32, #tpu.memory_space<vmem>>, %arg17: memref<1x1xf32, #tpu.memory_space<vmem>>, %arg18: memref<2048x1xf32, #tpu.memory_space<vmem>>) attributes {dimension_semantics = [#tpu.dimension_semantics<arbitrary>], iteration_bounds = array<i64: 8>, scalar_prefetch = 0 : i64, scratch_operands = 0 : i64, tpu.core_type = #tpu.core_type<tc>, window_params = [{transform_indices = @transform_0, window_bounds = array<i64: 2048, 64>}, {transform_indices = @transform_1, window_bounds = array<i64: 2048, 64>}, {transform_indices = @transform_2, window_bounds = array<i64: 2048, 64>}, {pipeline_mode = #tpu.pipeline_mode<synchronous>, transform_indices = @transform_3, window_bounds = array<i64: 64, 64>}, {pipeline_mode = #tpu.pipeline_mode<synchronous>, transform_indices = @transform_4, window_bounds = array<i64: 1, 64>}, {pipeline_mode = #tpu.pipeline_mode<synchronous>, transform_indices = @transform_5, window_bounds = array<i64: 64, 256>}, {pipeline_mode = #tpu.pipeline_mode<synchronous>, transform_indices = @transform_6, window_bounds = array<i64: 64, 256>}, {pipeline_mode = #tpu.pipeline_mode<synchronous>, transform_indices = @transform_7, window_bounds = array<i64: 64, 256>}, {pipeline_mode = #tpu.pipeline_mode<synchronous>, transform_indices = @transform_8, window_bounds = array<i64: 1, 256>}, {pipeline_mode = #tpu.pipeline_mode<synchronous>, transform_indices = @transform_9, window_bounds = array<i64: 1, 256>}, {pipeline_mode = #tpu.pipeline_mode<synchronous>, transform_indices = @transform_10, window_bounds = array<i64: 1, 256>}, {pipeline_mode = #tpu.pipeline_mode<synchronous>, transform_indices = @transform_11, window_bounds = array<i64: 256, 128>}, {pipeline_mode = #tpu.pipeline_mode<synchronous>, transform_indices = @transform_12, window_bounds = array<i64: 1, 128>}, {pipeline_mode = #tpu.pipeline_mode<synchronous>, transform_indices = @transform_13, window_bounds = array<i64: 1, 128>}, {pipeline_mode = #tpu.pipeline_mode<synchronous>, transform_indices = @transform_14, window_bounds = array<i64: 1, 128>}, {pipeline_mode = #tpu.pipeline_mode<synchronous>, transform_indices = @transform_15, window_bounds = array<i64: 128, 1>}, {pipeline_mode = #tpu.pipeline_mode<synchronous>, transform_indices = @transform_16, window_bounds = array<i64: 1, 1>}, {transform_indices = @transform_17, window_bounds = array<i64: 2048, 1>}]} {
    %sqrt3A = arith.constant 1.000010e+00 : f32
    %sqrt3A_0 = math.sqrt %sqrt3A : f32
    %div3A = arith.constant 1.000000e+00 : f32
    %div3A_1 = arith.divf %div3A, %sqrt3A_0 : f32
    %get3A = arith.constant 0 : index
    %get3A_2 = arith.constant 0 : index
    %get3A_3 = vector.load %arg3[%get3A, %get3A_2] : memref<2048x64xf32, #tpu.memory_space<vmem>>, vector<2048x64xf32>
    %get3A_4 = arith.constant 0 : index
    %get3A_5 = arith.constant 0 : index
    %get3A_6 = vector.load %arg4[%get3A_4, %get3A_5] : memref<64x64xf32, #tpu.memory_space<vmem>>, vector<64x64xf32>
    %dot_general3A = arith.constant dense<0.000000e+00> : vector<2048x64xf32>
    %dot_general3A_7 = tpu.matmul %get3A_3, %get3A_6, %dot_general3A {dimension_numbers = #tpu.dot_dimension_numbers<[1], [0], [0], [1], [0, 0, 1, 1], [], []>, transpose_lhs_hint = false} : vector<2048x64xf32>, vector<64x64xf32>, vector<2048x64xf32> -> vector<2048x64xf32>
    %get3A_8 = arith.constant 0 : index
    %get3A_9 = arith.constant 0 : index
    %get3A_10 = vector.load %arg5[%get3A_8, %get3A_9] : memref<1x64xf32, #tpu.memory_space<vmem>>, vector<1x64xf32>
    %add3A = vector.broadcast %get3A_10 : vector<1x64xf32> to vector<2048x64xf32>
    %add3A_11 = arith.addf %dot_general3A_7, %add3A : vector<2048x64xf32>
    %get3A_12 = arith.constant 0 : index
    %get3A_13 = arith.constant 0 : index
    %get3A_14 = vector.load %arg1[%get3A_12, %get3A_13] : memref<2048x64xf32, #tpu.memory_space<vmem>>, vector<2048x64xf32>
    %get3A_15 = arith.constant 0 : index
    %get3A_16 = arith.constant 0 : index
    %get3A_17 = vector.load %arg6[%get3A_15, %get3A_16] : memref<64x256xf32, #tpu.memory_space<vmem>>, vector<64x256xf32>
    %dot_general3A_18 = arith.constant dense<0.000000e+00> : vector<2048x256xf32>
    %dot_general3A_19 = tpu.matmul %get3A_14, %get3A_17, %dot_general3A_18 {dimension_numbers = #tpu.dot_dimension_numbers<[1], [0], [0], [1], [0, 0, 1, 1], [], []>, transpose_lhs_hint = false} : vector<2048x64xf32>, vector<64x256xf32>, vector<2048x256xf32> -> vector<2048x256xf32>
    %get3A_20 = arith.constant 0 : index
    %get3A_21 = arith.constant 0 : index
    %get3A_22 = vector.load %arg2[%get3A_20, %get3A_21] : memref<2048x64xf32, #tpu.memory_space<vmem>>, vector<2048x64xf32>
    %get3A_23 = arith.constant 0 : index
    %get3A_24 = arith.constant 0 : index
    %get3A_25 = vector.load %arg7[%get3A_23, %get3A_24] : memref<64x256xf32, #tpu.memory_space<vmem>>, vector<64x256xf32>
    %dot_general3A_26 = arith.constant dense<0.000000e+00> : vector<2048x256xf32>
    %dot_general3A_27 = tpu.matmul %get3A_22, %get3A_25, %dot_general3A_26 {dimension_numbers = #tpu.dot_dimension_numbers<[1], [0], [0], [1], [0, 0, 1, 1], [], []>, transpose_lhs_hint = false} : vector<2048x64xf32>, vector<64x256xf32>, vector<2048x256xf32> -> vector<2048x256xf32>
    %add3A_28 = arith.addf %dot_general3A_19, %dot_general3A_27 : vector<2048x256xf32>
    %get3A_29 = arith.constant 0 : index
    %get3A_30 = arith.constant 0 : index
    %get3A_31 = vector.load %arg8[%get3A_29, %get3A_30] : memref<64x256xf32, #tpu.memory_space<vmem>>, vector<64x256xf32>
    %dot_general3A_32 = arith.constant dense<0.000000e+00> : vector<2048x256xf32>
    %dot_general3A_33 = tpu.matmul %add3A_11, %get3A_31, %dot_general3A_32 {dimension_numbers = #tpu.dot_dimension_numbers<[1], [0], [0], [1], [0, 0, 1, 1], [], []>, transpose_lhs_hint = false} : vector<2048x64xf32>, vector<64x256xf32>, vector<2048x256xf32> -> vector<2048x256xf32>
    %add3A_34 = arith.addf %add3A_28, %dot_general3A_33 : vector<2048x256xf32>
    %get3A_35 = arith.constant 0 : index
    %get3A_36 = arith.constant 0 : index
    %get3A_37 = vector.load %arg9[%get3A_35, %get3A_36] : memref<1x256xf32, #tpu.memory_space<vmem>>, vector<1x256xf32>
    %add3A_38 = vector.broadcast %get3A_37 : vector<1x256xf32> to vector<2048x256xf32>
    %add3A_39 = arith.addf %add3A_34, %add3A_38 : vector<2048x256xf32>
    %get3A_40 = arith.constant 0 : index
    %get3A_41 = arith.constant 0 : index
    %get3A_42 = vector.load %arg10[%get3A_40, %get3A_41] : memref<1x256xf32, #tpu.memory_space<vmem>>, vector<1x256xf32>
    %mul3A = vector.broadcast %div3A_1 : f32 to vector<1x256xf32>
    %mul3A_43 = arith.mulf %mul3A, %get3A_42 : vector<1x256xf32>
    %mul3A_44 = vector.broadcast %mul3A_43 : vector<1x256xf32> to vector<2048x256xf32>
    %mul3A_45 = arith.mulf %add3A_39, %mul3A_44 : vector<2048x256xf32>
    %get3A_46 = arith.constant 0 : index
    %get3A_47 = arith.constant 0 : index
    %get3A_48 = vector.load %arg11[%get3A_46, %get3A_47] : memref<1x256xf32, #tpu.memory_space<vmem>>, vector<1x256xf32>
    %add3A_49 = vector.broadcast %get3A_48 : vector<1x256xf32> to vector<2048x256xf32>
    %add3A_50 = arith.addf %mul3A_45, %add3A_49 : vector<2048x256xf32>
    %max3A = arith.constant 0.000000e+00 : f32
    %max3A_51 = vector.broadcast %max3A : f32 to vector<2048x256xf32>
    %max3A_52 = arith.maximumf %add3A_50, %max3A_51 : vector<2048x256xf32>
    %get3A_53 = arith.constant 0 : index
    %get3A_54 = arith.constant 0 : index
    %get3A_55 = vector.load %arg12[%get3A_53, %get3A_54] : memref<256x128xf32, #tpu.memory_space<vmem>>, vector<256x128xf32>
    %dot_general3A_56 = arith.constant dense<0.000000e+00> : vector<2048x128xf32>
    %dot_general3A_57 = tpu.matmul %max3A_52, %get3A_55, %dot_general3A_56 {dimension_numbers = #tpu.dot_dimension_numbers<[1], [0], [0], [1], [0, 0, 1, 1], [], []>, transpose_lhs_hint = false} : vector<2048x256xf32>, vector<256x128xf32>, vector<2048x128xf32> -> vector<2048x128xf32>
    %get3A_58 = arith.constant 0 : index
    %get3A_59 = arith.constant 0 : index
    %get3A_60 = vector.load %arg13[%get3A_58, %get3A_59] : memref<1x128xf32, #tpu.memory_space<vmem>>, vector<1x128xf32>
    %add3A_61 = vector.broadcast %get3A_60 : vector<1x128xf32> to vector<2048x128xf32>
    %add3A_62 = arith.addf %dot_general3A_57, %add3A_61 : vector<2048x128xf32>
    %get3A_63 = arith.constant 0 : index
    %get3A_64 = arith.constant 0 : index
    %get3A_65 = vector.load %arg14[%get3A_63, %get3A_64] : memref<1x128xf32, #tpu.memory_space<vmem>>, vector<1x128xf32>
    %mul3A_66 = vector.broadcast %div3A_1 : f32 to vector<1x128xf32>
    %mul3A_67 = arith.mulf %mul3A_66, %get3A_65 : vector<1x128xf32>
    %mul3A_68 = vector.broadcast %mul3A_67 : vector<1x128xf32> to vector<2048x128xf32>
    %mul3A_69 = arith.mulf %add3A_62, %mul3A_68 : vector<2048x128xf32>
    %get3A_70 = arith.constant 0 : index
    %get3A_71 = arith.constant 0 : index
    %get3A_72 = vector.load %arg15[%get3A_70, %get3A_71] : memref<1x128xf32, #tpu.memory_space<vmem>>, vector<1x128xf32>
    %add3A_73 = vector.broadcast %get3A_72 : vector<1x128xf32> to vector<2048x128xf32>
    %add3A_74 = arith.addf %mul3A_69, %add3A_73 : vector<2048x128xf32>
    %max3A_75 = arith.constant 0.000000e+00 : f32
    %max3A_76 = vector.broadcast %max3A_75 : f32 to vector<2048x128xf32>
    %max3A_77 = arith.maximumf %add3A_74, %max3A_76 : vector<2048x128xf32>
    %get3A_78 = arith.constant 0 : index
    %get3A_79 = arith.constant 0 : index
    %get3A_80 = vector.load %arg16[%get3A_78, %get3A_79] : memref<128x1xf32, #tpu.memory_space<vmem>>, vector<128x1xf32>
    %dot_general3A_81 = arith.constant dense<0.000000e+00> : vector<2048x1xf32>
    %dot_general3A_82 = tpu.matmul %max3A_77, %get3A_80, %dot_general3A_81 {dimension_numbers = #tpu.dot_dimension_numbers<[1], [0], [0], [1], [0, 0, 1, 1], [], []>, transpose_lhs_hint = false} : vector<2048x128xf32>, vector<128x1xf32>, vector<2048x1xf32> -> vector<2048x1xf32>
    %get3A_83 = arith.constant 0 : index
    %get3A_84 = arith.constant 0 : index
    %get3A_85 = vector.load %arg17[%get3A_83, %get3A_84] : memref<1x1xf32, #tpu.memory_space<vmem>>, vector<1x1xf32>
    %add3A_86 = vector.broadcast %get3A_85 : vector<1x1xf32> to vector<2048x1xf32>
    %add3A_87 = arith.addf %dot_general3A_82, %add3A_86 : vector<2048x1xf32>
    %neg3A = arith.constant 0.000000e+00 : f32
    %neg3A_88 = vector.broadcast %neg3A : f32 to vector<2048x1xf32>
    %neg3A_89 = arith.subf %neg3A_88, %add3A_87 : vector<2048x1xf32>
    %exp3A = math.exp %neg3A_89 : vector<2048x1xf32>
    %add3A_90 = arith.constant 1.000000e+00 : f32
    %add3A_91 = vector.broadcast %add3A_90 : f32 to vector<2048x1xf32>
    %add3A_92 = arith.addf %add3A_91, %exp3A : vector<2048x1xf32>
    %div3A_93 = arith.constant 5.000000e+00 : f32
    %div3A_94 = vector.broadcast %div3A_93 : f32 to vector<2048x1xf32>
    %div3A_95 = arith.divf %div3A_94, %add3A_92 : vector<2048x1xf32>
    %swap3A = arith.constant 0 : index
    %swap3A_96 = arith.constant 0 : index
    %swap3A_97 = vector.load %arg18[%swap3A, %swap3A_96] : memref<2048x1xf32, #tpu.memory_space<vmem>>, vector<2048x1xf32>
    tpu.vector_store %arg18[%swap3A, %swap3A_96], %div3A_95 {strides = array<i32>} : memref<2048x1xf32, #tpu.memory_space<vmem>>, vector<2048x1xf32>,
    return
  }
  func.func @transform_0(%arg0: i32) -> (i32, i32) {
    %c0_i32 = arith.constant 0 : i32
    %c0_i32_0 = arith.constant 0 : i32
    return %arg0, %c0_i32 : i32, i32
  }
  func.func @transform_1(%arg0: i32) -> (i32, i32) {
    %c0_i32 = arith.constant 0 : i32
    %c0_i32_0 = arith.constant 0 : i32
    return %arg0, %c0_i32 : i32, i32
  }
  func.func @transform_2(%arg0: i32) -> (i32, i32) {
    %c0_i32 = arith.constant 0 : i32
    %c0_i32_0 = arith.constant 0 : i32
    return %arg0, %c0_i32 : i32, i32
  }
  func.func @transform_3(%arg0: i32) -> (i32, i32) {
    %c0_i32 = arith.constant 0 : i32
    %c0_i32_0 = arith.constant 0 : i32
    %c0_i32_1 = arith.constant 0 : i32
    return %c0_i32, %c0_i32_0 : i32, i32
  }
  func.func @transform_4(%arg0: i32) -> (i32, i32) {
    %c0_i32 = arith.constant 0 : i32
    %c0_i32_0 = arith.constant 0 : i32
    %c0_i32_1 = arith.constant 0 : i32
    return %c0_i32, %c0_i32_0 : i32, i32
  }
  func.func @transform_5(%arg0: i32) -> (i32, i32) {
    %c0_i32 = arith.constant 0 : i32
    %c0_i32_0 = arith.constant 0 : i32
    %c0_i32_1 = arith.constant 0 : i32
    return %c0_i32, %c0_i32_0 : i32, i32
  }
  func.func @transform_6(%arg0: i32) -> (i32, i32) {
    %c0_i32 = arith.constant 0 : i32
    %c0_i32_0 = arith.constant 0 : i32
    %c0_i32_1 = arith.constant 0 : i32
    return %c0_i32, %c0_i32_0 : i32, i32
  }
  func.func @transform_7(%arg0: i32) -> (i32, i32) {
    %c0_i32 = arith.constant 0 : i32
    %c0_i32_0 = arith.constant 0 : i32
    %c0_i32_1 = arith.constant 0 : i32
    return %c0_i32, %c0_i32_0 : i32, i32
  }
  func.func @transform_8(%arg0: i32) -> (i32, i32) {
    %c0_i32 = arith.constant 0 : i32
    %c0_i32_0 = arith.constant 0 : i32
    %c0_i32_1 = arith.constant 0 : i32
    return %c0_i32, %c0_i32_0 : i32, i32
  }
  func.func @transform_9(%arg0: i32) -> (i32, i32) {
    %c0_i32 = arith.constant 0 : i32
    %c0_i32_0 = arith.constant 0 : i32
    %c0_i32_1 = arith.constant 0 : i32
    return %c0_i32, %c0_i32_0 : i32, i32
  }
  func.func @transform_10(%arg0: i32) -> (i32, i32) {
    %c0_i32 = arith.constant 0 : i32
    %c0_i32_0 = arith.constant 0 : i32
    %c0_i32_1 = arith.constant 0 : i32
    return %c0_i32, %c0_i32_0 : i32, i32
  }
  func.func @transform_11(%arg0: i32) -> (i32, i32) {
    %c0_i32 = arith.constant 0 : i32
    %c0_i32_0 = arith.constant 0 : i32
    %c0_i32_1 = arith.constant 0 : i32
    return %c0_i32, %c0_i32_0 : i32, i32
  }
  func.func @transform_12(%arg0: i32) -> (i32, i32) {
    %c0_i32 = arith.constant 0 : i32
    %c0_i32_0 = arith.constant 0 : i32
    %c0_i32_1 = arith.constant 0 : i32
    return %c0_i32, %c0_i32_0 : i32, i32
  }
  func.func @transform_13(%arg0: i32) -> (i32, i32) {
    %c0_i32 = arith.constant 0 : i32
    %c0_i32_0 = arith.constant 0 : i32
    %c0_i32_1 = arith.constant 0 : i32
    return %c0_i32, %c0_i32_0 : i32, i32
  }
  func.func @transform_14(%arg0: i32) -> (i32, i32) {
    %c0_i32 = arith.constant 0 : i32
    %c0_i32_0 = arith.constant 0 : i32
    %c0_i32_1 = arith.constant 0 : i32
    return %c0_i32, %c0_i32_0 : i32, i32
  }
  func.func @transform_15(%arg0: i32) -> (i32, i32) {
    %c0_i32 = arith.constant 0 : i32
    %c0_i32_0 = arith.constant 0 : i32
    %c0_i32_1 = arith.constant 0 : i32
    return %c0_i32, %c0_i32_0 : i32, i32
  }
  func.func @transform_16(%arg0: i32) -> (i32, i32) {
    %c0_i32 = arith.constant 0 : i32
    %c0_i32_0 = arith.constant 0 : i32
    %c0_i32_1 = arith.constant 0 : i32
    return %c0_i32, %c0_i32_0 : i32, i32
  }
  func.func @transform_17(%arg0: i32) -> (i32, i32) {
    %c0_i32 = arith.constant 0 : i32
    %c0_i32_0 = arith.constant 0 : i32
    return %arg0, %c0_i32 : i32, i32
  }
}

</mosaic_0001>

<sc_bundles>
// kernel: kernel.4.cloned.1.call-start
scs
__scs_entry_jumppad:
0x0: {  	(pc) =	sbr.rel $0x88, $3  }
0x1: {  	(tag) =	ssettag $0x0;
	lr =	simm.s32 $0x1  }
0x2: {  	[smem:$0x3F90] =	sst lr;
	_ =	strace $0xD0000000  }
0x3: {  	_ = 	snop  }
0x4: {  	_ = 	snop  }
0x5: {  	_ = 	snop  }
0x6: {  	_ = 	snop  }
0x7: {  	_ = 	snop  }
__scs_overlays_trampoline_lowered:
0x8: {  	[smem:$0x3F9F] =	sst s0  }
0x9: {  	[smem:$0x3FA0] =	sst s1  }
0xa: {  	[smem:$0x3FA1] =	sst s2  }
0xb: {  	[smem:$0x3FA2] =	sst s3  }
0xc: {  	[smem:$0x3FA3] =	sst s4  }
0xd: {  	[smem:$0x3FA4] =	sst s5  }
0xe: {  	[smem:$0x3FA5] =	sst s6  }
0xf: {  	[smem:$0x3FA6] =	sst s7  }
0x10: {  	[smem:$0x3FA7] =	sst s8  }
0x11: {  	[smem:$0x3FA8] =	sst s9;
	s0 =	simm.s32 @!p0 $0x0  }
0x12: {  	s1 =	sld [smem:$0x3F8E];
	s0 =	simm.s32 @p0 $0x1  }
0x13: {  	[smem:$0x3FA9] =	sst s0;
	s0 =	simm.s32 @!p1 $0x0  }
0x14: {  	s2 =	sld [smem:$0x3F8D];
	s0 =	simm.s32 @p1 $0x1  }
0x15: {  	[smem:$0x3FAA] =	sst s0;
	s0 =	simm.s32 @!p2 $0x0  }
0x16: {  	s3 =	sld [smem:$0x3FDB];
	s0 =	simm.s32 @p2 $0x1  }
0x17: {  	s4 =	simm.s32 $0x1BF5;
	[smem:$0x3FAC] =	sst s0  }
0x18: {  	s0 =	sld [smem:$0x3F8F];
	_ =	swait.ge [sflag:s4], $0x0  }
0x19: {  	s7 =	sld [smem:$0x3F90]  }
0x1a: {  	s8 =	sadd.s32 $0xFFFFE003, lr  }
0x1b: {  	s9 =	sadd.s32 $0xFFFFFEF7, lr;
	s5 =	simm.s32 $0xFFFFFFFF;
	p2 =	slt.u32 s8, $0xFFFFF086  }
0x1c: {  	p1 =	slt.u32 s9, $0xF7A;
	s5 =	simm.s32 @!p2 $0x0  }
0x1d: {  	s5 =	simm.s32 @p1 $0x1;
	p0 =	seq.s32 s7, s2  }
0x1e: {  	s7 =	smul.u32 @!p0 $0xF7A, s2;
	p2 =	seq.s32 @!p0 s5, $0x0  }
0x1f: {  	s9 =	smul.u32 $0xF7A, s1;
	s8 =	simm.s32 @!p0 $0x1BF5;
	p2 =	por !p2, p0  }
0x20: {  	[sflag:s8] =	ssyncset.s32 @!p0 $0xFFFFF086;
	s6 =	sadd.s32 @!p0 s3, s7;
	s7 =	simm.s32 @!p0 $0x108  }
0x21: {  	s3 =	sadd.s32 s3, s9;
	s6 =	sadd.s32 @!p0 $0x88, s6;
	s7 =	simm.s32 @p2 $0x1082  }
0x22: {  	[simem:s7], [sflag:s8] =	dma.local @!p0 [hbm:s6], $0xF7A  }
0x23: {  	s9 =	sor.u32 $0xD0000000, s2;
	s6 =	simm.s32 $0x108;
	_ =	swait.ge @!p0 [sflag:s8], $0x0  }
0x24: {  	s3 =	sadd.s32 $0x88, s3;
	s6 =	simm.s32 @!p1 $0x1082;
	[sflag:s4] =	ssyncset.s32 $0xFFFFF086  }
0x25: {  	[simem:s6], [sflag:s4] =	dma.local [hbm:s3], $0xF7A  }
0x26: {  	[smem:$0x3F90] =	sst s1;
	(tag) =	ssettag s2;
	_ =	strace s9  }
0x27: {  	s1 =	sld [smem:$0x3FA0]  }
0x28: {  	s2 =	sld [smem:$0x3FA1]  }
0x29: {  	s4 =	sld [smem:$0x3FA3]  }
0x2a: {  	p0 =	seq.s32 s5, $0x0;
	s5 =	sld [smem:$0x3FA4]  }
0x2b: {  	s6 =	sld [smem:$0x3FA5]  }
0x2c: {  	s7 =	sld [smem:$0x3FA6]  }
0x2d: {  	s3 =	simm.s32 $0x108;
	s8 =	sld [smem:$0x3FA7]  }
0x2e: {  	s3 =	simm.s32 @!p0 $0x1082;
	s9 =	sld [smem:$0x3FA8]  }
0x2f: {  	lr =	sadd.s32 s0, s3;
	s0 =	sld [smem:$0x3F9F]  }
0x30: {  	s3 =	sld [smem:$0x3FA2]  }
0x31: {  	[smem:$0x3FAB] =	sst s10  }
0x32: {  	s10 =	sld [smem:$0x3FA9];
	_ =	sdelay $0x3  }
0x33: {  	p0 =	seq.s32 s10, $0x1;
	s10 =	sld [smem:$0x3FAB];
	_ =	sdelay $0x3  }
0x34: {  	[smem:$0x3FAB] =	sst s10  }
0x35: {  	s10 =	sld [smem:$0x3FAA];
	_ =	sdelay $0x3  }
0x36: {  	p1 =	seq.s32 s10, $0x1;
	s10 =	sld [smem:$0x3FAB];
	_ =	sdelay $0x3  }
0x37: {  	[smem:$0x3FAB] =	sst s10  }
0x38: {  	s10 =	sld [smem:$0x3FAC]  }
0x39: {  	_ = 	snop;
	(pc) =	sbr.ind lr, $3  }
0x3a: {  	_ = 	snop  }
0x3b: {  	_ = 	snop  }
0x3c: {  	p2 =	seq.s32 s10, $0x1;
	s10 =	sld [smem:$0x3FAB]  }
0x3d: {  	_ =	shalt  }
0x3e: {  	_ =	shalt  }
0x3f: {  	_ =	shalt  }
0x40: {  	_ =	shalt  }
0x41: {  	_ =	shalt  }
0x42: {  	_ =	shalt  }
0x43: {  	_ =	shalt  }
0x44: {  	_ =	shalt  }
0x45: {  	_ =	shalt  }
0x46: {  	_ =	shalt  }
0x47: {  	_ =	shalt  }
0x48: {  	_ =	shalt  }
0x49: {  	_ =	shalt  }
0x4a: {  	_ =	shalt  }
0x4b: {  	_ =	shalt  }
0x4c: {  	_ =	shalt  }
0x4d: {  	_ =	shalt  }
0x4e: {  	_ =	shalt  }
0x4f: {  	_ =	shalt  }
0x50: {  	_ =	shalt  }
0x51: {  	_ =	shalt  }
0x52: {  	_ =	shalt  }
0x53: {  	_ =	shalt  }
0x54: {  	_ =	shalt  }
0x55: {  	_ =	shalt  }
0x56: {  	_ =	shalt  }
0x57: {  	_ =	shalt  }
0x58: {  	_ =	shalt  }
0x59: {  	_ =	shalt  }
0x5a: {  	_ =	shalt  }
0x5b: {  	_ =	shalt  }
0x5c: {  	_ =	shalt  }
0x5d: {  	_ =	shalt  }
0x5e: {  	_ =	shalt  }
0x5f: {  	_ =	shalt  }
0x60: {  	_ =	shalt  }
0x61: {  	_ =	shalt  }
0x62: {  	_ =	shalt  }
0x63: {  	_ =	shalt  }
0x64: {  	_ =	shalt  }
0x65: {  	_ =	shalt  }
0x66: {  	_ =	shalt  }
0x67: {  	_ =	shalt  }
0x68: {  	_ =	shalt  }
0x69: {  	_ =	shalt  }
0x6a: {  	_ =	shalt  }
0x6b: {  	_ =	shalt  }
0x6c: {  	_ =	shalt  }
0x6d: {  	_ =	shalt  }
0x6e: {  	_ =	shalt  }
0x6f: {  	_ =	shalt  }
0x70: {  	_ =	shalt  }
0x71: {  	_ =	shalt  }
0x72: {  	_ =	shalt  }
0x73: {  	_ =	shalt  }
0x74: {  	_ =	shalt  }
0x75: {  	_ =	shalt  }
0x76: {  	_ =	shalt  }
0x77: {  	_ =	shalt  }
0x78: {  	_ =	shalt  }
0x79: {  	_ =	shalt  }
0x7a: {  	_ =	shalt  }
0x7b: {  	_ =	shalt  }
0x7c: {  	_ =	shalt  }
0x7d: {  	_ =	shalt  }
0x7e: {  	_ =	shalt  }
0x7f: {  	_ =	shalt  }
0x80: {  	_ =	shalt  }
0x81: {  	_ =	shalt  }
0x82: {  	_ =	shalt  }
0x83: {  	_ =	shalt  }
0x84: {  	_ =	shalt  }
0x85: {  	_ =	shalt  }
0x86: {  	_ =	shalt  }
0x87: {  	_ =	shalt  }
.Lfunc_end0:
.L_simem_size_0:
called_computation_lowered:
.L_overlay_start_0:
0x88: {  	s2 =	sld [smem:$0x3FD9]  }
0x89: {  	s3 =	sld [smem:$0x3FFE];
	_ =	sdelay $0x1  }
0x8a: {  	s1 =	srdreg.scid  }
0x8b: {  	s0 =	sand.u32 $0x1, s1  }
0x8c: {  	s17 =	sshll.u32 s0, $0xA;
	s2 =	sadd.s32 s3, s2  }
0x8d: {  	s2 =	sadd.s32 s2, s17  }
0x8e: {  	[smem:$0x3FB7] =	sst s2  }
0x8f: {  	_ = 	snop  }
0x90: {  	s2 =	sld [smem:$0x3FC9]  }
0x91: {  	s18 =	sld [smem:$0x3FC8];
	(tm) =	ssettm $0x1  }
0x92: {  	s4 =	sld [smem:$0x3FFB];
	_ =	sdelay $0x3  }
0x93: {  	_ =	strace s4  }
0x94: {  	s4 =	sld [smem:$0x3FFC];
	_ =	sdelay $0x3  }
0x95: {  	_ =	strace s4  }
0x96: {  	s4 =	sld [smem:$0x3FFD];
	_ =	sdelay $0x3  }
0x97: {  	_ =	strace s4  }
0x98: {  	_ =	strace $0x8FFFFFFF  }
0x99: {  	s19 =	sld [smem:$0x3FDB];
	_ =	sdelay $0x1  }
0x9a: {  	s5 =	simm.s32 $_scs_section_size  }
0x9b: {  	s6 =	simm.s32 $_size__tile_overlayer_lowered;
	s7 =	simm.s32 $_tile_overlayer_lowered  }
0x9c: {  	s22 =	simm.s32 $0x1BFF;
	s21 =	sshll.u32 s7, $0x1;
	s4 =	sadd.s32 s5, s19  }
0x9d: {  	s8 =	simm.s32 $0x0;
	s20 =	sshll.u32 s6, $0x1;
	s6 =	sadd.s32 s21, s4  }
0x9e: {  	[timem:s8], [sflag:s22] =	dma.local [hbm:s6], s20  }
0x9f: {  	_ =	swait.ge [sflag:s22], s20  }
0xa0: {  	s5 =	ssub.s32 $0x0, s20;
	[sflag:s22] =	ssyncset.done $0x0  }
0xa1: {  	[sflag:s22] =	ssyncadd.s32 s5;
	_ =	sdelay $0x1  }
0xa2: {  	s23 =	simm.s32 $0x1B8B  }
0xa3: {  	_ =	swait.ge [sflag:s23], $0x1  }
0xa4: {  	[sflag:s23] =	ssyncset.done $0x0  }
0xa5: {  	s25 =	simm.s32 $0x1B8E;
	s24 =	sld [smem:$0x3FFE];
	[sflag:s23] =	ssyncadd.s32 $0xFFFFFFFF  }
0xa6: {  	s26 =	simm.s32 $execute0_lowered;
	[smem:$0x3FD2] =	sst s25  }
0xa7: {  	s6 =	sshll.u32 s26, $0x1;
	_ =	strace $0x80000046;
	[dreg:$0x1] =	wrdreg $0xFFFFFFFF  }
0xa8: {  	s28 =	simm.s32 $_size_execute0_lowered;
	s4 =	sadd.s32 s4, s6;
	[dreg:$0x0] =	wrdreg $0x0  }
0xa9: {  	s6 =	sshll.u32 s28, $0x1;
	[dreg:$0x2] =	wrdreg s4  }
0xaa: {  	[dreg:$0x3] =	wrdreg s6  }
0xab: {  	[dreg:$0x4] =	wrdreg $0xC0  }
0xac: {  	_ =	task [dreg:s8], $0x5FFFF  }
0xad: {  	[dreg:$0x1] =	wrdreg $0xFFFFFFFF  }
0xae: {  	[dreg:$0x0] =	wrdreg $0x60  }
0xaf: {  	[dreg:$0x2] =	wrdreg s24  }
0xb0: {  	[dreg:$0x3] =	wrdreg s2  }
0xb1: {  	[dreg:$0x4] =	wrdreg s18  }
0xb2: {  	[dreg:$0x5] =	wrdreg $0x9  }
0xb3: {  	_ =	task.clear_ibuf [dreg:s8], $0x6FFFF;
	_ =	strace $0x90000046  }
0xb4: {  	s29 =	simm.s32 $0x9;
	_ =	strace $0x80000048  }
0xb5: {  	_ =	swait.ge [sflag:s29], $0x1  }
0xb6: {  	[sflag:s29] =	ssyncadd.s32 $0xFFFFFFFF  }
0xb7: {  	_ =	strace $0x90000048  }
0xb8: {  	_ =	sfence  }
0xb9: {  	s30 =	sld [smem:$0x0];
	_ =	sdelay $0x2  }
0xba: {  	s31 =	sshll.u32 s1, $0xD;
	s1 =	sshrl.u32 s1, $0x2  }
0xbb: {  	s3 =	sand.u32 $0x4000, s31;
	s1 =	sadd.s32 s1, s30  }
0xbc: {  	s0 =	sor.u32 s3, s0;
	s1 =	sshll.u32 s1, $0x11  }
0xbd: {  	s0 =	sor.u32 s1, s0  }
0xbe: {  	s0 =	sadd.s32 $0x8F2B, s0  }
0xbf: {  	[sflag:s0] =	ssyncadd.remote.s32 $0x1  }
0xc0: {  	_ =	sfence.sel $0xFFFF  }
0xc1: {  	[dreg:$0x0] =	wrdreg $0xFFFFFFFF;
	(pc) =	sbr.abs _section_cstart, $3  }
0xc2: {  	[dreg:$0x1] =	wrdreg $0xFFFFFFFF  }
0xc3: {  	_ =	task.clear_ibuf [dreg:s8], $0x2FFFF;
	_ =	strace $0x9FFFFFFF  }
0xc4: {  	(tm) =	ssettm $0x7FFFFFFF  }
0xc5: {  	_ =	shalt  }
tec
execute0_lowered:
.L_overlay_start_1:
0x0: {  	(tag) =	ssettag $0x1  }
0x1: {  	s5 =	rddreg [dreg:$0x0]  }
0x2: {  	s6 =	rddreg [dreg:$0x1]  }
0x3: {  	s7 =	rddreg [dreg:$0x2]  }
0x4: {  	s0 =	rddreg [dreg:$0x3]  }
0x5: {  	s1 =	simm.s32 $0x0;
	s8 =	srdreg.scid;
	s2 =	stileid.u32  }
0x6: {  	s13 =	simm.s32 $0x200;
	s14 =	simm.s32 $0x1;
	s15 =	simm.s32 $0x400  }
0x7: {  	s16 =	simm.s32 $0x2;
	s17 =	simm.s32 $0x8400;
	s18 =	simm.s32 $0x0  }
0x8: {  	[smem:$0x7FF] =	sst s1;
	s3 =	sadd.s32 $0x2400, s5;
	s4 =	sadd.s32 $0xF44800, s5  }
0x9: {  	s9 =	sadd.s32 $0x1E86C00, s5;
	s8 =	sand.u32 $0x1, s8;
	s11 =	sshll.u32 s2, $0xA  }
0xa: {  	s12 =	sadd.s32 $0x1EC6C00, s5;
	s10 =	ssub.s32 $0x2, s8;
	s8 =	sshll.u32 s8, $0x9  }
0xb: {  	_ =	strace $0x80000047;
	s28 =	sshrl.u32 s10, $0x1;
	s8 =	sor.u32 s8, s11  }
0xc: {  	s29 =	ssub.s32 s10, s28;
	s30 =	sshrl.u32 s8, $0x3;
	s8 =	sshll.u32 s8, $0x4  }
0xd: {  	s5 =	sadd.s32 s6, s30;
	s6 =	sadd.s32 s7, s30;
	s31 =	sor.u32 $0x1000, s8  }
0xe: {  	s7 =	sadd.s32 s9, s8;
	s8 =	sadd.s32 s12, s8;
	s11 =	smax.u32 s29, $0x1  }
0xf: {  	s9 =	sadd.s32 s9, s31;
	s10 =	sadd.s32 s12, s31;
	s12 =	simm.s32 $0x3  }
.LBB2_1:
0x10: {  	[tilespmem:s1], [sflag:$0x3] =	stream.linear.gather [hbm4b:s5+s1], $0x200, $0x38;
	[tilespmem:$0x10400] =	vst v63  }
0x11: {  	_ =	swait.ge [sflag:s12], $0x200  }
0x12: {  	[sflag:s12] =	ssyncset.done $0x0  }
0x13: {  	[sflag:s12] =	ssyncadd.s32 $0xFFFFFE00  }
0x14: {  	[tilespmem:s13], [sflag:$0x3] =	stream.linear.gather [hbm4b:s6+s1], $0x200, $0x38;
	[tilespmem:$0x10400] =	vst v63  }
0x15: {  	_ =	swait.ge [sflag:s12], $0x200  }
0x16: {  	[sflag:s12] =	ssyncset.done $0x0  }
0x17: {  	s20 =	simm.s32 $0x0;
	s21 =	simm.s32 $0x0;
	[sflag:s12] =	ssyncadd.s32 $0xFFFFFE00  }
.LBB2_2:
0x18: {  	v0 =	vld [tilespmem:s20+$0x0];
	_ =	sdelay $0x4  }
0x19: {  	v1 =	vshrl.u32 v0, $0x3  }
0x1a: {  	v0 =	vand.u32 $0x7, v0;
	v1 =	vshll.u32 v1, $0xA  }
0x1b: {  	v0 =	vshll.u32 v0, $0x7;
	(v2sf) =	vpush v1, $0x0  }
0x1c: {  	(v2sf) =	vpush v0, $0x0;
	_ =	sdelay $0x2  }
0x1d: {  	(v2sf) =	vpush v1, $0x1  }
0x1e: {  	(v2sf) =	vpush v0, $0x1;
	_ =	sdelay $0x1  }
0x1f: {  	(v2sf) =	vpush v1, $0x2;
	_ =	sdelay $0x1  }
0x20: {  	(v2sf) =	vpush v0, $0x2;
	_ =	sdelay $0x5  }
0x21: {  	s19 =	spop (v2sf);
	(v2sf) =	vpush v1, $0x3  }
0x22: {  	s22 =	spop (v2sf);
	(v2sf) =	vpush v0, $0x3;
	_ =	sdelay $0x2  }
0x23: {  	s30 =	spop (v2sf);
	(v2sf) =	vpush v1, $0x4  }
0x24: {  	s31 =	spop (v2sf);
	(v2sf) =	vpush v0, $0x4;
	_ =	sdelay $0x1  }
0x25: {  	s26 =	spop (v2sf);
	(v2sf) =	vpush v1, $0x5;
	_ =	sdelay $0x1  }
0x26: {  	s28 =	spop (v2sf);
	(v2sf) =	vpush v0, $0x5  }
0x27: {  	s19 =	sor.u32 s22, s19  }
0x28: {  	s22 =	sshra.s32 s21, $0x2;
	s19 =	sshrl.u32 s19, $0x3  }
0x29: {  	s23 =	sadd.s32 $0x400, s22;
	s24 =	sadd.s32 s3, s19;
	s19 =	simm.s32 $0x0  }
0x2a: {  	[tilespmem:s23], [sflag:$0x1] =	stream.linear.gather [hbm4b:s24+s19], $0x80, $0x38;
	[tilespmem:$0x10400] =	vst v63  }
0x2b: {  	s23 =	sor.u32 s31, s30  }
0x2c: {  	s23 =	sshrl.u32 s23, $0x3;
	s30 =	spop (v2sf);
	(v2sf) =	vpush v1, $0x6  }
0x2d: {  	s25 =	sadd.s32 $0x480, s22;
	s23 =	sadd.s32 s3, s23;
	s31 =	spop (v2sf);
	(v2sf) =	vpush v0, $0x6  }
0x2e: {  	[tilespmem:s25], [sflag:$0x1] =	stream.linear.gather [hbm4b:s23+s19], $0x80, $0x38;
	[tilespmem:$0x10400] =	vst v63  }
0x2f: {  	s23 =	sor.u32 s28, s26  }
0x30: {  	s23 =	sshrl.u32 s23, $0x3;
	s26 =	spop (v2sf);
	(v2sf) =	vpush v1, $0x7  }
0x31: {  	s29 =	sadd.s32 $0x500, s22;
	s23 =	sadd.s32 s3, s23;
	s28 =	spop (v2sf);
	(v2sf) =	vpush v0, $0x7  }
0x32: {  	[tilespmem:s29], [sflag:$0x1] =	stream.linear.gather [hbm4b:s23+s19], $0x80, $0x38;
	[tilespmem:$0x10400] =	vst v63  }
0x33: {  	s23 =	sor.u32 s31, s30;
	s30 =	spop (v2sf);
	(v2sf) =	vpush v1, $0x8;
	_ =	sdelay $0x1  }
0x34: {  	s31 =	spop (v2sf);
	(v2sf) =	vpush v0, $0x8;
	_ =	sdelay $0x1  }
0x35: {  	s23 =	sshrl.u32 s23, $0x3  }
0x36: {  	s25 =	sadd.s32 $0x580, s22;
	s23 =	sadd.s32 s3, s23  }
0x37: {  	[tilespmem:s25], [sflag:$0x1] =	stream.linear.gather [hbm4b:s23+s19], $0x80, $0x38;
	[tilespmem:$0x10400] =	vst v63  }
0x38: {  	s23 =	sor.u32 s28, s26  }
0x39: {  	s23 =	sshrl.u32 s23, $0x3;
	s26 =	spop (v2sf);
	(v2sf) =	vpush v1, $0x9  }
0x3a: {  	s29 =	sadd.s32 $0x600, s22;
	s23 =	sadd.s32 s3, s23;
	s28 =	spop (v2sf);
	(v2sf) =	vpush v0, $0x9  }
0x3b: {  	[tilespmem:s29], [sflag:$0x1] =	stream.linear.gather [hbm4b:s23+s19], $0x80, $0x38;
	[tilespmem:$0x10400] =	vst v63  }
0x3c: {  	s23 =	sor.u32 s31, s30  }
0x3d: {  	s23 =	sshrl.u32 s23, $0x3;
	s30 =	spop (v2sf);
	(v2sf) =	vpush v1, $0xA  }
0x3e: {  	s25 =	sadd.s32 $0x680, s22;
	s23 =	sadd.s32 s3, s23;
	s31 =	spop (v2sf);
	(v2sf) =	vpush v0, $0xA  }
0x3f: {  	[tilespmem:s25], [sflag:$0x1] =	stream.linear.gather [hbm4b:s23+s19], $0x80, $0x38;
	[tilespmem:$0x10400] =	vst v63  }
0x40: {  	s23 =	sor.u32 s28, s26;
	s26 =	spop (v2sf);
	(v2sf) =	vpush v1, $0xB  }
0x41: {  	s23 =	sshrl.u32 s23, $0x3  }
0x42: {  	s29 =	sadd.s32 $0x700, s22;
	s23 =	sadd.s32 s3, s23;
	s28 =	spop (v2sf);
	(v2sf) =	vpush v0, $0xB  }
0x43: {  	[tilespmem:s29], [sflag:$0x1] =	stream.linear.gather [hbm4b:s23+s19], $0x80, $0x38;
	[tilespmem:$0x10400] =	vst v63  }
0x44: {  	s23 =	sor.u32 s31, s30  }
0x45: {  	s23 =	sshrl.u32 s23, $0x3  }
0x46: {  	s25 =	sadd.s32 $0x780, s22;
	s23 =	sadd.s32 s3, s23  }
0x47: {  	[tilespmem:s25], [sflag:$0x1] =	stream.linear.gather [hbm4b:s23+s19], $0x80, $0x38;
	[tilespmem:$0x10400] =	vst v63  }
0x48: {  	s23 =	sor.u32 s28, s26;
	s30 =	spop (v2sf);
	(v2sf) =	vpush v1, $0xC  }
0x49: {  	s23 =	sshrl.u32 s23, $0x3;
	s31 =	spop (v2sf);
	(v2sf) =	vpush v0, $0xC  }
0x4a: {  	s29 =	sadd.s32 $0x800, s22;
	s23 =	sadd.s32 s3, s23  }
0x4b: {  	[tilespmem:s29], [sflag:$0x1] =	stream.linear.gather [hbm4b:s23+s19], $0x80, $0x38;
	[tilespmem:$0x10400] =	vst v63  }
0x4c: {  	s26 =	spop (v2sf);
	(v2sf) =	vpush v1, $0xD  }
0x4d: {  	s23 =	sor.u32 s31, s30;
	s28 =	spop (v2sf);
	(v2sf) =	vpush v0, $0xD  }
0x4e: {  	s23 =	sshrl.u32 s23, $0x3  }
0x4f: {  	s25 =	sadd.s32 $0x880, s22;
	s23 =	sadd.s32 s3, s23;
	s30 =	spop (v2sf)  }
0x50: {  	(v2sf) =	vpush v1, $0xE;
	[tilespmem:s25], [sflag:$0x1] =	stream.linear.gather [hbm4b:s23+s19], $0x80, $0x38;
	[tilespmem:$0x10400] =	vst v63  }
0x51: {  	s31 =	spop (v2sf);
	(v2sf) =	vpush v0, $0xE  }
0x52: {  	s23 =	sor.u32 s28, s26  }
0x53: {  	s23 =	sshrl.u32 s23, $0x3  }
0x54: {  	s29 =	sadd.s32 $0x900, s22;
	s23 =	sadd.s32 s3, s23  }
0x55: {  	[tilespmem:s29], [sflag:$0x1] =	stream.linear.gather [hbm4b:s23+s19], $0x80, $0x38;
	[tilespmem:$0x10400] =	vst v63  }
0x56: {  	s23 =	sor.u32 s31, s30  }
0x57: {  	s23 =	sshrl.u32 s23, $0x3;
	s26 =	spop (v2sf);
	(v2sf) =	vpush v1, $0xF  }
0x58: {  	s25 =	sadd.s32 $0x980, s22;
	s23 =	sadd.s32 s3, s23;
	s28 =	spop (v2sf);
	(v2sf) =	vpush v0, $0xF  }
0x59: {  	[tilespmem:s25], [sflag:$0x1] =	stream.linear.gather [hbm4b:s23+s19], $0x80, $0x38;
	[tilespmem:$0x10400] =	vst v63  }
0x5a: {  	s23 =	sor.u32 s28, s26  }
0x5b: {  	s30 =	spop (v2sf);
	s23 =	sshrl.u32 s23, $0x3  }
0x5c: {  	s29 =	sadd.s32 $0xA00, s22;
	s31 =	spop (v2sf);
	s23 =	sadd.s32 s3, s23  }
0x5d: {  	[tilespmem:s29], [sflag:$0x1] =	stream.linear.gather [hbm4b:s23+s19], $0x80, $0x38;
	[tilespmem:$0x10400] =	vst v63  }
0x5e: {  	s23 =	sor.u32 s31, s30  }
0x5f: {  	s26 =	spop (v2sf);
	s23 =	sshrl.u32 s23, $0x3  }
0x60: {  	s25 =	sadd.s32 $0xA80, s22;
	s28 =	spop (v2sf);
	s23 =	sadd.s32 s3, s23  }
0x61: {  	[tilespmem:s25], [sflag:$0x1] =	stream.linear.gather [hbm4b:s23+s19], $0x80, $0x38;
	[tilespmem:$0x10400] =	vst v63  }
0x62: {  	s23 =	sor.u32 s28, s26  }
0x63: {  	s23 =	sshrl.u32 s23, $0x3  }
0x64: {  	s29 =	sadd.s32 $0xB00, s22;
	s23 =	sadd.s32 s3, s23  }
0x65: {  	[tilespmem:s29], [sflag:$0x1] =	stream.linear.gather [hbm4b:s23+s19], $0x80, $0x38;
	[tilespmem:$0x10400] =	vst v63  }
0x66: {  	p0 =	sne.s32 s21, $0x1E000;
	s30 =	spop (v2sf)  }
.Ltmp0:
0x67: {  	s31 =	spop (v2sf);
	(pc) =	sbr.rel @p0 .LBB2_2-.Ltmp0, $4  }
0x68: {  	s23 =	sor.u32 s31, s30  }
0x69: {  	s20 =	sadd.s32 $0x10, s20;
	s23 =	sshrl.u32 s23, $0x3  }
0x6a: {  	s21 =	sadd.s32 $0x2000, s21;
	s22 =	sadd.s32 $0xB80, s22;
	s23 =	sadd.s32 s3, s23  }
0x6b: {  	[tilespmem:s22], [sflag:$0x1] =	stream.linear.gather [hbm4b:s23+s19], $0x80, $0x38;
	[tilespmem:$0x10400] =	vst v63  }
0x6c: {  	s20 =	simm.s32 $0x200  }
.LBB2_4:
0x6d: {  	v0 =	vld [tilespmem:s20+$0x0];
	_ =	sdelay $0x4  }
0x6e: {  	v1 =	vshrl.u32 v0, $0x3  }
0x6f: {  	v0 =	vand.u32 $0x7, v0;
	v1 =	vshll.u32 v1, $0xA  }
0x70: {  	v0 =	vshll.u32 v0, $0x7;
	(v2sf) =	vpush v1, $0x0  }
0x71: {  	(v2sf) =	vpush v0, $0x0;
	_ =	sdelay $0x2  }
0x72: {  	(v2sf) =	vpush v1, $0x1  }
0x73: {  	(v2sf) =	vpush v0, $0x1;
	_ =	sdelay $0x1  }
0x74: {  	(v2sf) =	vpush v1, $0x2;
	_ =	sdelay $0x1  }
0x75: {  	(v2sf) =	vpush v0, $0x2;
	_ =	sdelay $0x5  }
0x76: {  	s21 =	spop (v2sf);
	(v2sf) =	vpush v1, $0x3  }
0x77: {  	s22 =	spop (v2sf);
	(v2sf) =	vpush v0, $0x3;
	_ =	sdelay $0x2  }
0x78: {  	s25 =	spop (v2sf);
	(v2sf) =	vpush v1, $0x4  }
0x79: {  	s26 =	spop (v2sf);
	(v2sf) =	vpush v0, $0x4;
	_ =	sdelay $0x1  }
0x7a: {  	s29 =	spop (v2sf);
	(v2sf) =	vpush v1, $0x5;
	_ =	sdelay $0x1  }
0x7b: {  	s30 =	spop (v2sf);
	(v2sf) =	vpush v0, $0x5;
	_ =	sdelay $0x1  }
0x7c: {  	s22 =	sor.u32 s22, s21  }
0x7d: {  	s21 =	sshra.s32 s19, $0x2;
	s22 =	sshrl.u32 s22, $0x3  }
0x7e: {  	s23 =	sadd.s32 $0x8400, s21;
	s22 =	sadd.s32 s4, s22  }
0x7f: {  	[tilespmem:s23], [sflag:$0x2] =	stream.linear.gather [hbm4b:s22+s1], $0x80, $0x38;
	[tilespmem:$0x10400] =	vst v63  }
0x80: {  	s22 =	sor.u32 s26, s25;
	s23 =	spop (v2sf);
	(v2sf) =	vpush v1, $0x6  }
0x81: {  	s22 =	sshrl.u32 s22, $0x3;
	s24 =	spop (v2sf);
	(v2sf) =	vpush v0, $0x6  }
0x82: {  	s28 =	sadd.s32 $0x8480, s21;
	s22 =	sadd.s32 s4, s22  }
0x83: {  	[tilespmem:s28], [sflag:$0x2] =	stream.linear.gather [hbm4b:s22+s1], $0x80, $0x38;
	[tilespmem:$0x10400] =	vst v63  }
0x84: {  	s26 =	spop (v2sf);
	(v2sf) =	vpush v1, $0x7  }
0x85: {  	s22 =	sor.u32 s30, s29;
	s28 =	spop (v2sf);
	(v2sf) =	vpush v0, $0x7  }
0x86: {  	s22 =	sshrl.u32 s22, $0x3  }
0x87: {  	s31 =	sadd.s32 $0x8500, s21;
	s22 =	sadd.s32 s4, s22;
	s30 =	spop (v2sf);
	(v2sf) =	vpush v1, $0x8  }
0x88: {  	[tilespmem:s31], [sflag:$0x2] =	stream.linear.gather [hbm4b:s22+s1], $0x80, $0x38;
	[tilespmem:$0x10400] =	vst v63  }
0x89: {  	s31 =	spop (v2sf);
	(v2sf) =	vpush v0, $0x8  }
0x8a: {  	s22 =	sor.u32 s24, s23  }
0x8b: {  	s22 =	sshrl.u32 s22, $0x3  }
0x8c: {  	s25 =	sadd.s32 $0x8580, s21;
	s22 =	sadd.s32 s4, s22  }
0x8d: {  	[tilespmem:s25], [sflag:$0x2] =	stream.linear.gather [hbm4b:s22+s1], $0x80, $0x38;
	[tilespmem:$0x10400] =	vst v63  }
0x8e: {  	s22 =	sor.u32 s28, s26  }
0x8f: {  	s22 =	sshrl.u32 s22, $0x3;
	s25 =	spop (v2sf);
	(v2sf) =	vpush v1, $0x9  }
0x90: {  	s29 =	sadd.s32 $0x8600, s21;
	s22 =	sadd.s32 s4, s22;
	s26 =	spop (v2sf);
	(v2sf) =	vpush v0, $0x9  }
0x91: {  	[tilespmem:s29], [sflag:$0x2] =	stream.linear.gather [hbm4b:s22+s1], $0x80, $0x38;
	[tilespmem:$0x10400] =	vst v63  }
0x92: {  	s22 =	sor.u32 s31, s30  }
0x93: {  	s22 =	sshrl.u32 s22, $0x3;
	s29 =	spop (v2sf);
	(v2sf) =	vpush v1, $0xA  }
0x94: {  	s24 =	sadd.s32 $0x8680, s21;
	s22 =	sadd.s32 s4, s22;
	s30 =	spop (v2sf);
	(v2sf) =	vpush v0, $0xA  }
0x95: {  	[tilespmem:s24], [sflag:$0x2] =	stream.linear.gather [hbm4b:s22+s1], $0x80, $0x38;
	[tilespmem:$0x10400] =	vst v63  }
0x96: {  	s22 =	sor.u32 s26, s25;
	s23 =	spop (v2sf);
	(v2sf) =	vpush v1, $0xB  }
0x97: {  	s22 =	sshrl.u32 s22, $0x3  }
0x98: {  	s28 =	sadd.s32 $0x8700, s21;
	s22 =	sadd.s32 s4, s22;
	s24 =	spop (v2sf);
	(v2sf) =	vpush v0, $0xB  }
0x99: {  	[tilespmem:s28], [sflag:$0x2] =	stream.linear.gather [hbm4b:s22+s1], $0x80, $0x38;
	[tilespmem:$0x10400] =	vst v63  }
0x9a: {  	s22 =	sor.u32 s30, s29  }
0x9b: {  	s22 =	sshrl.u32 s22, $0x3  }
0x9c: {  	s31 =	sadd.s32 $0x8780, s21;
	s22 =	sadd.s32 s4, s22  }
0x9d: {  	[tilespmem:s31], [sflag:$0x2] =	stream.linear.gather [hbm4b:s22+s1], $0x80, $0x38;
	[tilespmem:$0x10400] =	vst v63  }
0x9e: {  	s22 =	sor.u32 s24, s23;
	s26 =	spop (v2sf);
	(v2sf) =	vpush v1, $0xC  }
0x9f: {  	s22 =	sshrl.u32 s22, $0x3;
	s28 =	spop (v2sf);
	(v2sf) =	vpush v0, $0xC  }
0xa0: {  	s25 =	sadd.s32 $0x8800, s21;
	s22 =	sadd.s32 s4, s22  }
0xa1: {  	[tilespmem:s25], [sflag:$0x2] =	stream.linear.gather [hbm4b:s22+s1], $0x80, $0x38;
	[tilespmem:$0x10400] =	vst v63  }
0xa2: {  	s30 =	spop (v2sf);
	(v2sf) =	vpush v1, $0xD  }
0xa3: {  	s22 =	sor.u32 s28, s26;
	s31 =	spop (v2sf);
	(v2sf) =	vpush v0, $0xD  }
0xa4: {  	s22 =	sshrl.u32 s22, $0x3  }
0xa5: {  	s29 =	sadd.s32 $0x8880, s21;
	s22 =	sadd.s32 s4, s22;
	s25 =	spop (v2sf)  }
0xa6: {  	(v2sf) =	vpush v1, $0xE;
	[tilespmem:s29], [sflag:$0x2] =	stream.linear.gather [hbm4b:s22+s1], $0x80, $0x38;
	[tilespmem:$0x10400] =	vst v63  }
0xa7: {  	s26 =	spop (v2sf);
	(v2sf) =	vpush v0, $0xE  }
0xa8: {  	s22 =	sor.u32 s31, s30  }
0xa9: {  	s22 =	sshrl.u32 s22, $0x3  }
0xaa: {  	s24 =	sadd.s32 $0x8900, s21;
	s22 =	sadd.s32 s4, s22  }
0xab: {  	[tilespmem:s24], [sflag:$0x2] =	stream.linear.gather [hbm4b:s22+s1], $0x80, $0x38;
	[tilespmem:$0x10400] =	vst v63  }
0xac: {  	s22 =	sor.u32 s26, s25  }
0xad: {  	s22 =	sshrl.u32 s22, $0x3;
	s29 =	spop (v2sf);
	(v2sf) =	vpush v1, $0xF  }
0xae: {  	s28 =	sadd.s32 $0x8980, s21;
	s22 =	sadd.s32 s4, s22;
	s30 =	spop (v2sf);
	(v2sf) =	vpush v0, $0xF  }
0xaf: {  	[tilespmem:s28], [sflag:$0x2] =	stream.linear.gather [hbm4b:s22+s1], $0x80, $0x38;
	[tilespmem:$0x10400] =	vst v63  }
0xb0: {  	s22 =	sor.u32 s30, s29  }
0xb1: {  	s23 =	spop (v2sf);
	s22 =	sshrl.u32 s22, $0x3  }
0xb2: {  	s31 =	sadd.s32 $0x8A00, s21;
	s24 =	spop (v2sf);
	s22 =	sadd.s32 s4, s22  }
0xb3: {  	[tilespmem:s31], [sflag:$0x2] =	stream.linear.gather [hbm4b:s22+s1], $0x80, $0x38;
	[tilespmem:$0x10400] =	vst v63  }
0xb4: {  	s22 =	sor.u32 s24, s23  }
0xb5: {  	s26 =	spop (v2sf);
	s22 =	sshrl.u32 s22, $0x3  }
0xb6: {  	s25 =	sadd.s32 $0x8A80, s21;
	s28 =	spop (v2sf);
	s22 =	sadd.s32 s4, s22  }
0xb7: {  	[tilespmem:s25], [sflag:$0x2] =	stream.linear.gather [hbm4b:s22+s1], $0x80, $0x38;
	[tilespmem:$0x10400] =	vst v63  }
0xb8: {  	s22 =	sor.u32 s28, s26  }
0xb9: {  	s22 =	sshrl.u32 s22, $0x3  }
0xba: {  	s29 =	sadd.s32 $0x8B00, s21;
	s22 =	sadd.s32 s4, s22  }
0xbb: {  	[tilespmem:s29], [sflag:$0x2] =	stream.linear.gather [hbm4b:s22+s1], $0x80, $0x38;
	[tilespmem:$0x10400] =	vst v63  }
0xbc: {  	p0 =	sne.s32 s19, $0x1E000;
	s30 =	spop (v2sf)  }
.Ltmp1:
0xbd: {  	s31 =	spop (v2sf);
	(pc) =	sbr.rel @p0 .LBB2_4-.Ltmp1, $4  }
0xbe: {  	s22 =	sor.u32 s31, s30  }
0xbf: {  	s20 =	sadd.s32 $0x10, s20;
	s22 =	sshrl.u32 s22, $0x3  }
0xc0: {  	s19 =	sadd.s32 $0x2000, s19;
	s21 =	sadd.s32 $0x8B80, s21;
	s22 =	sadd.s32 s4, s22  }
0xc1: {  	[tilespmem:s21], [sflag:$0x2] =	stream.linear.gather [hbm4b:s22+s1], $0x80, $0x38;
	[tilespmem:$0x10400] =	vst v63  }
0xc2: {  	_ =	swait.ge [sflag:s14], $0x8000  }
0xc3: {  	[sflag:s14] =	ssyncset.done $0x0  }
0xc4: {  	s19 =	simm.s32 $0x0;
	[sflag:s14] =	ssyncadd.s32 $0xFFFF8000  }
0xc5: {  	[hbm4b:s7+s19] =	stream.linear.scatter [tilespmem:s15], [sflag:$0x3], $0x8000, $0x38;
	[tilespmem:$0x10400] =	vst v63  }
0xc6: {  	_ =	swait.ge [sflag:s12], $0x8000  }
0xc7: {  	[sflag:s12] =	ssyncset.done $0x0  }
0xc8: {  	s20 =	simm.s32 $0x0;
	[sflag:s12] =	ssyncadd.s32 $0xFFFF8000  }
.LBB2_6:
0xc9: {  	s21 =	sand.u32 $0xF0, s19  }
0xca: {  	v0 =	vld [tilespmem:s21+$0x100];
	_ =	sdelay $0x4  }
0xcb: {  	v1 =	vshrl.u32 v0, $0x3  }
0xcc: {  	v0 =	vand.u32 $0x7, v0;
	v1 =	vshll.u32 v1, $0xA  }
0xcd: {  	v0 =	vshll.u32 v0, $0x7;
	(v2sf) =	vpush v1, $0x0  }
0xce: {  	(v2sf) =	vpush v0, $0x0;
	_ =	sdelay $0x2  }
0xcf: {  	(v2sf) =	vpush v1, $0x1  }
0xd0: {  	(v2sf) =	vpush v0, $0x1;
	_ =	sdelay $0x1  }
0xd1: {  	(v2sf) =	vpush v1, $0x2;
	_ =	sdelay $0x1  }
0xd2: {  	(v2sf) =	vpush v0, $0x2;
	_ =	sdelay $0x5  }
0xd3: {  	s24 =	spop (v2sf);
	(v2sf) =	vpush v1, $0x3  }
0xd4: {  	s22 =	spop (v2sf);
	(v2sf) =	vpush v0, $0x3;
	_ =	sdelay $0x2  }
0xd5: {  	s25 =	spop (v2sf);
	(v2sf) =	vpush v1, $0x4  }
0xd6: {  	s26 =	spop (v2sf);
	(v2sf) =	vpush v0, $0x4;
	_ =	sdelay $0x1  }
0xd7: {  	s29 =	spop (v2sf);
	(v2sf) =	vpush v1, $0x5;
	_ =	sdelay $0x1  }
0xd8: {  	s30 =	spop (v2sf);
	(v2sf) =	vpush v0, $0x5;
	_ =	sdelay $0x1  }
0xd9: {  	s22 =	sor.u32 s22, s24  }
0xda: {  	s21 =	sshra.s32 s20, $0x2;
	s22 =	sshrl.u32 s22, $0x3  }
0xdb: {  	s23 =	sadd.s32 $0x400, s21;
	s22 =	sadd.s32 s3, s22  }
0xdc: {  	[tilespmem:s23], [sflag:$0x1] =	stream.linear.gather [hbm4b:s22+s1], $0x80, $0x38;
	[tilespmem:$0x10400] =	vst v63  }
0xdd: {  	s22 =	sor.u32 s26, s25;
	s23 =	spop (v2sf);
	(v2sf) =	vpush v1, $0x6  }
0xde: {  	s22 =	sshrl.u32 s22, $0x3;
	s24 =	spop (v2sf);
	(v2sf) =	vpush v0, $0x6  }
0xdf: {  	s28 =	sadd.s32 $0x480, s21;
	s22 =	sadd.s32 s3, s22  }
0xe0: {  	[tilespmem:s28], [sflag:$0x1] =	stream.linear.gather [hbm4b:s22+s1], $0x80, $0x38;
	[tilespmem:$0x10400] =	vst v63  }
0xe1: {  	s26 =	spop (v2sf);
	(v2sf) =	vpush v1, $0x7  }
0xe2: {  	s22 =	sor.u32 s30, s29;
	s28 =	spop (v2sf);
	(v2sf) =	vpush v0, $0x7  }
0xe3: {  	s22 =	sshrl.u32 s22, $0x3  }
0xe4: {  	s31 =	sadd.s32 $0x500, s21;
	s22 =	sadd.s32 s3, s22;
	s30 =	spop (v2sf);
	(v2sf) =	vpush v1, $0x8  }
0xe5: {  	[tilespmem:s31], [sflag:$0x1] =	stream.linear.gather [hbm4b:s22+s1], $0x80, $0x38;
	[tilespmem:$0x10400] =	vst v63  }
0xe6: {  	s31 =	spop (v2sf);
	(v2sf) =	vpush v0, $0x8  }
0xe7: {  	s22 =	sor.u32 s24, s23  }
0xe8: {  	s22 =	sshrl.u32 s22, $0x3  }
0xe9: {  	s25 =	sadd.s32 $0x580, s21;
	s22 =	sadd.s32 s3, s22  }
0xea: {  	[tilespmem:s25], [sflag:$0x1] =	stream.linear.gather [hbm4b:s22+s1], $0x80, $0x38;
	[tilespmem:$0x10400] =	vst v63  }
0xeb: {  	s22 =	sor.u32 s28, s26  }
0xec: {  	s22 =	sshrl.u32 s22, $0x3;
	s25 =	spop (v2sf);
	(v2sf) =	vpush v1, $0x9  }
0xed: {  	s29 =	sadd.s32 $0x600, s21;
	s22 =	sadd.s32 s3, s22;
	s26 =	spop (v2sf);
	(v2sf) =	vpush v0, $0x9  }
0xee: {  	[tilespmem:s29], [sflag:$0x1] =	stream.linear.gather [hbm4b:s22+s1], $0x80, $0x38;
	[tilespmem:$0x10400] =	vst v63  }
0xef: {  	s22 =	sor.u32 s31, s30  }
0xf0: {  	s22 =	sshrl.u32 s22, $0x3;
	s29 =	spop (v2sf);
	(v2sf) =	vpush v1, $0xA  }
0xf1: {  	s24 =	sadd.s32 $0x680, s21;
	s22 =	sadd.s32 s3, s22;
	s30 =	spop (v2sf);
	(v2sf) =	vpush v0, $0xA  }
0xf2: {  	[tilespmem:s24], [sflag:$0x1] =	stream.linear.gather [hbm4b:s22+s1], $0x80, $0x38;
	[tilespmem:$0x10400] =	vst v63  }
0xf3: {  	s22 =	sor.u32 s26, s25;
	s23 =	spop (v2sf);
	(v2sf) =	vpush v1, $0xB  }
0xf4: {  	s22 =	sshrl.u32 s22, $0x3  }
0xf5: {  	s28 =	sadd.s32 $0x700, s21;
	s22 =	sadd.s32 s3, s22;
	s24 =	spop (v2sf);
	(v2sf) =	vpush v0, $0xB  }
0xf6: {  	[tilespmem:s28], [sflag:$0x1] =	stream.linear.gather [hbm4b:s22+s1], $0x80, $0x38;
	[tilespmem:$0x10400] =	vst v63  }
0xf7: {  	s22 =	sor.u32 s30, s29  }
0xf8: {  	s22 =	sshrl.u32 s22, $0x3  }
0xf9: {  	s31 =	sadd.s32 $0x780, s21;
	s22 =	sadd.s32 s3, s22  }
0xfa: {  	[tilespmem:s31], [sflag:$0x1] =	stream.linear.gather [hbm4b:s22+s1], $0x80, $0x38;
	[tilespmem:$0x10400] =	vst v63  }
0xfb: {  	s22 =	sor.u32 s24, s23;
	s26 =	spop (v2sf);
	(v2sf) =	vpush v1, $0xC  }
0xfc: {  	s22 =	sshrl.u32 s22, $0x3;
	s28 =	spop (v2sf);
	(v2sf) =	vpush v0, $0xC  }
0xfd: {  	s25 =	sadd.s32 $0x800, s21;
	s22 =	sadd.s32 s3, s22  }
0xfe: {  	[tilespmem:s25], [sflag:$0x1] =	stream.linear.gather [hbm4b:s22+s1], $0x80, $0x38;
	[tilespmem:$0x10400] =	vst v63  }
0xff: {  	s30 =	spop (v2sf);
	(v2sf) =	vpush v1, $0xD  }
0x100: {  	s22 =	sor.u32 s28, s26;
	s31 =	spop (v2sf);
	(v2sf) =	vpush v0, $0xD  }
0x101: {  	s22 =	sshrl.u32 s22, $0x3  }
0x102: {  	s29 =	sadd.s32 $0x880, s21;
	s22 =	sadd.s32 s3, s22;
	s25 =	spop (v2sf)  }
0x103: {  	(v2sf) =	vpush v1, $0xE;
	[tilespmem:s29], [sflag:$0x1] =	stream.linear.gather [hbm4b:s22+s1], $0x80, $0x38;
	[tilespmem:$0x10400] =	vst v63  }
0x104: {  	s26 =	spop (v2sf);
	(v2sf) =	vpush v0, $0xE  }
0x105: {  	s22 =	sor.u32 s31, s30  }
0x106: {  	s22 =	sshrl.u32 s22, $0x3  }
0x107: {  	s24 =	sadd.s32 $0x900, s21;
	s22 =	sadd.s32 s3, s22  }
0x108: {  	[tilespmem:s24], [sflag:$0x1] =	stream.linear.gather [hbm4b:s22+s1], $0x80, $0x38;
	[tilespmem:$0x10400] =	vst v63  }
0x109: {  	s22 =	sor.u32 s26, s25  }
0x10a: {  	s22 =	sshrl.u32 s22, $0x3;
	s29 =	spop (v2sf);
	(v2sf) =	vpush v1, $0xF  }
0x10b: {  	s28 =	sadd.s32 $0x980, s21;
	s22 =	sadd.s32 s3, s22;
	s30 =	spop (v2sf);
	(v2sf) =	vpush v0, $0xF  }
0x10c: {  	[tilespmem:s28], [sflag:$0x1] =	stream.linear.gather [hbm4b:s22+s1], $0x80, $0x38;
	[tilespmem:$0x10400] =	vst v63  }
0x10d: {  	s22 =	sor.u32 s30, s29  }
0x10e: {  	s23 =	spop (v2sf);
	s22 =	sshrl.u32 s22, $0x3  }
0x10f: {  	s31 =	sadd.s32 $0xA00, s21;
	s24 =	spop (v2sf);
	s22 =	sadd.s32 s3, s22  }
0x110: {  	[tilespmem:s31], [sflag:$0x1] =	stream.linear.gather [hbm4b:s22+s1], $0x80, $0x38;
	[tilespmem:$0x10400] =	vst v63  }
0x111: {  	s22 =	sor.u32 s24, s23  }
0x112: {  	s26 =	spop (v2sf);
	s22 =	sshrl.u32 s22, $0x3  }
0x113: {  	s25 =	sadd.s32 $0xA80, s21;
	s28 =	spop (v2sf);
	s22 =	sadd.s32 s3, s22  }
0x114: {  	[tilespmem:s25], [sflag:$0x1] =	stream.linear.gather [hbm4b:s22+s1], $0x80, $0x38;
	[tilespmem:$0x10400] =	vst v63  }
0x115: {  	s22 =	sor.u32 s28, s26  }
0x116: {  	s22 =	sshrl.u32 s22, $0x3  }
0x117: {  	s29 =	sadd.s32 $0xB00, s21;
	s22 =	sadd.s32 s3, s22  }
0x118: {  	[tilespmem:s29], [sflag:$0x1] =	stream.linear.gather [hbm4b:s22+s1], $0x80, $0x38;
	[tilespmem:$0x10400] =	vst v63  }
0x119: {  	p0 =	sne.s32 s20, $0x1E000;
	s30 =	spop (v2sf)  }
.Ltmp2:
0x11a: {  	s31 =	spop (v2sf);
	(pc) =	sbr.rel @p0 .LBB2_6-.Ltmp2, $4  }
0x11b: {  	s22 =	sor.u32 s31, s30  }
0x11c: {  	s19 =	sadd.s32 $0x10, s19;
	s22 =	sshrl.u32 s22, $0x3  }
0x11d: {  	s20 =	sadd.s32 $0x2000, s20;
	s21 =	sadd.s32 $0xB80, s21;
	s22 =	sadd.s32 s3, s22  }
0x11e: {  	[tilespmem:s21], [sflag:$0x1] =	stream.linear.gather [hbm4b:s22+s1], $0x80, $0x38;
	[tilespmem:$0x10400] =	vst v63  }
0x11f: {  	_ =	swait.ge [sflag:s16], $0x8000  }
0x120: {  	[sflag:s16] =	ssyncset.done $0x0  }
0x121: {  	s19 =	simm.s32 $0x0;
	[sflag:s16] =	ssyncadd.s32 $0xFFFF8000  }
0x122: {  	[hbm4b:s8+s19] =	stream.linear.scatter [tilespmem:s17], [sflag:$0x3], $0x8000, $0x38;
	[tilespmem:$0x10400] =	vst v63  }
0x123: {  	_ =	swait.ge [sflag:s12], $0x8000  }
0x124: {  	[sflag:s12] =	ssyncset.done $0x0  }
0x125: {  	s20 =	simm.s32 $0x0;
	[sflag:s12] =	ssyncadd.s32 $0xFFFF8000  }
.LBB2_8:
0x126: {  	s21 =	sand.u32 $0xF0, s19  }
0x127: {  	v0 =	vld [tilespmem:s21+$0x300];
	_ =	sdelay $0x4  }
0x128: {  	v1 =	vshrl.u32 v0, $0x3  }
0x129: {  	v0 =	vand.u32 $0x7, v0;
	v1 =	vshll.u32 v1, $0xA  }
0x12a: {  	v0 =	vshll.u32 v0, $0x7;
	(v2sf) =	vpush v1, $0x0  }
0x12b: {  	(v2sf) =	vpush v0, $0x0;
	_ =	sdelay $0x2  }
0x12c: {  	(v2sf) =	vpush v1, $0x1  }
0x12d: {  	(v2sf) =	vpush v0, $0x1;
	_ =	sdelay $0x1  }
0x12e: {  	(v2sf) =	vpush v1, $0x2;
	_ =	sdelay $0x1  }
0x12f: {  	(v2sf) =	vpush v0, $0x2;
	_ =	sdelay $0x5  }
0x130: {  	s24 =	spop (v2sf);
	(v2sf) =	vpush v1, $0x3  }
0x131: {  	s22 =	spop (v2sf);
	(v2sf) =	vpush v0, $0x3;
	_ =	sdelay $0x2  }
0x132: {  	s25 =	spop (v2sf);
	(v2sf) =	vpush v1, $0x4  }
0x133: {  	s26 =	spop (v2sf);
	(v2sf) =	vpush v0, $0x4;
	_ =	sdelay $0x1  }
0x134: {  	s29 =	spop (v2sf);
	(v2sf) =	vpush v1, $0x5;
	_ =	sdelay $0x1  }
0x135: {  	s30 =	spop (v2sf);
	(v2sf) =	vpush v0, $0x5;
	_ =	sdelay $0x1  }
0x136: {  	s22 =	sor.u32 s22, s24  }
0x137: {  	s21 =	sshra.s32 s20, $0x2;
	s22 =	sshrl.u32 s22, $0x3  }
0x138: {  	s23 =	sadd.s32 $0x8400, s21;
	s22 =	sadd.s32 s4, s22  }
0x139: {  	[tilespmem:s23], [sflag:$0x2] =	stream.linear.gather [hbm4b:s22+s1], $0x80, $0x38;
	[tilespmem:$0x10400] =	vst v63  }
0x13a: {  	s22 =	sor.u32 s26, s25;
	s23 =	spop (v2sf);
	(v2sf) =	vpush v1, $0x6  }
0x13b: {  	s22 =	sshrl.u32 s22, $0x3;
	s24 =	spop (v2sf);
	(v2sf) =	vpush v0, $0x6  }
0x13c: {  	s28 =	sadd.s32 $0x8480, s21;
	s22 =	sadd.s32 s4, s22  }
0x13d: {  	[tilespmem:s28], [sflag:$0x2] =	stream.linear.gather [hbm4b:s22+s1], $0x80, $0x38;
	[tilespmem:$0x10400] =	vst v63  }
0x13e: {  	s26 =	spop (v2sf);
	(v2sf) =	vpush v1, $0x7  }
0x13f: {  	s22 =	sor.u32 s30, s29;
	s28 =	spop (v2sf);
	(v2sf) =	vpush v0, $0x7  }
0x140: {  	s22 =	sshrl.u32 s22, $0x3  }
0x141: {  	s31 =	sadd.s32 $0x8500, s21;
	s22 =	sadd.s32 s4, s22;
	s30 =	spop (v2sf);
	(v2sf) =	vpush v1, $0x8  }
0x142: {  	[tilespmem:s31], [sflag:$0x2] =	stream.linear.gather [hbm4b:s22+s1], $0x80, $0x38;
	[tilespmem:$0x10400] =	vst v63  }
0x143: {  	s31 =	spop (v2sf);
	(v2sf) =	vpush v0, $0x8  }
0x144: {  	s22 =	sor.u32 s24, s23  }
0x145: {  	s22 =	sshrl.u32 s22, $0x3  }
0x146: {  	s25 =	sadd.s32 $0x8580, s21;
	s22 =	sadd.s32 s4, s22  }
0x147: {  	[tilespmem:s25], [sflag:$0x2] =	stream.linear.gather [hbm4b:s22+s1], $0x80, $0x38;
	[tilespmem:$0x10400] =	vst v63  }
0x148: {  	s22 =	sor.u32 s28, s26  }
0x149: {  	s22 =	sshrl.u32 s22, $0x3;
	s25 =	spop (v2sf);
	(v2sf) =	vpush v1, $0x9  }
0x14a: {  	s29 =	sadd.s32 $0x8600, s21;
	s22 =	sadd.s32 s4, s22;
	s26 =	spop (v2sf);
	(v2sf) =	vpush v0, $0x9  }
0x14b: {  	[tilespmem:s29], [sflag:$0x2] =	stream.linear.gather [hbm4b:s22+s1], $0x80, $0x38;
	[tilespmem:$0x10400] =	vst v63  }
0x14c: {  	s22 =	sor.u32 s31, s30  }
0x14d: {  	s22 =	sshrl.u32 s22, $0x3;
	s29 =	spop (v2sf);
	(v2sf) =	vpush v1, $0xA  }
0x14e: {  	s24 =	sadd.s32 $0x8680, s21;
	s22 =	sadd.s32 s4, s22;
	s30 =	spop (v2sf);
	(v2sf) =	vpush v0, $0xA  }
0x14f: {  	[tilespmem:s24], [sflag:$0x2] =	stream.linear.gather [hbm4b:s22+s1], $0x80, $0x38;
	[tilespmem:$0x10400] =	vst v63  }
0x150: {  	s22 =	sor.u32 s26, s25;
	s23 =	spop (v2sf);
	(v2sf) =	vpush v1, $0xB  }
0x151: {  	s22 =	sshrl.u32 s22, $0x3  }
0x152: {  	s28 =	sadd.s32 $0x8700, s21;
	s22 =	sadd.s32 s4, s22;
	s24 =	spop (v2sf);
	(v2sf) =	vpush v0, $0xB  }
0x153: {  	[tilespmem:s28], [sflag:$0x2] =	stream.linear.gather [hbm4b:s22+s1], $0x80, $0x38;
	[tilespmem:$0x10400] =	vst v63  }
0x154: {  	s22 =	sor.u32 s30, s29  }
0x155: {  	s22 =	sshrl.u32 s22, $0x3  }
0x156: {  	s31 =	sadd.s32 $0x8780, s21;
	s22 =	sadd.s32 s4, s22  }
0x157: {  	[tilespmem:s31], [sflag:$0x2] =	stream.linear.gather [hbm4b:s22+s1], $0x80, $0x38;
	[tilespmem:$0x10400] =	vst v63  }
0x158: {  	s22 =	sor.u32 s24, s23;
	s26 =	spop (v2sf);
	(v2sf) =	vpush v1, $0xC  }
0x159: {  	s22 =	sshrl.u32 s22, $0x3;
	s28 =	spop (v2sf);
	(v2sf) =	vpush v0, $0xC  }
0x15a: {  	s25 =	sadd.s32 $0x8800, s21;
	s22 =	sadd.s32 s4, s22  }
0x15b: {  	[tilespmem:s25], [sflag:$0x2] =	stream.linear.gather [hbm4b:s22+s1], $0x80, $0x38;
	[tilespmem:$0x10400] =	vst v63  }
0x15c: {  	s30 =	spop (v2sf);
	(v2sf) =	vpush v1, $0xD  }
0x15d: {  	s22 =	sor.u32 s28, s26;
	s31 =	spop (v2sf);
	(v2sf) =	vpush v0, $0xD  }
0x15e: {  	s22 =	sshrl.u32 s22, $0x3  }
0x15f: {  	s29 =	sadd.s32 $0x8880, s21;
	s22 =	sadd.s32 s4, s22;
	s25 =	spop (v2sf)  }
0x160: {  	(v2sf) =	vpush v1, $0xE;
	[tilespmem:s29], [sflag:$0x2] =	stream.linear.gather [hbm4b:s22+s1], $0x80, $0x38;
	[tilespmem:$0x10400] =	vst v63  }
0x161: {  	s26 =	spop (v2sf);
	(v2sf) =	vpush v0, $0xE  }
0x162: {  	s22 =	sor.u32 s31, s30  }
0x163: {  	s22 =	sshrl.u32 s22, $0x3  }
0x164: {  	s24 =	sadd.s32 $0x8900, s21;
	s22 =	sadd.s32 s4, s22  }
0x165: {  	[tilespmem:s24], [sflag:$0x2] =	stream.linear.gather [hbm4b:s22+s1], $0x80, $0x38;
	[tilespmem:$0x10400] =	vst v63  }
0x166: {  	s22 =	sor.u32 s26, s25  }
0x167: {  	s22 =	sshrl.u32 s22, $0x3;
	s29 =	spop (v2sf);
	(v2sf) =	vpush v1, $0xF  }
0x168: {  	s28 =	sadd.s32 $0x8980, s21;
	s22 =	sadd.s32 s4, s22;
	s30 =	spop (v2sf);
	(v2sf) =	vpush v0, $0xF  }
0x169: {  	[tilespmem:s28], [sflag:$0x2] =	stream.linear.gather [hbm4b:s22+s1], $0x80, $0x38;
	[tilespmem:$0x10400] =	vst v63  }
0x16a: {  	s22 =	sor.u32 s30, s29  }
0x16b: {  	s23 =	spop (v2sf);
	s22 =	sshrl.u32 s22, $0x3  }
0x16c: {  	s31 =	sadd.s32 $0x8A00, s21;
	s24 =	spop (v2sf);
	s22 =	sadd.s32 s4, s22  }
0x16d: {  	[tilespmem:s31], [sflag:$0x2] =	stream.linear.gather [hbm4b:s22+s1], $0x80, $0x38;
	[tilespmem:$0x10400] =	vst v63  }
0x16e: {  	s22 =	sor.u32 s24, s23  }
0x16f: {  	s26 =	spop (v2sf);
	s22 =	sshrl.u32 s22, $0x3  }
0x170: {  	s25 =	sadd.s32 $0x8A80, s21;
	s28 =	spop (v2sf);
	s22 =	sadd.s32 s4, s22  }
0x171: {  	[tilespmem:s25], [sflag:$0x2] =	stream.linear.gather [hbm4b:s22+s1], $0x80, $0x38;
	[tilespmem:$0x10400] =	vst v63  }
0x172: {  	s22 =	sor.u32 s28, s26  }
0x173: {  	s22 =	sshrl.u32 s22, $0x3  }
0x174: {  	s29 =	sadd.s32 $0x8B00, s21;
	s22 =	sadd.s32 s4, s22  }
0x175: {  	[tilespmem:s29], [sflag:$0x2] =	stream.linear.gather [hbm4b:s22+s1], $0x80, $0x38;
	[tilespmem:$0x10400] =	vst v63  }
0x176: {  	p0 =	sne.s32 s20, $0x1E000;
	s30 =	spop (v2sf)  }
.Ltmp3:
0x177: {  	s31 =	spop (v2sf);
	(pc) =	sbr.rel @p0 .LBB2_8-.Ltmp3, $4  }
0x178: {  	s22 =	sor.u32 s31, s30  }
0x179: {  	s19 =	sadd.s32 $0x10, s19;
	s22 =	sshrl.u32 s22, $0x3  }
0x17a: {  	s20 =	sadd.s32 $0x2000, s20;
	s21 =	sadd.s32 $0x8B80, s21;
	s22 =	sadd.s32 s4, s22  }
0x17b: {  	[tilespmem:s21], [sflag:$0x2] =	stream.linear.gather [hbm4b:s22+s1], $0x80, $0x38;
	[tilespmem:$0x10400] =	vst v63  }
0x17c: {  	_ =	swait.ge [sflag:s14], $0x8000  }
0x17d: {  	[sflag:s14] =	ssyncset.done $0x0  }
0x17e: {  	[sflag:s14] =	ssyncadd.s32 $0xFFFF8000  }
0x17f: {  	[hbm4b:s9+s1] =	stream.linear.scatter [tilespmem:s15], [sflag:$0x3], $0x8000, $0x38;
	[tilespmem:$0x10400] =	vst v63  }
0x180: {  	_ =	swait.ge [sflag:s12], $0x8000  }
0x181: {  	[sflag:s12] =	ssyncset.done $0x0  }
0x182: {  	[sflag:s12] =	ssyncadd.s32 $0xFFFF8000  }
0x183: {  	s18 =	sadd.s32 $0x1, s18;
	_ =	swait.ge [sflag:s16], $0x8000  }
0x184: {  	p0 =	sne.s32 s18, s11;
	[sflag:s16] =	ssyncset.done $0x0  }
.Ltmp4:
0x185: {  	[sflag:s16] =	ssyncadd.s32 $0xFFFF8000;
	(pc) =	sbr.rel @p0 .LBB2_1-.Ltmp4, $4  }
0x186: {  	[hbm4b:s10+s1] =	stream.linear.scatter [tilespmem:s17], [sflag:$0x3], $0x8000, $0x38;
	[tilespmem:$0x10400] =	vst v63  }
0x187: {  	_ =	swait.ge [sflag:s12], $0x8000  }
0x188: {  	[sflag:s12] =	ssyncset.done $0x0  }
0x189: {  	[sflag:s12] =	ssyncadd.s32 $0xFFFF8000  }
0x18a: {  	_ =	sfence.sel $0x180000  }
0x18b: {  	[bflag:$0x0] =	sbarrier.arrive $0xFFFF  }
0x18c: {  	p0 =	sne.s32 s2, $0x0;
	_ =	strace $0x90000047  }
0x18d: {  	s0 =	sadd.s32 @!p0 $0x100000, s0;
	[bflag:$0x2] =	sbarrier.arrive $0xFFFF  }
0x18e: {  	[sflag:s0] =	ssyncadd.tile.s32 @!p0 $0x1;
	_ =	shalt  }
.Lfunc_end2:
_tile_overlayer_lowered:
.L_overlay_start_2:
0x18f: {  	(tag) =	ssettag $0x2  }
0x190: {  	s0 =	rddreg [dreg:$0x0];
	s2 =	stileid.u32  }
0x191: {  	s1 =	rddreg [dreg:$0x1];
	p0 =	sne.s32 s2, $0x0  }
0x192: {  	s3 =	rddreg [dreg:$0x2];
	[bflag:$0x3] =	sbarrier.arrive $0xFFFF;
	s2 =	simm.s32 @!p0 $0x1C03  }
0x193: {  	[timem:s3], [sflag:s2] =	dma.local @!p0 [hbm:s0], s1  }
0x194: {  	s0 =	simm.s32 @!p0 $0x3  }
0x195: {  	_ =	swait.ge @!p0 [sflag:s0], s1  }
0x196: {  	s1 =	ssub.s32 @!p0 $0x0, s1;
	[sflag:s0] =	ssyncset.done @!p0 $0x0  }
0x197: {  	[sflag:s0] =	ssyncadd.s32 @!p0 s1  }
0x198: {  	[bflag:$0x3] =	sbarrier.arrive $0xFFFF  }
0x199: {  	_ =	shalt  }

</sc_bundles>
